<compile_context>
chip_gen: v7x
topology: tpu7x:2x2x1
jax: 0.10.2.dev20260603
libtpu: 0.0.44.dev20260713+nightly
codegen_flags: <defaults>
</compile_context>

<pallas_src>
import functools

import jax
import jax.numpy as jnp
from jax import lax
from jax.experimental import pallas as pl
from jax.experimental.pallas import tpu as pltpu
from jax.experimental.pallas import tpu_sc as plsc

N = 10000
E = 320000
NPAD = 10240
PT = NPAD // 16
CH = 125
NCH = (E // 16) // CH
NCHE = NCH + 4
CHD = 80
NCHD = (E // 32) // CHD
F2 = 64

_mesh = plsc.VectorSubcoreMesh(core_axis_name="c", subcore_axis_name="s")


@functools.partial(
    pl.kernel,
    out_type=jax.ShapeDtypeStruct((2 * NPAD,), jnp.float32),
    mesh=_mesh,
    scratch_types=[
        pltpu.VMEM((NCHD, CHD), jnp.int32),
        pltpu.VMEM((CHD,), jnp.float32),
        pltpu.VMEM_SHARED((NPAD,), jnp.float32),
    ],
)
def _deg_kernel(dst_hbm, zeros_hbm, out_hbm, dst_v, ones_v, acc_sh):
    c = lax.axis_index("c")
    s = lax.axis_index("s")
    w = c * 16 + s
    pltpu.sync_copy(dst_hbm.at[w], dst_v)
    pltpu.sync_copy(zeros_hbm.at[pl.ds(s * PT, PT)], acc_sh.at[pl.ds(s * PT, PT)])
    for i in range(CHD // 16):
        ones_v[pl.ds(i * 16, 16)] = jnp.ones((16,), jnp.float32)
    plsc.subcore_barrier()

    def step(j, carry):
        pltpu.sync_copy(ones_v, acc_sh.at[dst_v.at[j]], add=True)
        return carry

    lax.fori_loop(0, NCHD, step, 0)
    plsc.subcore_barrier()
    pltpu.sync_copy(acc_sh.at[pl.ds(s * PT, PT)],
                    out_hbm.at[pl.ds(c * NPAD + s * PT, PT)])


def _make_agg(npasses):
    npanel = 2 * npasses

    @functools.partial(
        pl.kernel,
        out_type=jax.ShapeDtypeStruct((npanel * NPAD, F2), jnp.float32),
        mesh=_mesh,
        compiler_params=pltpu.CompilerParams(use_tc_tiling_on_sc=False),
        scratch_types=[
            pltpu.VMEM((NCHE, CH), jnp.int32),
            pltpu.VMEM((NCHE, CH), jnp.int32),
            [pltpu.VMEM((CH, F2), jnp.float32) for _ in range(4)],
            pltpu.VMEM_SHARED((NPAD, F2), jnp.float32),
            [pltpu.SemaphoreType.DMA for _ in range(4)],
            [pltpu.SemaphoreType.DMA for _ in range(4)],
        ],
    )
    def agg_kernel(g_hbm, srcoff_hbm, dst_hbm, out_hbm,
                   src_v, dst_v, rbufs, acc_sh, sg, ss):
        c = lax.axis_index("c")
        s = lax.axis_index("s")
        pltpu.sync_copy(dst_hbm.at[s], dst_v)
        for p in range(npasses):
            q = c * npasses + p
            pltpu.sync_copy(srcoff_hbm.at[q * 16 + s], src_v)
            pltpu.sync_copy(g_hbm.at[pl.ds(q * NPAD + s * PT, PT)],
                            acc_sh.at[pl.ds(s * PT, PT)])
            plsc.subcore_barrier()
            for b in range(3):
                pltpu.async_copy(g_hbm.at[src_v.at[b]], rbufs[b], sg[b])
            pltpu.async_copy(rbufs[3], acc_sh.at[dst_v.at[NCHE - 1]], ss[3],
                             add=True)

            def ring(jj, carry):
                for b in range(4):
                    j = 4 * jj + b
                    bn = (b + 3) % 4
                    pltpu.make_async_copy(
                        g_hbm.at[src_v.at[0]], rbufs[b], sg[b]).wait()
                    pltpu.async_copy(rbufs[b], acc_sh.at[dst_v.at[j]],
                                     ss[b], add=True)
                    pltpu.make_async_copy(
                        rbufs[bn], acc_sh.at[dst_v.at[0]], ss[bn]).wait()
                    pltpu.async_copy(
                        g_hbm.at[src_v.at[jnp.minimum(j + 3, NCHE - 1)]],
                        rbufs[bn], sg[bn])
                return carry

            lax.fori_loop(0, NCHE // 4, ring, 0)
            for b in (0, 1, 2):
                pltpu.make_async_copy(
                    g_hbm.at[src_v.at[0]], rbufs[b], sg[b]).wait()
            pltpu.make_async_copy(
                rbufs[3], acc_sh.at[dst_v.at[0]], ss[3]).wait()
            plsc.subcore_barrier()
            pltpu.sync_copy(acc_sh.at[pl.ds(s * PT, PT)],
                            out_hbm.at[pl.ds(q * NPAD + s * PT, PT)])

    return agg_kernel


_agg_conv1 = _make_agg(2)
_agg_conv2 = _make_agg(1)


def _mm1(x_pad, W1, degflat):
    W1_r = jnp.stack([W1[:, i * F2:(i + 1) * F2] for i in range(4)])

    def body(x_ref, w_ref, d0_ref, d1_ref, g_ref, u_ref):
        u = lax.rsqrt(1.0 + d0_ref[...] + d1_ref[...])
        g_ref[...] = jnp.dot(x_ref[...], w_ref[0],
                             preferred_element_type=jnp.float32) * u
        u_ref[...] = u

    return pl.pallas_call(
        body,
        grid=(4, 16),
        in_specs=[
            pl.BlockSpec((PT, 256), lambda q, i: (i, 0)),
            pl.BlockSpec((1, 256, F2), lambda q, i: (q, 0, 0)),
            pl.BlockSpec((PT, 1), lambda q, i: (i, 0)),
            pl.BlockSpec((PT, 1), lambda q, i: (16 + i, 0)),
        ],
        out_specs=[
            pl.BlockSpec((PT, F2), lambda q, i: (q * 16 + i, 0)),
            pl.BlockSpec((PT, 1), lambda q, i: (i, 0)),
        ],
        out_shape=[
            jax.ShapeDtypeStruct((4 * NPAD, F2), jnp.float32),
            jax.ShapeDtypeStruct((NPAD, 1), jnp.float32),
        ],
    )(x_pad, W1_r, degflat, degflat)


def _mm2(s1, u, b1, W_mu):
    W_mu_r = W_mu.reshape(4, F2, 2, F2).transpose(2, 0, 1, 3)

    def body(s0_ref, s1_ref, s2_ref, s3_ref, u_ref, b_ref, w_ref, g_ref):
        u = u_ref[...]
        acc = jnp.zeros_like(g_ref)
        for qq, s_ref in enumerate((s0_ref, s1_ref, s2_ref, s3_ref)):
            h = jnp.maximum(u * s_ref[...] + b_ref[:, qq * F2:(qq + 1) * F2],
                            0.0)
            acc += jnp.dot(h, w_ref[0, qq],
                           preferred_element_type=jnp.float32)
        g_ref[...] = acc * u

    return pl.pallas_call(
        body,
        grid=(2, 16),
        in_specs=[
            pl.BlockSpec((PT, F2), lambda c, i: (0 * 16 + i, 0)),
            pl.BlockSpec((PT, F2), lambda c, i: (1 * 16 + i, 0)),
            pl.BlockSpec((PT, F2), lambda c, i: (2 * 16 + i, 0)),
            pl.BlockSpec((PT, F2), lambda c, i: (3 * 16 + i, 0)),
            pl.BlockSpec((PT, 1), lambda c, i: (i, 0)),
            pl.BlockSpec((1, 256), lambda c, i: (0, 0)),
            pl.BlockSpec((1, 4, F2, F2), lambda c, i: (c, 0, 0, 0)),
        ],
        out_specs=pl.BlockSpec((PT, F2), lambda c, i: (c * 16 + i, 0)),
        out_shape=jax.ShapeDtypeStruct((2 * NPAD, F2), jnp.float32),
    )(s1, s1, s1, s1, u, b1.reshape(1, 256), W_mu_r)


def _final(s2, u, b_mu):
    def body(sa_ref, sb_ref, u_ref, b_ref, o_ref):
        o_ref[:, :F2] = u_ref[...] * sa_ref[...] + b_ref[:, :F2]
        o_ref[:, F2:] = u_ref[...] * sb_ref[...] + b_ref[:, F2:]

    return pl.pallas_call(
        body,
        grid=(16,),
        in_specs=[
            pl.BlockSpec((PT, F2), lambda i: (i, 0)),
            pl.BlockSpec((PT, F2), lambda i: (16 + i, 0)),
            pl.BlockSpec((PT, 1), lambda i: (i, 0)),
            pl.BlockSpec((1, 128), lambda i: (0, 0)),
        ],
        out_specs=pl.BlockSpec((PT, 128), lambda i: (i, 0)),
        out_shape=jax.ShapeDtypeStruct((NPAD, 128), jnp.float32),
    )(s2, s2, u, b_mu.reshape(1, 128))


def kernel(x, edge_index, y_edge_index, W_p, b_p, W1, b1, W_mu, b_mu, W_ls, b_ls):
    src = jnp.concatenate([edge_index[0], y_edge_index[0]])
    dst = jnp.concatenate([edge_index[1], y_edge_index[1]])

    pad_rows = (N + (jnp.arange(16 * (NCHE - NCH) * CH, dtype=jnp.int32)
                     % (NPAD - N))).reshape(16, NCHE - NCH, CH)
    src_r = jnp.concatenate([src.reshape(16, NCH, CH), pad_rows], axis=1)
    srcoff = jnp.reshape(
        jnp.stack([src_r + q * NPAD for q in range(4)]), (64, NCHE, CH))
    dst_r = jnp.concatenate([dst.reshape(16, NCH, CH), pad_rows], axis=1)
    dst_deg = dst.reshape(32, NCHD, CHD)
    zeros_pad = jnp.zeros((NPAD,), jnp.float32)

    degflat = _deg_kernel(dst_deg, zeros_pad)

    x_pad = jnp.pad(x, ((0, NPAD - N), (0, 0)))
    g1, u = _mm1(x_pad, W1, degflat.reshape(2 * NPAD, 1))

    s1 = _agg_conv1(g1, srcoff, dst_r)
    g2 = _mm2(s1, u, b1, W_mu)

    s2 = _agg_conv2(g2, srcoff, dst_r)
    out = _final(s2, u, b_mu)
    return out[:N]

# --- scband reference (transcript-rebuilt; emitter-appended) ---
"""Pipeline reference for scband-cgvae-37117107372140 (READ-ONLY COPY).

The authoritative reference and input builder live on the scoring server;
editing this copy changes nothing except your own understanding.
"""

import jax, jax.numpy as jnp
import numpy as np

N = 10000
E = 160000
IN = 256
H = 256
L = 128


def setup_inputs(seed: int = 0) -> dict:
    key = jax.random.key(seed)
    ks = jax.random.split(key, 12)
    x = jax.random.normal(ks[0], (N, IN), dtype=jnp.float32)
    edge_index = jax.random.randint(ks[1], (2, E), 0, N, dtype=jnp.int32)
    y_edge_index = jax.random.randint(ks[2], (2, E), 0, N, dtype=jnp.int32)
    # learned parameters (GCNConv weights/biases)
    W_p = jax.random.normal(ks[3], (IN, L), dtype=jnp.float32) * 0.05
    b_p = jnp.zeros((L,), dtype=jnp.float32)
    W1 = jax.random.normal(ks[4], (IN, H), dtype=jnp.float32) * 0.05
    b1 = jnp.zeros((H,), dtype=jnp.float32)
    W_mu = jax.random.normal(ks[5], (H, L), dtype=jnp.float32) * 0.05
    b_mu = jnp.zeros((L,), dtype=jnp.float32)
    W_ls = jax.random.normal(ks[6], (H, L), dtype=jnp.float32) * 0.05
    b_ls = jnp.zeros((L,), dtype=jnp.float32)
    return {"x": x, "edge_index": edge_index, "y_edge_index": y_edge_index,
            "W_p": W_p, "b_p": b_p, "W1": W1, "b1": b1,
            "W_mu": W_mu, "b_mu": b_mu, "W_ls": W_ls, "b_ls": b_ls}


def _gcn_conv(x, W, b, edge_index):
    # GCNConv with self-loops and symmetric normalization (PyG default)
    n = x.shape[0]
    src = edge_index[0]
    dst = edge_index[1]
    loop = jnp.arange(n, dtype=edge_index.dtype)
    src = jnp.concatenate([src, loop])
    dst = jnp.concatenate([dst, loop])
    h = x @ W
    deg = jnp.zeros((n,), dtype=h.dtype).at[dst].add(1.0)
    dinv = jnp.where(deg > 0, 1.0 / jnp.sqrt(deg), 0.0)
    norm = dinv[src] * dinv[dst]
    msg = h[src] * norm[:, None]
    out = jnp.zeros((n, W.shape[1]), dtype=h.dtype).at[dst].add(msg)
    return out + b


def reference(x, edge_index, y_edge_index, W_p, b_p, W1, b1, W_mu, b_mu, W_ls, b_ls):
    # prior_net: Encoder2 -> single GCNConv on masked_x edges only
    prior_mu = _gcn_conv(x, W_p, b_p, edge_index)
    # recognition_net: Encoder with combined edges (masked_x + masked_y)
    combined = jnp.concatenate([edge_index, y_edge_index], axis=1)
    h = jax.nn.relu(_gcn_conv(x, W1, b1, combined))
    posterior_mu = _gcn_conv(h, W_mu, b_mu, combined)
    posterior_logstd = _gcn_conv(h, W_ls, b_ls, combined)
    # reparametrize (eval mode / deterministic): z = mu
    z = posterior_mu
    return z

if __name__ == "__main__":
    import jax
    _d = setup_inputs()
    print(jax.jit(kernel)(*tuple(_d.values())))

</pallas_src>

<mosaic_0001>
#map = affine_map<(d0, d1) -> (0, 0)>
#map1 = affine_map<(d0, d1) -> (0, 0, 0)>
module attributes {stable_mosaic.version = 14 : i64} {
  func.func @agg_kernel(%arg0: i32, %arg1: i32, %arg2: memref<40960x64xf32, #tpu.memory_space<hbm>>, %arg3: memref<64x164x125xi32, #tpu.memory_space<hbm>>, %arg4: memref<16x164x125xi32, #tpu.memory_space<hbm>>, %arg5: memref<40960x64xf32, #tpu.memory_space<hbm>>, %arg6: memref<164x125xi32, #tpu.memory_space<vmem>>, %arg7: memref<164x125xi32, #tpu.memory_space<vmem>>, %arg8: memref<125x64xf32, #tpu.memory_space<vmem>>, %arg9: memref<125x64xf32, #tpu.memory_space<vmem>>, %arg10: memref<125x64xf32, #tpu.memory_space<vmem>>, %arg11: memref<125x64xf32, #tpu.memory_space<vmem>>, %arg12: memref<10240x64xf32, #tpu.memory_space<vmem_shared>>, %arg13: memref<!tpu.dma_semaphore, #tpu.memory_space<semaphore_mem>>, %arg14: memref<!tpu.dma_semaphore, #tpu.memory_space<semaphore_mem>>, %arg15: memref<!tpu.dma_semaphore, #tpu.memory_space<semaphore_mem>>, %arg16: memref<!tpu.dma_semaphore, #tpu.memory_space<semaphore_mem>>, %arg17: memref<!tpu.dma_semaphore, #tpu.memory_space<semaphore_mem>>, %arg18: memref<!tpu.dma_semaphore, #tpu.memory_space<semaphore_mem>>, %arg19: memref<!tpu.dma_semaphore, #tpu.memory_space<semaphore_mem>>, %arg20: memref<!tpu.dma_semaphore, #tpu.memory_space<semaphore_mem>>) attributes {dimension_semantics = [#tpu.dimension_semantics<core_parallel>, #tpu.dimension_semantics<subcore_parallel>], iteration_bounds = array<i64: 2, 16>, scalar_prefetch = 0 : i64, scratch_operands = 15 : i64, tpu.core_type = #tpu.core_type<sc_vector_subcore>, window_params = [{transform_indices = #map}, {transform_indices = #map1}, {transform_indices = #map1}, {transform_indices = #map}]} {
    "tpu.region"() ({
      %run_scoped3A = tpu.sem_alloc : memref<!tpu.dma_semaphore, #tpu.memory_space<semaphore_mem>>
      %dma_start3A_164 = arith.constant 0 : i32
      %dma_start3A_165 = arith.constant 0 : i32
      %dma_start3A_166 = tpu.memref_slice %arg4[%arg1, %dma_start3A_164, %dma_start3A_165] : memref<16x164x125xi32, #tpu.memory_space<hbm>> -> memref<1x164x125xi32, #tpu.memory_space<hbm>>
      %dma_start3A_167 = tpu.memref_squeeze %dma_start3A_166 : memref<1x164x125xi32, #tpu.memory_space<hbm>> -> memref<164x125xi32, #tpu.memory_space<hbm>>
      %dma_start3A_168 = arith.constant 0 : i32
      %dma_start3A_169 = arith.constant 0 : i32
      %dma_start3A_170 = tpu.memref_slice %arg4[%arg1, %dma_start3A_168, %dma_start3A_169] : memref<16x164x125xi32, #tpu.memory_space<hbm>> -> memref<1x164x125xi32, #tpu.memory_space<hbm>>
      %dma_start3A_171 = tpu.memref_squeeze %dma_start3A_170 : memref<1x164x125xi32, #tpu.memory_space<hbm>> -> memref<164x125xi32, #tpu.memory_space<hbm>>
      tpu.enqueue_dma source(%dma_start3A_171 : memref<164x125xi32, #tpu.memory_space<hbm>>) target(%arg7 : memref<164x125xi32, #tpu.memory_space<vmem>>) target_semaphore(%run_scoped3A : memref<!tpu.dma_semaphore, #tpu.memory_space<semaphore_mem>>)
      %dma_wait3A_172 = arith.constant 0 : i32
      %dma_wait3A_173 = arith.constant 0 : i32
      %dma_wait3A_174 = tpu.memref_slice %arg4[%arg1, %dma_wait3A_172, %dma_wait3A_173] : memref<16x164x125xi32, #tpu.memory_space<hbm>> -> memref<1x164x125xi32, #tpu.memory_space<hbm>>
      %dma_wait3A_175 = tpu.memref_squeeze %dma_wait3A_174 : memref<1x164x125xi32, #tpu.memory_space<hbm>> -> memref<164x125xi32, #tpu.memory_space<hbm>>
      %dma_wait3A_176 = arith.constant 0 : i32
      %dma_wait3A_177 = arith.constant 0 : i32
      %dma_wait3A_178 = tpu.memref_slice %arg4[%arg1, %dma_wait3A_176, %dma_wait3A_177] : memref<16x164x125xi32, #tpu.memory_space<hbm>> -> memref<1x164x125xi32, #tpu.memory_space<hbm>>
      %dma_wait3A_179 = tpu.memref_squeeze %dma_wait3A_178 : memref<1x164x125xi32, #tpu.memory_space<hbm>> -> memref<164x125xi32, #tpu.memory_space<hbm>>
      tpu.wait_dma2 semaphore(%run_scoped3A : memref<!tpu.dma_semaphore, #tpu.memory_space<semaphore_mem>>) src(%dma_wait3A_179 : memref<164x125xi32, #tpu.memory_space<hbm>>) dst(%arg7 : memref<164x125xi32, #tpu.memory_space<vmem>>)
      tpu.yield
    }) : () -> ()
    %mul3A = arith.constant 2 : i32
    %mul3A_0 = arith.muli %arg0, %mul3A : i32
    %add3A = arith.constant 0 : i32
    %add3A_1 = arith.addi %mul3A_0, %add3A : i32
    %mul3A_2 = arith.constant 16 : i32
    %mul3A_3 = arith.muli %add3A_1, %mul3A_2 : i32
    %add3A_4 = arith.addi %mul3A_3, %arg1 : i32
    "tpu.region"() ({
      %run_scoped3A = tpu.sem_alloc : memref<!tpu.dma_semaphore, #tpu.memory_space<semaphore_mem>>
      %dma_start3A_164 = arith.constant 0 : i32
      %dma_start3A_165 = arith.constant 0 : i32
      %dma_start3A_166 = tpu.memref_slice %arg3[%add3A_4, %dma_start3A_164, %dma_start3A_165] : memref<64x164x125xi32, #tpu.memory_space<hbm>> -> memref<1x164x125xi32, #tpu.memory_space<hbm>>
      %dma_start3A_167 = tpu.memref_squeeze %dma_start3A_166 : memref<1x164x125xi32, #tpu.memory_space<hbm>> -> memref<164x125xi32, #tpu.memory_space<hbm>>
      %dma_start3A_168 = arith.constant 0 : i32
      %dma_start3A_169 = arith.constant 0 : i32
      %dma_start3A_170 = tpu.memref_slice %arg3[%add3A_4, %dma_start3A_168, %dma_start3A_169] : memref<64x164x125xi32, #tpu.memory_space<hbm>> -> memref<1x164x125xi32, #tpu.memory_space<hbm>>
      %dma_start3A_171 = tpu.memref_squeeze %dma_start3A_170 : memref<1x164x125xi32, #tpu.memory_space<hbm>> -> memref<164x125xi32, #tpu.memory_space<hbm>>
      tpu.enqueue_dma source(%dma_start3A_171 : memref<164x125xi32, #tpu.memory_space<hbm>>) target(%arg6 : memref<164x125xi32, #tpu.memory_space<vmem>>) target_semaphore(%run_scoped3A : memref<!tpu.dma_semaphore, #tpu.memory_space<semaphore_mem>>)
      %dma_wait3A_172 = arith.constant 0 : i32
      %dma_wait3A_173 = arith.constant 0 : i32
      %dma_wait3A_174 = tpu.memref_slice %arg3[%add3A_4, %dma_wait3A_172, %dma_wait3A_173] : memref<64x164x125xi32, #tpu.memory_space<hbm>> -> memref<1x164x125xi32, #tpu.memory_space<hbm>>
      %dma_wait3A_175 = tpu.memref_squeeze %dma_wait3A_174 : memref<1x164x125xi32, #tpu.memory_space<hbm>> -> memref<164x125xi32, #tpu.memory_space<hbm>>
      %dma_wait3A_176 = arith.constant 0 : i32
      %dma_wait3A_177 = arith.constant 0 : i32
      %dma_wait3A_178 = tpu.memref_slice %arg3[%add3A_4, %dma_wait3A_176, %dma_wait3A_177] : memref<64x164x125xi32, #tpu.memory_space<hbm>> -> memref<1x164x125xi32, #tpu.memory_space<hbm>>
      %dma_wait3A_179 = tpu.memref_squeeze %dma_wait3A_178 : memref<1x164x125xi32, #tpu.memory_space<hbm>> -> memref<164x125xi32, #tpu.memory_space<hbm>>
      tpu.wait_dma2 semaphore(%run_scoped3A : memref<!tpu.dma_semaphore, #tpu.memory_space<semaphore_mem>>) src(%dma_wait3A_179 : memref<164x125xi32, #tpu.memory_space<hbm>>) dst(%arg6 : memref<164x125xi32, #tpu.memory_space<vmem>>)
      tpu.yield
    }) : () -> ()
    %mul3A_5 = arith.constant 10240 : i32
    %mul3A_6 = arith.muli %add3A_1, %mul3A_5 : i32
    %mul3A_7 = arith.constant 640 : i32
    %mul3A_8 = arith.muli %arg1, %mul3A_7 : i32
    %add3A_9 = arith.addi %mul3A_6, %mul3A_8 : i32
    %mul3A_10 = arith.constant 640 : i32
    %mul3A_11 = arith.muli %arg1, %mul3A_10 : i32
    "tpu.region"() ({
      %run_scoped3A = tpu.sem_alloc : memref<!tpu.dma_semaphore, #tpu.memory_space<semaphore_mem>>
      %dma_start3A_164 = arith.constant 0 : i32
      %dma_start3A_165 = tpu.memref_slice %arg12[%mul3A_11, %dma_start3A_164] : memref<10240x64xf32, #tpu.memory_space<vmem_shared>> -> memref<640x64xf32, #tpu.memory_space<vmem_shared>>
      %dma_start3A_166 = arith.constant 0 : i32
      %dma_start3A_167 = tpu.memref_slice %arg2[%add3A_9, %dma_start3A_166] : memref<40960x64xf32, #tpu.memory_space<hbm>> -> memref<640x64xf32, #tpu.memory_space<hbm>>
      tpu.enqueue_dma source(%dma_start3A_167 : memref<640x64xf32, #tpu.memory_space<hbm>>) target(%dma_start3A_165 : memref<640x64xf32, #tpu.memory_space<vmem_shared>>) target_semaphore(%run_scoped3A : memref<!tpu.dma_semaphore, #tpu.memory_space<semaphore_mem>>)
      %dma_wait3A_168 = arith.constant 0 : i32
      %dma_wait3A_169 = tpu.memref_slice %arg12[%mul3A_11, %dma_wait3A_168] : memref<10240x64xf32, #tpu.memory_space<vmem_shared>> -> memref<640x64xf32, #tpu.memory_space<vmem_shared>>
      %dma_wait3A_170 = arith.constant 0 : i32
      %dma_wait3A_171 = tpu.memref_slice %arg2[%add3A_9, %dma_wait3A_170] : memref<40960x64xf32, #tpu.memory_space<hbm>> -> memref<640x64xf32, #tpu.memory_space<hbm>>
      tpu.wait_dma2 semaphore(%run_scoped3A : memref<!tpu.dma_semaphore, #tpu.memory_space<semaphore_mem>>) src(%dma_wait3A_171 : memref<640x64xf32, #tpu.memory_space<hbm>>) dst(%dma_wait3A_169 : memref<640x64xf32, #tpu.memory_space<vmem_shared>>)
      tpu.yield
    }) : () -> ()
    %barrier3A = arith.constant 0 : index
    tpu.barrier barrier_id(%barrier3A)
    %dma_start3A = arith.constant 0 : i32
    %dma_start3A_12 = arith.constant 0 : i32
    %dma_start3A_13 = tpu.memref_slice %arg6[%dma_start3A, %dma_start3A_12] : memref<164x125xi32, #tpu.memory_space<vmem>> -> memref<1x125xi32, #tpu.memory_space<vmem>>
    %dma_start3A_14 = tpu.memref_squeeze %dma_start3A_13 : memref<1x125xi32, #tpu.memory_space<vmem>> -> memref<125xi32, #tpu.memory_space<vmem>>
    %dma_start3A_15 = arith.constant 0 : i32
    %dma_start3A_16 = arith.constant 0 : i32
    %dma_start3A_17 = tpu.memref_slice %arg2[%dma_start3A_15, %dma_start3A_16] : memref<40960x64xf32, #tpu.memory_space<hbm>> -> memref<40960x64xf32, #tpu.memory_space<hbm>>
    tpu.enqueue_indirect_dma source(%dma_start3A_17 : memref<40960x64xf32, #tpu.memory_space<hbm>>) target(%arg8 : memref<125x64xf32, #tpu.memory_space<vmem>>) offsets(%dma_start3A_14 : memref<125xi32, #tpu.memory_space<vmem>>) semaphore(%arg13 : memref<!tpu.dma_semaphore, #tpu.memory_space<semaphore_mem>>)
    %dma_start3A_18 = arith.constant 1 : i32
    %dma_start3A_19 = arith.constant 0 : i32
    %dma_start3A_20 = tpu.memref_slice %arg6[%dma_start3A_18, %dma_start3A_19] : memref<164x125xi32, #tpu.memory_space<vmem>> -> memref<1x125xi32, #tpu.memory_space<vmem>>
    %dma_start3A_21 = tpu.memref_squeeze %dma_start3A_20 : memref<1x125xi32, #tpu.memory_space<vmem>> -> memref<125xi32, #tpu.memory_space<vmem>>
    %dma_start3A_22 = arith.constant 0 : i32
    %dma_start3A_23 = arith.constant 0 : i32
    %dma_start3A_24 = tpu.memref_slice %arg2[%dma_start3A_22, %dma_start3A_23] : memref<40960x64xf32, #tpu.memory_space<hbm>> -> memref<40960x64xf32, #tpu.memory_space<hbm>>
    tpu.enqueue_indirect_dma source(%dma_start3A_24 : memref<40960x64xf32, #tpu.memory_space<hbm>>) target(%arg9 : memref<125x64xf32, #tpu.memory_space<vmem>>) offsets(%dma_start3A_21 : memref<125xi32, #tpu.memory_space<vmem>>) semaphore(%arg14 : memref<!tpu.dma_semaphore, #tpu.memory_space<semaphore_mem>>)
    %dma_start3A_25 = arith.constant 2 : i32
    %dma_start3A_26 = arith.constant 0 : i32
    %dma_start3A_27 = tpu.memref_slice %arg6[%dma_start3A_25, %dma_start3A_26] : memref<164x125xi32, #tpu.memory_space<vmem>> -> memref<1x125xi32, #tpu.memory_space<vmem>>
    %dma_start3A_28 = tpu.memref_squeeze %dma_start3A_27 : memref<1x125xi32, #tpu.memory_space<vmem>> -> memref<125xi32, #tpu.memory_space<vmem>>
    %dma_start3A_29 = arith.constant 0 : i32
    %dma_start3A_30 = arith.constant 0 : i32
    %dma_start3A_31 = tpu.memref_slice %arg2[%dma_start3A_29, %dma_start3A_30] : memref<40960x64xf32, #tpu.memory_space<hbm>> -> memref<40960x64xf32, #tpu.memory_space<hbm>>
    tpu.enqueue_indirect_dma source(%dma_start3A_31 : memref<40960x64xf32, #tpu.memory_space<hbm>>) target(%arg10 : memref<125x64xf32, #tpu.memory_space<vmem>>) offsets(%dma_start3A_28 : memref<125xi32, #tpu.memory_space<vmem>>) semaphore(%arg15 : memref<!tpu.dma_semaphore, #tpu.memory_space<semaphore_mem>>)
    %dma_start3A_32 = arith.constant 163 : i32
    %dma_start3A_33 = arith.constant 0 : i32
    %dma_start3A_34 = tpu.memref_slice %arg7[%dma_start3A_32, %dma_start3A_33] : memref<164x125xi32, #tpu.memory_space<vmem>> -> memref<1x125xi32, #tpu.memory_space<vmem>>
    %dma_start3A_35 = tpu.memref_squeeze %dma_start3A_34 : memref<1x125xi32, #tpu.memory_space<vmem>> -> memref<125xi32, #tpu.memory_space<vmem>>
    %dma_start3A_36 = arith.constant 0 : i32
    %dma_start3A_37 = arith.constant 0 : i32
    %dma_start3A_38 = tpu.memref_slice %arg12[%dma_start3A_36, %dma_start3A_37] : memref<10240x64xf32, #tpu.memory_space<vmem_shared>> -> memref<10240x64xf32, #tpu.memory_space<vmem_shared>>
    tpu.enqueue_indirect_dma source(%arg11 : memref<125x64xf32, #tpu.memory_space<vmem>>) target(%dma_start3A_38 : memref<10240x64xf32, #tpu.memory_space<vmem_shared>>) offsets(%dma_start3A_35 : memref<125xi32, #tpu.memory_space<vmem>>) semaphore(%arg20 : memref<!tpu.dma_semaphore, #tpu.memory_space<semaphore_mem>>) {add = true}
    %scan3A = arith.constant 0 : i32
    %scan3A_39 = arith.constant 0 : i32
    %scan3A_40 = arith.constant 41 : i32
    %scan3A_41 = arith.addi %scan3A_39, %scan3A_40 : i32
    %scan3A_42 = arith.constant 1 : i32
    scf.for %scan3A_164 = %scan3A_39 to %scan3A_41 step %scan3A_42  : i32 {
      %mul3A_165 = arith.constant 4 : i32
      %mul3A_166 = arith.muli %mul3A_165, %scan3A_164 : i32
      %add3A_167 = arith.constant 0 : i32
      %add3A_168 = arith.addi %mul3A_166, %add3A_167 : i32
      %dma_wait3A_169 = arith.constant 0 : i32
      %dma_wait3A_170 = arith.constant 0 : i32
      %dma_wait3A_171 = tpu.memref_slice %arg6[%dma_wait3A_169, %dma_wait3A_170] : memref<164x125xi32, #tpu.memory_space<vmem>> -> memref<1x125xi32, #tpu.memory_space<vmem>>
      %dma_wait3A_172 = tpu.memref_squeeze %dma_wait3A_171 : memref<1x125xi32, #tpu.memory_space<vmem>> -> memref<125xi32, #tpu.memory_space<vmem>>
      %dma_wait3A_173 = arith.constant 0 : i32
      %dma_wait3A_174 = arith.constant 0 : i32
      %dma_wait3A_175 = tpu.memref_slice %arg2[%dma_wait3A_173, %dma_wait3A_174] : memref<40960x64xf32, #tpu.memory_space<hbm>> -> memref<40960x64xf32, #tpu.memory_space<hbm>>
      tpu.wait_indirect_dma semaphore(%arg13 : memref<!tpu.dma_semaphore, #tpu.memory_space<semaphore_mem>>) src(%dma_wait3A_175 : memref<40960x64xf32, #tpu.memory_space<hbm>>) dst(%arg8 : memref<125x64xf32, #tpu.memory_space<vmem>>)
      %dma_start3A_176 = arith.constant 0 : i32
      %dma_start3A_177 = tpu.memref_slice %arg7[%add3A_168, %dma_start3A_176] : memref<164x125xi32, #tpu.memory_space<vmem>> -> memref<1x125xi32, #tpu.memory_space<vmem>>
      %dma_start3A_178 = tpu.memref_squeeze %dma_start3A_177 : memref<1x125xi32, #tpu.memory_space<vmem>> -> memref<125xi32, #tpu.memory_space<vmem>>
      %dma_start3A_179 = arith.constant 0 : i32
      %dma_start3A_180 = arith.constant 0 : i32
      %dma_start3A_181 = tpu.memref_slice %arg12[%dma_start3A_179, %dma_start3A_180] : memref<10240x64xf32, #tpu.memory_space<vmem_shared>> -> memref<10240x64xf32, #tpu.memory_space<vmem_shared>>
      tpu.enqueue_indirect_dma source(%arg8 : memref<125x64xf32, #tpu.memory_space<vmem>>) target(%dma_start3A_181 : memref<10240x64xf32, #tpu.memory_space<vmem_shared>>) offsets(%dma_start3A_178 : memref<125xi32, #tpu.memory_space<vmem>>) semaphore(%arg17 : memref<!tpu.dma_semaphore, #tpu.memory_space<semaphore_mem>>) {add = true}
      %dma_wait3A_182 = arith.constant 0 : i32
      %dma_wait3A_183 = arith.constant 0 : i32
      %dma_wait3A_184 = tpu.memref_slice %arg7[%dma_wait3A_182, %dma_wait3A_183] : memref<164x125xi32, #tpu.memory_space<vmem>> -> memref<1x125xi32, #tpu.memory_space<vmem>>
      %dma_wait3A_185 = tpu.memref_squeeze %dma_wait3A_184 : memref<1x125xi32, #tpu.memory_space<vmem>> -> memref<125xi32, #tpu.memory_space<vmem>>
      %dma_wait3A_186 = arith.constant 0 : i32
      %dma_wait3A_187 = arith.constant 0 : i32
      %dma_wait3A_188 = tpu.memref_slice %arg12[%dma_wait3A_186, %dma_wait3A_187] : memref<10240x64xf32, #tpu.memory_space<vmem_shared>> -> memref<10240x64xf32, #tpu.memory_space<vmem_shared>>
      tpu.wait_indirect_dma semaphore(%arg20 : memref<!tpu.dma_semaphore, #tpu.memory_space<semaphore_mem>>) src(%arg11 : memref<125x64xf32, #tpu.memory_space<vmem>>) dst(%dma_wait3A_188 : memref<10240x64xf32, #tpu.memory_space<vmem_shared>>)
      %add3A_189 = arith.constant 3 : i32
      %add3A_190 = arith.addi %add3A_168, %add3A_189 : i32
      %min3A = arith.constant 163 : i32
      %min3A_191 = arith.minsi %add3A_190, %min3A : i32
      %dma_start3A_192 = arith.constant 0 : i32
      %dma_start3A_193 = tpu.memref_slice %arg6[%min3A_191, %dma_start3A_192] : memref<164x125xi32, #tpu.memory_space<vmem>> -> memref<1x125xi32, #tpu.memory_space<vmem>>
      %dma_start3A_194 = tpu.memref_squeeze %dma_start3A_193 : memref<1x125xi32, #tpu.memory_space<vmem>> -> memref<125xi32, #tpu.memory_space<vmem>>
      %dma_start3A_195 = arith.constant 0 : i32
      %dma_start3A_196 = arith.constant 0 : i32
      %dma_start3A_197 = tpu.memref_slice %arg2[%dma_start3A_195, %dma_start3A_196] : memref<40960x64xf32, #tpu.memory_space<hbm>> -> memref<40960x64xf32, #tpu.memory_space<hbm>>
      tpu.enqueue_indirect_dma source(%dma_start3A_197 : memref<40960x64xf32, #tpu.memory_space<hbm>>) target(%arg11 : memref<125x64xf32, #tpu.memory_space<vmem>>) offsets(%dma_start3A_194 : memref<125xi32, #tpu.memory_space<vmem>>) semaphore(%arg16 : memref<!tpu.dma_semaphore, #tpu.memory_space<semaphore_mem>>)
      %mul3A_198 = arith.constant 4 : i32
      %mul3A_199 = arith.muli %mul3A_198, %scan3A_164 : i32
      %add3A_200 = arith.constant 1 : i32
      %add3A_201 = arith.addi %mul3A_199, %add3A_200 : i32
      %dma_wait3A_202 = arith.constant 0 : i32
      %dma_wait3A_203 = arith.constant 0 : i32
      %dma_wait3A_204 = tpu.memref_slice %arg6[%dma_wait3A_202, %dma_wait3A_203] : memref<164x125xi32, #tpu.memory_space<vmem>> -> memref<1x125xi32, #tpu.memory_space<vmem>>
      %dma_wait3A_205 = tpu.memref_squeeze %dma_wait3A_204 : memref<1x125xi32, #tpu.memory_space<vmem>> -> memref<125xi32, #tpu.memory_space<vmem>>
      %dma_wait3A_206 = arith.constant 0 : i32
      %dma_wait3A_207 = arith.constant 0 : i32
      %dma_wait3A_208 = tpu.memref_slice %arg2[%dma_wait3A_206, %dma_wait3A_207] : memref<40960x64xf32, #tpu.memory_space<hbm>> -> memref<40960x64xf32, #tpu.memory_space<hbm>>
      tpu.wait_indirect_dma semaphore(%arg14 : memref<!tpu.dma_semaphore, #tpu.memory_space<semaphore_mem>>) src(%dma_wait3A_208 : memref<40960x64xf32, #tpu.memory_space<hbm>>) dst(%arg9 : memref<125x64xf32, #tpu.memory_space<vmem>>)
      %dma_start3A_209 = arith.constant 0 : i32
      %dma_start3A_210 = tpu.memref_slice %arg7[%add3A_201, %dma_start3A_209] : memref<164x125xi32, #tpu.memory_space<vmem>> -> memref<1x125xi32, #tpu.memory_space<vmem>>
      %dma_start3A_211 = tpu.memref_squeeze %dma_start3A_210 : memref<1x125xi32, #tpu.memory_space<vmem>> -> memref<125xi32, #tpu.memory_space<vmem>>
      %dma_start3A_212 = arith.constant 0 : i32
      %dma_start3A_213 = arith.constant 0 : i32
      %dma_start3A_214 = tpu.memref_slice %arg12[%dma_start3A_212, %dma_start3A_213] : memref<10240x64xf32, #tpu.memory_space<vmem_shared>> -> memref<10240x64xf32, #tpu.memory_space<vmem_shared>>
      tpu.enqueue_indirect_dma source(%arg9 : memref<125x64xf32, #tpu.memory_space<vmem>>) target(%dma_start3A_214 : memref<10240x64xf32, #tpu.memory_space<vmem_shared>>) offsets(%dma_start3A_211 : memref<125xi32, #tpu.memory_space<vmem>>) semaphore(%arg18 : memref<!tpu.dma_semaphore, #tpu.memory_space<semaphore_mem>>) {add = true}
      %dma_wait3A_215 = arith.constant 0 : i32
      %dma_wait3A_216 = arith.constant 0 : i32
      %dma_wait3A_217 = tpu.memref_slice %arg7[%dma_wait3A_215, %dma_wait3A_216] : memref<164x125xi32, #tpu.memory_space<vmem>> -> memref<1x125xi32, #tpu.memory_space<vmem>>
      %dma_wait3A_218 = tpu.memref_squeeze %dma_wait3A_217 : memref<1x125xi32, #tpu.memory_space<vmem>> -> memref<125xi32, #tpu.memory_space<vmem>>
      %dma_wait3A_219 = arith.constant 0 : i32
      %dma_wait3A_220 = arith.constant 0 : i32
      %dma_wait3A_221 = tpu.memref_slice %arg12[%dma_wait3A_219, %dma_wait3A_220] : memref<10240x64xf32, #tpu.memory_space<vmem_shared>> -> memref<10240x64xf32, #tpu.memory_space<vmem_shared>>
      tpu.wait_indirect_dma semaphore(%arg17 : memref<!tpu.dma_semaphore, #tpu.memory_space<semaphore_mem>>) src(%arg8 : memref<125x64xf32, #tpu.memory_space<vmem>>) dst(%dma_wait3A_221 : memref<10240x64xf32, #tpu.memory_space<vmem_shared>>)
      %add3A_222 = arith.constant 3 : i32
      %add3A_223 = arith.addi %add3A_201, %add3A_222 : i32
      %min3A_224 = arith.constant 163 : i32
      %min3A_225 = arith.minsi %add3A_223, %min3A_224 : i32
      %dma_start3A_226 = arith.constant 0 : i32
      %dma_start3A_227 = tpu.memref_slice %arg6[%min3A_225, %dma_start3A_226] : memref<164x125xi32, #tpu.memory_space<vmem>> -> memref<1x125xi32, #tpu.memory_space<vmem>>
      %dma_start3A_228 = tpu.memref_squeeze %dma_start3A_227 : memref<1x125xi32, #tpu.memory_space<vmem>> -> memref<125xi32, #tpu.memory_space<vmem>>
      %dma_start3A_229 = arith.constant 0 : i32
      %dma_start3A_230 = arith.constant 0 : i32
      %dma_start3A_231 = tpu.memref_slice %arg2[%dma_start3A_229, %dma_start3A_230] : memref<40960x64xf32, #tpu.memory_space<hbm>> -> memref<40960x64xf32, #tpu.memory_space<hbm>>
      tpu.enqueue_indirect_dma source(%dma_start3A_231 : memref<40960x64xf32, #tpu.memory_space<hbm>>) target(%arg8 : memref<125x64xf32, #tpu.memory_space<vmem>>) offsets(%dma_start3A_228 : memref<125xi32, #tpu.memory_space<vmem>>) semaphore(%arg13 : memref<!tpu.dma_semaphore, #tpu.memory_space<semaphore_mem>>)
      %mul3A_232 = arith.constant 4 : i32
      %mul3A_233 = arith.muli %mul3A_232, %scan3A_164 : i32
      %add3A_234 = arith.constant 2 : i32
      %add3A_235 = arith.addi %mul3A_233, %add3A_234 : i32
      %dma_wait3A_236 = arith.constant 0 : i32
      %dma_wait3A_237 = arith.constant 0 : i32
      %dma_wait3A_238 = tpu.memref_slice %arg6[%dma_wait3A_236, %dma_wait3A_237] : memref<164x125xi32, #tpu.memory_space<vmem>> -> memref<1x125xi32, #tpu.memory_space<vmem>>
      %dma_wait3A_239 = tpu.memref_squeeze %dma_wait3A_238 : memref<1x125xi32, #tpu.memory_space<vmem>> -> memref<125xi32, #tpu.memory_space<vmem>>
      %dma_wait3A_240 = arith.constant 0 : i32
      %dma_wait3A_241 = arith.constant 0 : i32
      %dma_wait3A_242 = tpu.memref_slice %arg2[%dma_wait3A_240, %dma_wait3A_241] : memref<40960x64xf32, #tpu.memory_space<hbm>> -> memref<40960x64xf32, #tpu.memory_space<hbm>>
      tpu.wait_indirect_dma semaphore(%arg15 : memref<!tpu.dma_semaphore, #tpu.memory_space<semaphore_mem>>) src(%dma_wait3A_242 : memref<40960x64xf32, #tpu.memory_space<hbm>>) dst(%arg10 : memref<125x64xf32, #tpu.memory_space<vmem>>)
      %dma_start3A_243 = arith.constant 0 : i32
      %dma_start3A_244 = tpu.memref_slice %arg7[%add3A_235, %dma_start3A_243] : memref<164x125xi32, #tpu.memory_space<vmem>> -> memref<1x125xi32, #tpu.memory_space<vmem>>
      %dma_start3A_245 = tpu.memref_squeeze %dma_start3A_244 : memref<1x125xi32, #tpu.memory_space<vmem>> -> memref<125xi32, #tpu.memory_space<vmem>>
      %dma_start3A_246 = arith.constant 0 : i32
      %dma_start3A_247 = arith.constant 0 : i32
      %dma_start3A_248 = tpu.memref_slice %arg12[%dma_start3A_246, %dma_start3A_247] : memref<10240x64xf32, #tpu.memory_space<vmem_shared>> -> memref<10240x64xf32, #tpu.memory_space<vmem_shared>>
      tpu.enqueue_indirect_dma source(%arg10 : memref<125x64xf32, #tpu.memory_space<vmem>>) target(%dma_start3A_248 : memref<10240x64xf32, #tpu.memory_space<vmem_shared>>) offsets(%dma_start3A_245 : memref<125xi32, #tpu.memory_space<vmem>>) semaphore(%arg19 : memref<!tpu.dma_semaphore, #tpu.memory_space<semaphore_mem>>) {add = true}
      %dma_wait3A_249 = arith.constant 0 : i32
      %dma_wait3A_250 = arith.constant 0 : i32
      %dma_wait3A_251 = tpu.memref_slice %arg7[%dma_wait3A_249, %dma_wait3A_250] : memref<164x125xi32, #tpu.memory_space<vmem>> -> memref<1x125xi32, #tpu.memory_space<vmem>>
      %dma_wait3A_252 = tpu.memref_squeeze %dma_wait3A_251 : memref<1x125xi32, #tpu.memory_space<vmem>> -> memref<125xi32, #tpu.memory_space<vmem>>
      %dma_wait3A_253 = arith.constant 0 : i32
      %dma_wait3A_254 = arith.constant 0 : i32
      %dma_wait3A_255 = tpu.memref_slice %arg12[%dma_wait3A_253, %dma_wait3A_254] : memref<10240x64xf32, #tpu.memory_space<vmem_shared>> -> memref<10240x64xf32, #tpu.memory_space<vmem_shared>>
      tpu.wait_indirect_dma semaphore(%arg18 : memref<!tpu.dma_semaphore, #tpu.memory_space<semaphore_mem>>) src(%arg9 : memref<125x64xf32, #tpu.memory_space<vmem>>) dst(%dma_wait3A_255 : memref<10240x64xf32, #tpu.memory_space<vmem_shared>>)
      %add3A_256 = arith.constant 3 : i32
      %add3A_257 = arith.addi %add3A_235, %add3A_256 : i32
      %min3A_258 = arith.constant 163 : i32
      %min3A_259 = arith.minsi %add3A_257, %min3A_258 : i32
      %dma_start3A_260 = arith.constant 0 : i32
      %dma_start3A_261 = tpu.memref_slice %arg6[%min3A_259, %dma_start3A_260] : memref<164x125xi32, #tpu.memory_space<vmem>> -> memref<1x125xi32, #tpu.memory_space<vmem>>
      %dma_start3A_262 = tpu.memref_squeeze %dma_start3A_261 : memref<1x125xi32, #tpu.memory_space<vmem>> -> memref<125xi32, #tpu.memory_space<vmem>>
      %dma_start3A_263 = arith.constant 0 : i32
      %dma_start3A_264 = arith.constant 0 : i32
      %dma_start3A_265 = tpu.memref_slice %arg2[%dma_start3A_263, %dma_start3A_264] : memref<40960x64xf32, #tpu.memory_space<hbm>> -> memref<40960x64xf32, #tpu.memory_space<hbm>>
      tpu.enqueue_indirect_dma source(%dma_start3A_265 : memref<40960x64xf32, #tpu.memory_space<hbm>>) target(%arg9 : memref<125x64xf32, #tpu.memory_space<vmem>>) offsets(%dma_start3A_262 : memref<125xi32, #tpu.memory_space<vmem>>) semaphore(%arg14 : memref<!tpu.dma_semaphore, #tpu.memory_space<semaphore_mem>>)
      %mul3A_266 = arith.constant 4 : i32
      %mul3A_267 = arith.muli %mul3A_266, %scan3A_164 : i32
      %add3A_268 = arith.constant 3 : i32
      %add3A_269 = arith.addi %mul3A_267, %add3A_268 : i32
      %dma_wait3A_270 = arith.constant 0 : i32
      %dma_wait3A_271 = arith.constant 0 : i32
      %dma_wait3A_272 = tpu.memref_slice %arg6[%dma_wait3A_270, %dma_wait3A_271] : memref<164x125xi32, #tpu.memory_space<vmem>> -> memref<1x125xi32, #tpu.memory_space<vmem>>
      %dma_wait3A_273 = tpu.memref_squeeze %dma_wait3A_272 : memref<1x125xi32, #tpu.memory_space<vmem>> -> memref<125xi32, #tpu.memory_space<vmem>>
      %dma_wait3A_274 = arith.constant 0 : i32
      %dma_wait3A_275 = arith.constant 0 : i32
      %dma_wait3A_276 = tpu.memref_slice %arg2[%dma_wait3A_274, %dma_wait3A_275] : memref<40960x64xf32, #tpu.memory_space<hbm>> -> memref<40960x64xf32, #tpu.memory_space<hbm>>
      tpu.wait_indirect_dma semaphore(%arg16 : memref<!tpu.dma_semaphore, #tpu.memory_space<semaphore_mem>>) src(%dma_wait3A_276 : memref<40960x64xf32, #tpu.memory_space<hbm>>) dst(%arg11 : memref<125x64xf32, #tpu.memory_space<vmem>>)
      %dma_start3A_277 = arith.constant 0 : i32
      %dma_start3A_278 = tpu.memref_slice %arg7[%add3A_269, %dma_start3A_277] : memref<164x125xi32, #tpu.memory_space<vmem>> -> memref<1x125xi32, #tpu.memory_space<vmem>>
      %dma_start3A_279 = tpu.memref_squeeze %dma_start3A_278 : memref<1x125xi32, #tpu.memory_space<vmem>> -> memref<125xi32, #tpu.memory_space<vmem>>
      %dma_start3A_280 = arith.constant 0 : i32
      %dma_start3A_281 = arith.constant 0 : i32
      %dma_start3A_282 = tpu.memref_slice %arg12[%dma_start3A_280, %dma_start3A_281] : memref<10240x64xf32, #tpu.memory_space<vmem_shared>> -> memref<10240x64xf32, #tpu.memory_space<vmem_shared>>
      tpu.enqueue_indirect_dma source(%arg11 : memref<125x64xf32, #tpu.memory_space<vmem>>) target(%dma_start3A_282 : memref<10240x64xf32, #tpu.memory_space<vmem_shared>>) offsets(%dma_start3A_279 : memref<125xi32, #tpu.memory_space<vmem>>) semaphore(%arg20 : memref<!tpu.dma_semaphore, #tpu.memory_space<semaphore_mem>>) {add = true}
      %dma_wait3A_283 = arith.constant 0 : i32
      %dma_wait3A_284 = arith.constant 0 : i32
      %dma_wait3A_285 = tpu.memref_slice %arg7[%dma_wait3A_283, %dma_wait3A_284] : memref<164x125xi32, #tpu.memory_space<vmem>> -> memref<1x125xi32, #tpu.memory_space<vmem>>
      %dma_wait3A_286 = tpu.memref_squeeze %dma_wait3A_285 : memref<1x125xi32, #tpu.memory_space<vmem>> -> memref<125xi32, #tpu.memory_space<vmem>>
      %dma_wait3A_287 = arith.constant 0 : i32
      %dma_wait3A_288 = arith.constant 0 : i32
      %dma_wait3A_289 = tpu.memref_slice %arg12[%dma_wait3A_287, %dma_wait3A_288] : memref<10240x64xf32, #tpu.memory_space<vmem_shared>> -> memref<10240x64xf32, #tpu.memory_space<vmem_shared>>
      tpu.wait_indirect_dma semaphore(%arg19 : memref<!tpu.dma_semaphore, #tpu.memory_space<semaphore_mem>>) src(%arg10 : memref<125x64xf32, #tpu.memory_space<vmem>>) dst(%dma_wait3A_289 : memref<10240x64xf32, #tpu.memory_space<vmem_shared>>)
      %add3A_290 = arith.constant 3 : i32
      %add3A_291 = arith.addi %add3A_269, %add3A_290 : i32
      %min3A_292 = arith.constant 163 : i32
      %min3A_293 = arith.minsi %add3A_291, %min3A_292 : i32
      %dma_start3A_294 = arith.constant 0 : i32
      %dma_start3A_295 = tpu.memref_slice %arg6[%min3A_293, %dma_start3A_294] : memref<164x125xi32, #tpu.memory_space<vmem>> -> memref<1x125xi32, #tpu.memory_space<vmem>>
      %dma_start3A_296 = tpu.memref_squeeze %dma_start3A_295 : memref<1x125xi32, #tpu.memory_space<vmem>> -> memref<125xi32, #tpu.memory_space<vmem>>
      %dma_start3A_297 = arith.constant 0 : i32
      %dma_start3A_298 = arith.constant 0 : i32
      %dma_start3A_299 = tpu.memref_slice %arg2[%dma_start3A_297, %dma_start3A_298] : memref<40960x64xf32, #tpu.memory_space<hbm>> -> memref<40960x64xf32, #tpu.memory_space<hbm>>
      tpu.enqueue_indirect_dma source(%dma_start3A_299 : memref<40960x64xf32, #tpu.memory_space<hbm>>) target(%arg10 : memref<125x64xf32, #tpu.memory_space<vmem>>) offsets(%dma_start3A_296 : memref<125xi32, #tpu.memory_space<vmem>>) semaphore(%arg15 : memref<!tpu.dma_semaphore, #tpu.memory_space<semaphore_mem>>)
    }
    %scan3A_43 = arith.constant 41 : i32
    %dma_wait3A = arith.constant 0 : i32
    %dma_wait3A_44 = arith.constant 0 : i32
    %dma_wait3A_45 = tpu.memref_slice %arg6[%dma_wait3A, %dma_wait3A_44] : memref<164x125xi32, #tpu.memory_space<vmem>> -> memref<1x125xi32, #tpu.memory_space<vmem>>
    %dma_wait3A_46 = tpu.memref_squeeze %dma_wait3A_45 : memref<1x125xi32, #tpu.memory_space<vmem>> -> memref<125xi32, #tpu.memory_space<vmem>>
    %dma_wait3A_47 = arith.constant 0 : i32
    %dma_wait3A_48 = arith.constant 0 : i32
    %dma_wait3A_49 = tpu.memref_slice %arg2[%dma_wait3A_47, %dma_wait3A_48] : memref<40960x64xf32, #tpu.memory_space<hbm>> -> memref<40960x64xf32, #tpu.memory_space<hbm>>
    tpu.wait_indirect_dma semaphore(%arg13 : memref<!tpu.dma_semaphore, #tpu.memory_space<semaphore_mem>>) src(%dma_wait3A_49 : memref<40960x64xf32, #tpu.memory_space<hbm>>) dst(%arg8 : memref<125x64xf32, #tpu.memory_space<vmem>>)
    %dma_wait3A_50 = arith.constant 0 : i32
    %dma_wait3A_51 = arith.constant 0 : i32
    %dma_wait3A_52 = tpu.memref_slice %arg6[%dma_wait3A_50, %dma_wait3A_51] : memref<164x125xi32, #tpu.memory_space<vmem>> -> memref<1x125xi32, #tpu.memory_space<vmem>>
    %dma_wait3A_53 = tpu.memref_squeeze %dma_wait3A_52 : memref<1x125xi32, #tpu.memory_space<vmem>> -> memref<125xi32, #tpu.memory_space<vmem>>
    %dma_wait3A_54 = arith.constant 0 : i32
    %dma_wait3A_55 = arith.constant 0 : i32
    %dma_wait3A_56 = tpu.memref_slice %arg2[%dma_wait3A_54, %dma_wait3A_55] : memref<40960x64xf32, #tpu.memory_space<hbm>> -> memref<40960x64xf32, #tpu.memory_space<hbm>>
    tpu.wait_indirect_dma semaphore(%arg14 : memref<!tpu.dma_semaphore, #tpu.memory_space<semaphore_mem>>) src(%dma_wait3A_56 : memref<40960x64xf32, #tpu.memory_space<hbm>>) dst(%arg9 : memref<125x64xf32, #tpu.memory_space<vmem>>)
    %dma_wait3A_57 = arith.constant 0 : i32
    %dma_wait3A_58 = arith.constant 0 : i32
    %dma_wait3A_59 = tpu.memref_slice %arg6[%dma_wait3A_57, %dma_wait3A_58] : memref<164x125xi32, #tpu.memory_space<vmem>> -> memref<1x125xi32, #tpu.memory_space<vmem>>
    %dma_wait3A_60 = tpu.memref_squeeze %dma_wait3A_59 : memref<1x125xi32, #tpu.memory_space<vmem>> -> memref<125xi32, #tpu.memory_space<vmem>>
    %dma_wait3A_61 = arith.constant 0 : i32
    %dma_wait3A_62 = arith.constant 0 : i32
    %dma_wait3A_63 = tpu.memref_slice %arg2[%dma_wait3A_61, %dma_wait3A_62] : memref<40960x64xf32, #tpu.memory_space<hbm>> -> memref<40960x64xf32, #tpu.memory_space<hbm>>
    tpu.wait_indirect_dma semaphore(%arg15 : memref<!tpu.dma_semaphore, #tpu.memory_space<semaphore_mem>>) src(%dma_wait3A_63 : memref<40960x64xf32, #tpu.memory_space<hbm>>) dst(%arg10 : memref<125x64xf32, #tpu.memory_space<vmem>>)
    %dma_wait3A_64 = arith.constant 0 : i32
    %dma_wait3A_65 = arith.constant 0 : i32
    %dma_wait3A_66 = tpu.memref_slice %arg7[%dma_wait3A_64, %dma_wait3A_65] : memref<164x125xi32, #tpu.memory_space<vmem>> -> memref<1x125xi32, #tpu.memory_space<vmem>>
    %dma_wait3A_67 = tpu.memref_squeeze %dma_wait3A_66 : memref<1x125xi32, #tpu.memory_space<vmem>> -> memref<125xi32, #tpu.memory_space<vmem>>
    %dma_wait3A_68 = arith.constant 0 : i32
    %dma_wait3A_69 = arith.constant 0 : i32
    %dma_wait3A_70 = tpu.memref_slice %arg12[%dma_wait3A_68, %dma_wait3A_69] : memref<10240x64xf32, #tpu.memory_space<vmem_shared>> -> memref<10240x64xf32, #tpu.memory_space<vmem_shared>>
    tpu.wait_indirect_dma semaphore(%arg20 : memref<!tpu.dma_semaphore, #tpu.memory_space<semaphore_mem>>) src(%arg11 : memref<125x64xf32, #tpu.memory_space<vmem>>) dst(%dma_wait3A_70 : memref<10240x64xf32, #tpu.memory_space<vmem_shared>>)
    %barrier3A_71 = arith.constant 0 : index
    tpu.barrier barrier_id(%barrier3A_71)
    %mul3A_72 = arith.constant 640 : i32
    %mul3A_73 = arith.muli %arg1, %mul3A_72 : i32
    %mul3A_74 = arith.constant 10240 : i32
    %mul3A_75 = arith.muli %add3A_1, %mul3A_74 : i32
    %mul3A_76 = arith.constant 640 : i32
    %mul3A_77 = arith.muli %arg1, %mul3A_76 : i32
    %add3A_78 = arith.addi %mul3A_75, %mul3A_77 : i32
    "tpu.region"() ({
      %run_scoped3A = tpu.sem_alloc : memref<!tpu.dma_semaphore, #tpu.memory_space<semaphore_mem>>
      %dma_start3A_164 = arith.constant 0 : i32
      %dma_start3A_165 = tpu.memref_slice %arg5[%add3A_78, %dma_start3A_164] : memref<40960x64xf32, #tpu.memory_space<hbm>> -> memref<640x64xf32, #tpu.memory_space<hbm>>
      %dma_start3A_166 = arith.constant 0 : i32
      %dma_start3A_167 = tpu.memref_slice %arg12[%mul3A_73, %dma_start3A_166] : memref<10240x64xf32, #tpu.memory_space<vmem_shared>> -> memref<640x64xf32, #tpu.memory_space<vmem_shared>>
      tpu.enqueue_dma source(%dma_start3A_167 : memref<640x64xf32, #tpu.memory_space<vmem_shared>>) target(%dma_start3A_165 : memref<640x64xf32, #tpu.memory_space<hbm>>) target_semaphore(%run_scoped3A : memref<!tpu.dma_semaphore, #tpu.memory_space<semaphore_mem>>)
      %dma_wait3A_168 = arith.constant 0 : i32
      %dma_wait3A_169 = tpu.memref_slice %arg5[%add3A_78, %dma_wait3A_168] : memref<40960x64xf32, #tpu.memory_space<hbm>> -> memref<640x64xf32, #tpu.memory_space<hbm>>
      %dma_wait3A_170 = arith.constant 0 : i32
      %dma_wait3A_171 = tpu.memref_slice %arg12[%mul3A_73, %dma_wait3A_170] : memref<10240x64xf32, #tpu.memory_space<vmem_shared>> -> memref<640x64xf32, #tpu.memory_space<vmem_shared>>
      tpu.wait_dma2 semaphore(%run_scoped3A : memref<!tpu.dma_semaphore, #tpu.memory_space<semaphore_mem>>) src(%dma_wait3A_171 : memref<640x64xf32, #tpu.memory_space<vmem_shared>>) dst(%dma_wait3A_169 : memref<640x64xf32, #tpu.memory_space<hbm>>)
      tpu.yield
    }) : () -> ()
    %mul3A_79 = arith.constant 2 : i32
    %mul3A_80 = arith.muli %arg0, %mul3A_79 : i32
    %add3A_81 = arith.constant 1 : i32
    %add3A_82 = arith.addi %mul3A_80, %add3A_81 : i32
    %mul3A_83 = arith.constant 16 : i32
    %mul3A_84 = arith.muli %add3A_82, %mul3A_83 : i32
    %add3A_85 = arith.addi %mul3A_84, %arg1 : i32
    "tpu.region"() ({
      %run_scoped3A = tpu.sem_alloc : memref<!tpu.dma_semaphore, #tpu.memory_space<semaphore_mem>>
      %dma_start3A_164 = arith.constant 0 : i32
      %dma_start3A_165 = arith.constant 0 : i32
      %dma_start3A_166 = tpu.memref_slice %arg3[%add3A_85, %dma_start3A_164, %dma_start3A_165] : memref<64x164x125xi32, #tpu.memory_space<hbm>> -> memref<1x164x125xi32, #tpu.memory_space<hbm>>
      %dma_start3A_167 = tpu.memref_squeeze %dma_start3A_166 : memref<1x164x125xi32, #tpu.memory_space<hbm>> -> memref<164x125xi32, #tpu.memory_space<hbm>>
      %dma_start3A_168 = arith.constant 0 : i32
      %dma_start3A_169 = arith.constant 0 : i32
      %dma_start3A_170 = tpu.memref_slice %arg3[%add3A_85, %dma_start3A_168, %dma_start3A_169] : memref<64x164x125xi32, #tpu.memory_space<hbm>> -> memref<1x164x125xi32, #tpu.memory_space<hbm>>
      %dma_start3A_171 = tpu.memref_squeeze %dma_start3A_170 : memref<1x164x125xi32, #tpu.memory_space<hbm>> -> memref<164x125xi32, #tpu.memory_space<hbm>>
      tpu.enqueue_dma source(%dma_start3A_171 : memref<164x125xi32, #tpu.memory_space<hbm>>) target(%arg6 : memref<164x125xi32, #tpu.memory_space<vmem>>) target_semaphore(%run_scoped3A : memref<!tpu.dma_semaphore, #tpu.memory_space<semaphore_mem>>)
      %dma_wait3A_172 = arith.constant 0 : i32
      %dma_wait3A_173 = arith.constant 0 : i32
      %dma_wait3A_174 = tpu.memref_slice %arg3[%add3A_85, %dma_wait3A_172, %dma_wait3A_173] : memref<64x164x125xi32, #tpu.memory_space<hbm>> -> memref<1x164x125xi32, #tpu.memory_space<hbm>>
      %dma_wait3A_175 = tpu.memref_squeeze %dma_wait3A_174 : memref<1x164x125xi32, #tpu.memory_space<hbm>> -> memref<164x125xi32, #tpu.memory_space<hbm>>
      %dma_wait3A_176 = arith.constant 0 : i32
      %dma_wait3A_177 = arith.constant 0 : i32
      %dma_wait3A_178 = tpu.memref_slice %arg3[%add3A_85, %dma_wait3A_176, %dma_wait3A_177] : memref<64x164x125xi32, #tpu.memory_space<hbm>> -> memref<1x164x125xi32, #tpu.memory_space<hbm>>
      %dma_wait3A_179 = tpu.memref_squeeze %dma_wait3A_178 : memref<1x164x125xi32, #tpu.memory_space<hbm>> -> memref<164x125xi32, #tpu.memory_space<hbm>>
      tpu.wait_dma2 semaphore(%run_scoped3A : memref<!tpu.dma_semaphore, #tpu.memory_space<semaphore_mem>>) src(%dma_wait3A_179 : memref<164x125xi32, #tpu.memory_space<hbm>>) dst(%arg6 : memref<164x125xi32, #tpu.memory_space<vmem>>)
      tpu.yield
    }) : () -> ()
    %mul3A_86 = arith.constant 10240 : i32
    %mul3A_87 = arith.muli %add3A_82, %mul3A_86 : i32
    %mul3A_88 = arith.constant 640 : i32
    %mul3A_89 = arith.muli %arg1, %mul3A_88 : i32
    %add3A_90 = arith.addi %mul3A_87, %mul3A_89 : i32
    %mul3A_91 = arith.constant 640 : i32
    %mul3A_92 = arith.muli %arg1, %mul3A_91 : i32
    "tpu.region"() ({
      %run_scoped3A = tpu.sem_alloc : memref<!tpu.dma_semaphore, #tpu.memory_space<semaphore_mem>>
      %dma_start3A_164 = arith.constant 0 : i32
      %dma_start3A_165 = tpu.memref_slice %arg12[%mul3A_92, %dma_start3A_164] : memref<10240x64xf32, #tpu.memory_space<vmem_shared>> -> memref<640x64xf32, #tpu.memory_space<vmem_shared>>
      %dma_start3A_166 = arith.constant 0 : i32
      %dma_start3A_167 = tpu.memref_slice %arg2[%add3A_90, %dma_start3A_166] : memref<40960x64xf32, #tpu.memory_space<hbm>> -> memref<640x64xf32, #tpu.memory_space<hbm>>
      tpu.enqueue_dma source(%dma_start3A_167 : memref<640x64xf32, #tpu.memory_space<hbm>>) target(%dma_start3A_165 : memref<640x64xf32, #tpu.memory_space<vmem_shared>>) target_semaphore(%run_scoped3A : memref<!tpu.dma_semaphore, #tpu.memory_space<semaphore_mem>>)
      %dma_wait3A_168 = arith.constant 0 : i32
      %dma_wait3A_169 = tpu.memref_slice %arg12[%mul3A_92, %dma_wait3A_168] : memref<10240x64xf32, #tpu.memory_space<vmem_shared>> -> memref<640x64xf32, #tpu.memory_space<vmem_shared>>
      %dma_wait3A_170 = arith.constant 0 : i32
      %dma_wait3A_171 = tpu.memref_slice %arg2[%add3A_90, %dma_wait3A_170] : memref<40960x64xf32, #tpu.memory_space<hbm>> -> memref<640x64xf32, #tpu.memory_space<hbm>>
      tpu.wait_dma2 semaphore(%run_scoped3A : memref<!tpu.dma_semaphore, #tpu.memory_space<semaphore_mem>>) src(%dma_wait3A_171 : memref<640x64xf32, #tpu.memory_space<hbm>>) dst(%dma_wait3A_169 : memref<640x64xf32, #tpu.memory_space<vmem_shared>>)
      tpu.yield
    }) : () -> ()
    %barrier3A_93 = arith.constant 0 : index
    tpu.barrier barrier_id(%barrier3A_93)
    %dma_start3A_94 = arith.constant 0 : i32
    %dma_start3A_95 = arith.constant 0 : i32
    %dma_start3A_96 = tpu.memref_slice %arg6[%dma_start3A_94, %dma_start3A_95] : memref<164x125xi32, #tpu.memory_space<vmem>> -> memref<1x125xi32, #tpu.memory_space<vmem>>
    %dma_start3A_97 = tpu.memref_squeeze %dma_start3A_96 : memref<1x125xi32, #tpu.memory_space<vmem>> -> memref<125xi32, #tpu.memory_space<vmem>>
    %dma_start3A_98 = arith.constant 0 : i32
    %dma_start3A_99 = arith.constant 0 : i32
    %dma_start3A_100 = tpu.memref_slice %arg2[%dma_start3A_98, %dma_start3A_99] : memref<40960x64xf32, #tpu.memory_space<hbm>> -> memref<40960x64xf32, #tpu.memory_space<hbm>>
    tpu.enqueue_indirect_dma source(%dma_start3A_100 : memref<40960x64xf32, #tpu.memory_space<hbm>>) target(%arg8 : memref<125x64xf32, #tpu.memory_space<vmem>>) offsets(%dma_start3A_97 : memref<125xi32, #tpu.memory_space<vmem>>) semaphore(%arg13 : memref<!tpu.dma_semaphore, #tpu.memory_space<semaphore_mem>>)
    %dma_start3A_101 = arith.constant 1 : i32
    %dma_start3A_102 = arith.constant 0 : i32
    %dma_start3A_103 = tpu.memref_slice %arg6[%dma_start3A_101, %dma_start3A_102] : memref<164x125xi32, #tpu.memory_space<vmem>> -> memref<1x125xi32, #tpu.memory_space<vmem>>
    %dma_start3A_104 = tpu.memref_squeeze %dma_start3A_103 : memref<1x125xi32, #tpu.memory_space<vmem>> -> memref<125xi32, #tpu.memory_space<vmem>>
    %dma_start3A_105 = arith.constant 0 : i32
    %dma_start3A_106 = arith.constant 0 : i32
    %dma_start3A_107 = tpu.memref_slice %arg2[%dma_start3A_105, %dma_start3A_106] : memref<40960x64xf32, #tpu.memory_space<hbm>> -> memref<40960x64xf32, #tpu.memory_space<hbm>>
    tpu.enqueue_indirect_dma source(%dma_start3A_107 : memref<40960x64xf32, #tpu.memory_space<hbm>>) target(%arg9 : memref<125x64xf32, #tpu.memory_space<vmem>>) offsets(%dma_start3A_104 : memref<125xi32, #tpu.memory_space<vmem>>) semaphore(%arg14 : memref<!tpu.dma_semaphore, #tpu.memory_space<semaphore_mem>>)
    %dma_start3A_108 = arith.constant 2 : i32
    %dma_start3A_109 = arith.constant 0 : i32
    %dma_start3A_110 = tpu.memref_slice %arg6[%dma_start3A_108, %dma_start3A_109] : memref<164x125xi32, #tpu.memory_space<vmem>> -> memref<1x125xi32, #tpu.memory_space<vmem>>
    %dma_start3A_111 = tpu.memref_squeeze %dma_start3A_110 : memref<1x125xi32, #tpu.memory_space<vmem>> -> memref<125xi32, #tpu.memory_space<vmem>>
    %dma_start3A_112 = arith.constant 0 : i32
    %dma_start3A_113 = arith.constant 0 : i32
    %dma_start3A_114 = tpu.memref_slice %arg2[%dma_start3A_112, %dma_start3A_113] : memref<40960x64xf32, #tpu.memory_space<hbm>> -> memref<40960x64xf32, #tpu.memory_space<hbm>>
    tpu.enqueue_indirect_dma source(%dma_start3A_114 : memref<40960x64xf32, #tpu.memory_space<hbm>>) target(%arg10 : memref<125x64xf32, #tpu.memory_space<vmem>>) offsets(%dma_start3A_111 : memref<125xi32, #tpu.memory_space<vmem>>) semaphore(%arg15 : memref<!tpu.dma_semaphore, #tpu.memory_space<semaphore_mem>>)
    %dma_start3A_115 = arith.constant 163 : i32
    %dma_start3A_116 = arith.constant 0 : i32
    %dma_start3A_117 = tpu.memref_slice %arg7[%dma_start3A_115, %dma_start3A_116] : memref<164x125xi32, #tpu.memory_space<vmem>> -> memref<1x125xi32, #tpu.memory_space<vmem>>
    %dma_start3A_118 = tpu.memref_squeeze %dma_start3A_117 : memref<1x125xi32, #tpu.memory_space<vmem>> -> memref<125xi32, #tpu.memory_space<vmem>>
    %dma_start3A_119 = arith.constant 0 : i32
    %dma_start3A_120 = arith.constant 0 : i32
    %dma_start3A_121 = tpu.memref_slice %arg12[%dma_start3A_119, %dma_start3A_120] : memref<10240x64xf32, #tpu.memory_space<vmem_shared>> -> memref<10240x64xf32, #tpu.memory_space<vmem_shared>>
    tpu.enqueue_indirect_dma source(%arg11 : memref<125x64xf32, #tpu.memory_space<vmem>>) target(%dma_start3A_121 : memref<10240x64xf32, #tpu.memory_space<vmem_shared>>) offsets(%dma_start3A_118 : memref<125xi32, #tpu.memory_space<vmem>>) semaphore(%arg20 : memref<!tpu.dma_semaphore, #tpu.memory_space<semaphore_mem>>) {add = true}
    %scan3A_122 = arith.constant 0 : i32
    %scan3A_123 = arith.constant 0 : i32
    %scan3A_124 = arith.constant 41 : i32
    %scan3A_125 = arith.addi %scan3A_123, %scan3A_124 : i32
    %scan3A_126 = arith.constant 1 : i32
    scf.for %scan3A_164 = %scan3A_123 to %scan3A_125 step %scan3A_126  : i32 {
      %mul3A_165 = arith.constant 4 : i32
      %mul3A_166 = arith.muli %mul3A_165, %scan3A_164 : i32
      %add3A_167 = arith.constant 0 : i32
      %add3A_168 = arith.addi %mul3A_166, %add3A_167 : i32
      %dma_wait3A_169 = arith.constant 0 : i32
      %dma_wait3A_170 = arith.constant 0 : i32
      %dma_wait3A_171 = tpu.memref_slice %arg6[%dma_wait3A_169, %dma_wait3A_170] : memref<164x125xi32, #tpu.memory_space<vmem>> -> memref<1x125xi32, #tpu.memory_space<vmem>>
      %dma_wait3A_172 = tpu.memref_squeeze %dma_wait3A_171 : memref<1x125xi32, #tpu.memory_space<vmem>> -> memref<125xi32, #tpu.memory_space<vmem>>
      %dma_wait3A_173 = arith.constant 0 : i32
      %dma_wait3A_174 = arith.constant 0 : i32
      %dma_wait3A_175 = tpu.memref_slice %arg2[%dma_wait3A_173, %dma_wait3A_174] : memref<40960x64xf32, #tpu.memory_space<hbm>> -> memref<40960x64xf32, #tpu.memory_space<hbm>>
      tpu.wait_indirect_dma semaphore(%arg13 : memref<!tpu.dma_semaphore, #tpu.memory_space<semaphore_mem>>) src(%dma_wait3A_175 : memref<40960x64xf32, #tpu.memory_space<hbm>>) dst(%arg8 : memref<125x64xf32, #tpu.memory_space<vmem>>)
      %dma_start3A_176 = arith.constant 0 : i32
      %dma_start3A_177 = tpu.memref_slice %arg7[%add3A_168, %dma_start3A_176] : memref<164x125xi32, #tpu.memory_space<vmem>> -> memref<1x125xi32, #tpu.memory_space<vmem>>
      %dma_start3A_178 = tpu.memref_squeeze %dma_start3A_177 : memref<1x125xi32, #tpu.memory_space<vmem>> -> memref<125xi32, #tpu.memory_space<vmem>>
      %dma_start3A_179 = arith.constant 0 : i32
      %dma_start3A_180 = arith.constant 0 : i32
      %dma_start3A_181 = tpu.memref_slice %arg12[%dma_start3A_179, %dma_start3A_180] : memref<10240x64xf32, #tpu.memory_space<vmem_shared>> -> memref<10240x64xf32, #tpu.memory_space<vmem_shared>>
      tpu.enqueue_indirect_dma source(%arg8 : memref<125x64xf32, #tpu.memory_space<vmem>>) target(%dma_start3A_181 : memref<10240x64xf32, #tpu.memory_space<vmem_shared>>) offsets(%dma_start3A_178 : memref<125xi32, #tpu.memory_space<vmem>>) semaphore(%arg17 : memref<!tpu.dma_semaphore, #tpu.memory_space<semaphore_mem>>) {add = true}
      %dma_wait3A_182 = arith.constant 0 : i32
      %dma_wait3A_183 = arith.constant 0 : i32
      %dma_wait3A_184 = tpu.memref_slice %arg7[%dma_wait3A_182, %dma_wait3A_183] : memref<164x125xi32, #tpu.memory_space<vmem>> -> memref<1x125xi32, #tpu.memory_space<vmem>>
      %dma_wait3A_185 = tpu.memref_squeeze %dma_wait3A_184 : memref<1x125xi32, #tpu.memory_space<vmem>> -> memref<125xi32, #tpu.memory_space<vmem>>
      %dma_wait3A_186 = arith.constant 0 : i32
      %dma_wait3A_187 = arith.constant 0 : i32
      %dma_wait3A_188 = tpu.memref_slice %arg12[%dma_wait3A_186, %dma_wait3A_187] : memref<10240x64xf32, #tpu.memory_space<vmem_shared>> -> memref<10240x64xf32, #tpu.memory_space<vmem_shared>>
      tpu.wait_indirect_dma semaphore(%arg20 : memref<!tpu.dma_semaphore, #tpu.memory_space<semaphore_mem>>) src(%arg11 : memref<125x64xf32, #tpu.memory_space<vmem>>) dst(%dma_wait3A_188 : memref<10240x64xf32, #tpu.memory_space<vmem_shared>>)
      %add3A_189 = arith.constant 3 : i32
      %add3A_190 = arith.addi %add3A_168, %add3A_189 : i32
      %min3A = arith.constant 163 : i32
      %min3A_191 = arith.minsi %add3A_190, %min3A : i32
      %dma_start3A_192 = arith.constant 0 : i32
      %dma_start3A_193 = tpu.memref_slice %arg6[%min3A_191, %dma_start3A_192] : memref<164x125xi32, #tpu.memory_space<vmem>> -> memref<1x125xi32, #tpu.memory_space<vmem>>
      %dma_start3A_194 = tpu.memref_squeeze %dma_start3A_193 : memref<1x125xi32, #tpu.memory_space<vmem>> -> memref<125xi32, #tpu.memory_space<vmem>>
      %dma_start3A_195 = arith.constant 0 : i32
      %dma_start3A_196 = arith.constant 0 : i32
      %dma_start3A_197 = tpu.memref_slice %arg2[%dma_start3A_195, %dma_start3A_196] : memref<40960x64xf32, #tpu.memory_space<hbm>> -> memref<40960x64xf32, #tpu.memory_space<hbm>>
      tpu.enqueue_indirect_dma source(%dma_start3A_197 : memref<40960x64xf32, #tpu.memory_space<hbm>>) target(%arg11 : memref<125x64xf32, #tpu.memory_space<vmem>>) offsets(%dma_start3A_194 : memref<125xi32, #tpu.memory_space<vmem>>) semaphore(%arg16 : memref<!tpu.dma_semaphore, #tpu.memory_space<semaphore_mem>>)
      %mul3A_198 = arith.constant 4 : i32
      %mul3A_199 = arith.muli %mul3A_198, %scan3A_164 : i32
      %add3A_200 = arith.constant 1 : i32
      %add3A_201 = arith.addi %mul3A_199, %add3A_200 : i32
      %dma_wait3A_202 = arith.constant 0 : i32
      %dma_wait3A_203 = arith.constant 0 : i32
      %dma_wait3A_204 = tpu.memref_slice %arg6[%dma_wait3A_202, %dma_wait3A_203] : memref<164x125xi32, #tpu.memory_space<vmem>> -> memref<1x125xi32, #tpu.memory_space<vmem>>
      %dma_wait3A_205 = tpu.memref_squeeze %dma_wait3A_204 : memref<1x125xi32, #tpu.memory_space<vmem>> -> memref<125xi32, #tpu.memory_space<vmem>>
      %dma_wait3A_206 = arith.constant 0 : i32
      %dma_wait3A_207 = arith.constant 0 : i32
      %dma_wait3A_208 = tpu.memref_slice %arg2[%dma_wait3A_206, %dma_wait3A_207] : memref<40960x64xf32, #tpu.memory_space<hbm>> -> memref<40960x64xf32, #tpu.memory_space<hbm>>
      tpu.wait_indirect_dma semaphore(%arg14 : memref<!tpu.dma_semaphore, #tpu.memory_space<semaphore_mem>>) src(%dma_wait3A_208 : memref<40960x64xf32, #tpu.memory_space<hbm>>) dst(%arg9 : memref<125x64xf32, #tpu.memory_space<vmem>>)
      %dma_start3A_209 = arith.constant 0 : i32
      %dma_start3A_210 = tpu.memref_slice %arg7[%add3A_201, %dma_start3A_209] : memref<164x125xi32, #tpu.memory_space<vmem>> -> memref<1x125xi32, #tpu.memory_space<vmem>>
      %dma_start3A_211 = tpu.memref_squeeze %dma_start3A_210 : memref<1x125xi32, #tpu.memory_space<vmem>> -> memref<125xi32, #tpu.memory_space<vmem>>
      %dma_start3A_212 = arith.constant 0 : i32
      %dma_start3A_213 = arith.constant 0 : i32
      %dma_start3A_214 = tpu.memref_slice %arg12[%dma_start3A_212, %dma_start3A_213] : memref<10240x64xf32, #tpu.memory_space<vmem_shared>> -> memref<10240x64xf32, #tpu.memory_space<vmem_shared>>
      tpu.enqueue_indirect_dma source(%arg9 : memref<125x64xf32, #tpu.memory_space<vmem>>) target(%dma_start3A_214 : memref<10240x64xf32, #tpu.memory_space<vmem_shared>>) offsets(%dma_start3A_211 : memref<125xi32, #tpu.memory_space<vmem>>) semaphore(%arg18 : memref<!tpu.dma_semaphore, #tpu.memory_space<semaphore_mem>>) {add = true}
      %dma_wait3A_215 = arith.constant 0 : i32
      %dma_wait3A_216 = arith.constant 0 : i32
      %dma_wait3A_217 = tpu.memref_slice %arg7[%dma_wait3A_215, %dma_wait3A_216] : memref<164x125xi32, #tpu.memory_space<vmem>> -> memref<1x125xi32, #tpu.memory_space<vmem>>
      %dma_wait3A_218 = tpu.memref_squeeze %dma_wait3A_217 : memref<1x125xi32, #tpu.memory_space<vmem>> -> memref<125xi32, #tpu.memory_space<vmem>>
      %dma_wait3A_219 = arith.constant 0 : i32
      %dma_wait3A_220 = arith.constant 0 : i32
      %dma_wait3A_221 = tpu.memref_slice %arg12[%dma_wait3A_219, %dma_wait3A_220] : memref<10240x64xf32, #tpu.memory_space<vmem_shared>> -> memref<10240x64xf32, #tpu.memory_space<vmem_shared>>
      tpu.wait_indirect_dma semaphore(%arg17 : memref<!tpu.dma_semaphore, #tpu.memory_space<semaphore_mem>>) src(%arg8 : memref<125x64xf32, #tpu.memory_space<vmem>>) dst(%dma_wait3A_221 : memref<10240x64xf32, #tpu.memory_space<vmem_shared>>)
      %add3A_222 = arith.constant 3 : i32
      %add3A_223 = arith.addi %add3A_201, %add3A_222 : i32
      %min3A_224 = arith.constant 163 : i32
      %min3A_225 = arith.minsi %add3A_223, %min3A_224 : i32
      %dma_start3A_226 = arith.constant 0 : i32
      %dma_start3A_227 = tpu.memref_slice %arg6[%min3A_225, %dma_start3A_226] : memref<164x125xi32, #tpu.memory_space<vmem>> -> memref<1x125xi32, #tpu.memory_space<vmem>>
      %dma_start3A_228 = tpu.memref_squeeze %dma_start3A_227 : memref<1x125xi32, #tpu.memory_space<vmem>> -> memref<125xi32, #tpu.memory_space<vmem>>
      %dma_start3A_229 = arith.constant 0 : i32
      %dma_start3A_230 = arith.constant 0 : i32
      %dma_start3A_231 = tpu.memref_slice %arg2[%dma_start3A_229, %dma_start3A_230] : memref<40960x64xf32, #tpu.memory_space<hbm>> -> memref<40960x64xf32, #tpu.memory_space<hbm>>
      tpu.enqueue_indirect_dma source(%dma_start3A_231 : memref<40960x64xf32, #tpu.memory_space<hbm>>) target(%arg8 : memref<125x64xf32, #tpu.memory_space<vmem>>) offsets(%dma_start3A_228 : memref<125xi32, #tpu.memory_space<vmem>>) semaphore(%arg13 : memref<!tpu.dma_semaphore, #tpu.memory_space<semaphore_mem>>)
      %mul3A_232 = arith.constant 4 : i32
      %mul3A_233 = arith.muli %mul3A_232, %scan3A_164 : i32
      %add3A_234 = arith.constant 2 : i32
      %add3A_235 = arith.addi %mul3A_233, %add3A_234 : i32
      %dma_wait3A_236 = arith.constant 0 : i32
      %dma_wait3A_237 = arith.constant 0 : i32
      %dma_wait3A_238 = tpu.memref_slice %arg6[%dma_wait3A_236, %dma_wait3A_237] : memref<164x125xi32, #tpu.memory_space<vmem>> -> memref<1x125xi32, #tpu.memory_space<vmem>>
      %dma_wait3A_239 = tpu.memref_squeeze %dma_wait3A_238 : memref<1x125xi32, #tpu.memory_space<vmem>> -> memref<125xi32, #tpu.memory_space<vmem>>
      %dma_wait3A_240 = arith.constant 0 : i32
      %dma_wait3A_241 = arith.constant 0 : i32
      %dma_wait3A_242 = tpu.memref_slice %arg2[%dma_wait3A_240, %dma_wait3A_241] : memref<40960x64xf32, #tpu.memory_space<hbm>> -> memref<40960x64xf32, #tpu.memory_space<hbm>>
      tpu.wait_indirect_dma semaphore(%arg15 : memref<!tpu.dma_semaphore, #tpu.memory_space<semaphore_mem>>) src(%dma_wait3A_242 : memref<40960x64xf32, #tpu.memory_space<hbm>>) dst(%arg10 : memref<125x64xf32, #tpu.memory_space<vmem>>)
      %dma_start3A_243 = arith.constant 0 : i32
      %dma_start3A_244 = tpu.memref_slice %arg7[%add3A_235, %dma_start3A_243] : memref<164x125xi32, #tpu.memory_space<vmem>> -> memref<1x125xi32, #tpu.memory_space<vmem>>
      %dma_start3A_245 = tpu.memref_squeeze %dma_start3A_244 : memref<1x125xi32, #tpu.memory_space<vmem>> -> memref<125xi32, #tpu.memory_space<vmem>>
      %dma_start3A_246 = arith.constant 0 : i32
      %dma_start3A_247 = arith.constant 0 : i32
      %dma_start3A_248 = tpu.memref_slice %arg12[%dma_start3A_246, %dma_start3A_247] : memref<10240x64xf32, #tpu.memory_space<vmem_shared>> -> memref<10240x64xf32, #tpu.memory_space<vmem_shared>>
      tpu.enqueue_indirect_dma source(%arg10 : memref<125x64xf32, #tpu.memory_space<vmem>>) target(%dma_start3A_248 : memref<10240x64xf32, #tpu.memory_space<vmem_shared>>) offsets(%dma_start3A_245 : memref<125xi32, #tpu.memory_space<vmem>>) semaphore(%arg19 : memref<!tpu.dma_semaphore, #tpu.memory_space<semaphore_mem>>) {add = true}
      %dma_wait3A_249 = arith.constant 0 : i32
      %dma_wait3A_250 = arith.constant 0 : i32
      %dma_wait3A_251 = tpu.memref_slice %arg7[%dma_wait3A_249, %dma_wait3A_250] : memref<164x125xi32, #tpu.memory_space<vmem>> -> memref<1x125xi32, #tpu.memory_space<vmem>>
      %dma_wait3A_252 = tpu.memref_squeeze %dma_wait3A_251 : memref<1x125xi32, #tpu.memory_space<vmem>> -> memref<125xi32, #tpu.memory_space<vmem>>
      %dma_wait3A_253 = arith.constant 0 : i32
      %dma_wait3A_254 = arith.constant 0 : i32
      %dma_wait3A_255 = tpu.memref_slice %arg12[%dma_wait3A_253, %dma_wait3A_254] : memref<10240x64xf32, #tpu.memory_space<vmem_shared>> -> memref<10240x64xf32, #tpu.memory_space<vmem_shared>>
      tpu.wait_indirect_dma semaphore(%arg18 : memref<!tpu.dma_semaphore, #tpu.memory_space<semaphore_mem>>) src(%arg9 : memref<125x64xf32, #tpu.memory_space<vmem>>) dst(%dma_wait3A_255 : memref<10240x64xf32, #tpu.memory_space<vmem_shared>>)
      %add3A_256 = arith.constant 3 : i32
      %add3A_257 = arith.addi %add3A_235, %add3A_256 : i32
      %min3A_258 = arith.constant 163 : i32
      %min3A_259 = arith.minsi %add3A_257, %min3A_258 : i32
      %dma_start3A_260 = arith.constant 0 : i32
      %dma_start3A_261 = tpu.memref_slice %arg6[%min3A_259, %dma_start3A_260] : memref<164x125xi32, #tpu.memory_space<vmem>> -> memref<1x125xi32, #tpu.memory_space<vmem>>
      %dma_start3A_262 = tpu.memref_squeeze %dma_start3A_261 : memref<1x125xi32, #tpu.memory_space<vmem>> -> memref<125xi32, #tpu.memory_space<vmem>>
      %dma_start3A_263 = arith.constant 0 : i32
      %dma_start3A_264 = arith.constant 0 : i32
      %dma_start3A_265 = tpu.memref_slice %arg2[%dma_start3A_263, %dma_start3A_264] : memref<40960x64xf32, #tpu.memory_space<hbm>> -> memref<40960x64xf32, #tpu.memory_space<hbm>>
      tpu.enqueue_indirect_dma source(%dma_start3A_265 : memref<40960x64xf32, #tpu.memory_space<hbm>>) target(%arg9 : memref<125x64xf32, #tpu.memory_space<vmem>>) offsets(%dma_start3A_262 : memref<125xi32, #tpu.memory_space<vmem>>) semaphore(%arg14 : memref<!tpu.dma_semaphore, #tpu.memory_space<semaphore_mem>>)
      %mul3A_266 = arith.constant 4 : i32
      %mul3A_267 = arith.muli %mul3A_266, %scan3A_164 : i32
      %add3A_268 = arith.constant 3 : i32
      %add3A_269 = arith.addi %mul3A_267, %add3A_268 : i32
      %dma_wait3A_270 = arith.constant 0 : i32
      %dma_wait3A_271 = arith.constant 0 : i32
      %dma_wait3A_272 = tpu.memref_slice %arg6[%dma_wait3A_270, %dma_wait3A_271] : memref<164x125xi32, #tpu.memory_space<vmem>> -> memref<1x125xi32, #tpu.memory_space<vmem>>
      %dma_wait3A_273 = tpu.memref_squeeze %dma_wait3A_272 : memref<1x125xi32, #tpu.memory_space<vmem>> -> memref<125xi32, #tpu.memory_space<vmem>>
      %dma_wait3A_274 = arith.constant 0 : i32
      %dma_wait3A_275 = arith.constant 0 : i32
      %dma_wait3A_276 = tpu.memref_slice %arg2[%dma_wait3A_274, %dma_wait3A_275] : memref<40960x64xf32, #tpu.memory_space<hbm>> -> memref<40960x64xf32, #tpu.memory_space<hbm>>
      tpu.wait_indirect_dma semaphore(%arg16 : memref<!tpu.dma_semaphore, #tpu.memory_space<semaphore_mem>>) src(%dma_wait3A_276 : memref<40960x64xf32, #tpu.memory_space<hbm>>) dst(%arg11 : memref<125x64xf32, #tpu.memory_space<vmem>>)
      %dma_start3A_277 = arith.constant 0 : i32
      %dma_start3A_278 = tpu.memref_slice %arg7[%add3A_269, %dma_start3A_277] : memref<164x125xi32, #tpu.memory_space<vmem>> -> memref<1x125xi32, #tpu.memory_space<vmem>>
      %dma_start3A_279 = tpu.memref_squeeze %dma_start3A_278 : memref<1x125xi32, #tpu.memory_space<vmem>> -> memref<125xi32, #tpu.memory_space<vmem>>
      %dma_start3A_280 = arith.constant 0 : i32
      %dma_start3A_281 = arith.constant 0 : i32
      %dma_start3A_282 = tpu.memref_slice %arg12[%dma_start3A_280, %dma_start3A_281] : memref<10240x64xf32, #tpu.memory_space<vmem_shared>> -> memref<10240x64xf32, #tpu.memory_space<vmem_shared>>
      tpu.enqueue_indirect_dma source(%arg11 : memref<125x64xf32, #tpu.memory_space<vmem>>) target(%dma_start3A_282 : memref<10240x64xf32, #tpu.memory_space<vmem_shared>>) offsets(%dma_start3A_279 : memref<125xi32, #tpu.memory_space<vmem>>) semaphore(%arg20 : memref<!tpu.dma_semaphore, #tpu.memory_space<semaphore_mem>>) {add = true}
      %dma_wait3A_283 = arith.constant 0 : i32
      %dma_wait3A_284 = arith.constant 0 : i32
      %dma_wait3A_285 = tpu.memref_slice %arg7[%dma_wait3A_283, %dma_wait3A_284] : memref<164x125xi32, #tpu.memory_space<vmem>> -> memref<1x125xi32, #tpu.memory_space<vmem>>
      %dma_wait3A_286 = tpu.memref_squeeze %dma_wait3A_285 : memref<1x125xi32, #tpu.memory_space<vmem>> -> memref<125xi32, #tpu.memory_space<vmem>>
      %dma_wait3A_287 = arith.constant 0 : i32
      %dma_wait3A_288 = arith.constant 0 : i32
      %dma_wait3A_289 = tpu.memref_slice %arg12[%dma_wait3A_287, %dma_wait3A_288] : memref<10240x64xf32, #tpu.memory_space<vmem_shared>> -> memref<10240x64xf32, #tpu.memory_space<vmem_shared>>
      tpu.wait_indirect_dma semaphore(%arg19 : memref<!tpu.dma_semaphore, #tpu.memory_space<semaphore_mem>>) src(%arg10 : memref<125x64xf32, #tpu.memory_space<vmem>>) dst(%dma_wait3A_289 : memref<10240x64xf32, #tpu.memory_space<vmem_shared>>)
      %add3A_290 = arith.constant 3 : i32
      %add3A_291 = arith.addi %add3A_269, %add3A_290 : i32
      %min3A_292 = arith.constant 163 : i32
      %min3A_293 = arith.minsi %add3A_291, %min3A_292 : i32
      %dma_start3A_294 = arith.constant 0 : i32
      %dma_start3A_295 = tpu.memref_slice %arg6[%min3A_293, %dma_start3A_294] : memref<164x125xi32, #tpu.memory_space<vmem>> -> memref<1x125xi32, #tpu.memory_space<vmem>>
      %dma_start3A_296 = tpu.memref_squeeze %dma_start3A_295 : memref<1x125xi32, #tpu.memory_space<vmem>> -> memref<125xi32, #tpu.memory_space<vmem>>
      %dma_start3A_297 = arith.constant 0 : i32
      %dma_start3A_298 = arith.constant 0 : i32
      %dma_start3A_299 = tpu.memref_slice %arg2[%dma_start3A_297, %dma_start3A_298] : memref<40960x64xf32, #tpu.memory_space<hbm>> -> memref<40960x64xf32, #tpu.memory_space<hbm>>
      tpu.enqueue_indirect_dma source(%dma_start3A_299 : memref<40960x64xf32, #tpu.memory_space<hbm>>) target(%arg10 : memref<125x64xf32, #tpu.memory_space<vmem>>) offsets(%dma_start3A_296 : memref<125xi32, #tpu.memory_space<vmem>>) semaphore(%arg15 : memref<!tpu.dma_semaphore, #tpu.memory_space<semaphore_mem>>)
    }
    %scan3A_127 = arith.constant 41 : i32
    %dma_wait3A_128 = arith.constant 0 : i32
    %dma_wait3A_129 = arith.constant 0 : i32
    %dma_wait3A_130 = tpu.memref_slice %arg6[%dma_wait3A_128, %dma_wait3A_129] : memref<164x125xi32, #tpu.memory_space<vmem>> -> memref<1x125xi32, #tpu.memory_space<vmem>>
    %dma_wait3A_131 = tpu.memref_squeeze %dma_wait3A_130 : memref<1x125xi32, #tpu.memory_space<vmem>> -> memref<125xi32, #tpu.memory_space<vmem>>
    %dma_wait3A_132 = arith.constant 0 : i32
    %dma_wait3A_133 = arith.constant 0 : i32
    %dma_wait3A_134 = tpu.memref_slice %arg2[%dma_wait3A_132, %dma_wait3A_133] : memref<40960x64xf32, #tpu.memory_space<hbm>> -> memref<40960x64xf32, #tpu.memory_space<hbm>>
    tpu.wait_indirect_dma semaphore(%arg13 : memref<!tpu.dma_semaphore, #tpu.memory_space<semaphore_mem>>) src(%dma_wait3A_134 : memref<40960x64xf32, #tpu.memory_space<hbm>>) dst(%arg8 : memref<125x64xf32, #tpu.memory_space<vmem>>)
    %dma_wait3A_135 = arith.constant 0 : i32
    %dma_wait3A_136 = arith.constant 0 : i32
    %dma_wait3A_137 = tpu.memref_slice %arg6[%dma_wait3A_135, %dma_wait3A_136] : memref<164x125xi32, #tpu.memory_space<vmem>> -> memref<1x125xi32, #tpu.memory_space<vmem>>
    %dma_wait3A_138 = tpu.memref_squeeze %dma_wait3A_137 : memref<1x125xi32, #tpu.memory_space<vmem>> -> memref<125xi32, #tpu.memory_space<vmem>>
    %dma_wait3A_139 = arith.constant 0 : i32
    %dma_wait3A_140 = arith.constant 0 : i32
    %dma_wait3A_141 = tpu.memref_slice %arg2[%dma_wait3A_139, %dma_wait3A_140] : memref<40960x64xf32, #tpu.memory_space<hbm>> -> memref<40960x64xf32, #tpu.memory_space<hbm>>
    tpu.wait_indirect_dma semaphore(%arg14 : memref<!tpu.dma_semaphore, #tpu.memory_space<semaphore_mem>>) src(%dma_wait3A_141 : memref<40960x64xf32, #tpu.memory_space<hbm>>) dst(%arg9 : memref<125x64xf32, #tpu.memory_space<vmem>>)
    %dma_wait3A_142 = arith.constant 0 : i32
    %dma_wait3A_143 = arith.constant 0 : i32
    %dma_wait3A_144 = tpu.memref_slice %arg6[%dma_wait3A_142, %dma_wait3A_143] : memref<164x125xi32, #tpu.memory_space<vmem>> -> memref<1x125xi32, #tpu.memory_space<vmem>>
    %dma_wait3A_145 = tpu.memref_squeeze %dma_wait3A_144 : memref<1x125xi32, #tpu.memory_space<vmem>> -> memref<125xi32, #tpu.memory_space<vmem>>
    %dma_wait3A_146 = arith.constant 0 : i32
    %dma_wait3A_147 = arith.constant 0 : i32
    %dma_wait3A_148 = tpu.memref_slice %arg2[%dma_wait3A_146, %dma_wait3A_147] : memref<40960x64xf32, #tpu.memory_space<hbm>> -> memref<40960x64xf32, #tpu.memory_space<hbm>>
    tpu.wait_indirect_dma semaphore(%arg15 : memref<!tpu.dma_semaphore, #tpu.memory_space<semaphore_mem>>) src(%dma_wait3A_148 : memref<40960x64xf32, #tpu.memory_space<hbm>>) dst(%arg10 : memref<125x64xf32, #tpu.memory_space<vmem>>)
    %dma_wait3A_149 = arith.constant 0 : i32
    %dma_wait3A_150 = arith.constant 0 : i32
    %dma_wait3A_151 = tpu.memref_slice %arg7[%dma_wait3A_149, %dma_wait3A_150] : memref<164x125xi32, #tpu.memory_space<vmem>> -> memref<1x125xi32, #tpu.memory_space<vmem>>
    %dma_wait3A_152 = tpu.memref_squeeze %dma_wait3A_151 : memref<1x125xi32, #tpu.memory_space<vmem>> -> memref<125xi32, #tpu.memory_space<vmem>>
    %dma_wait3A_153 = arith.constant 0 : i32
    %dma_wait3A_154 = arith.constant 0 : i32
    %dma_wait3A_155 = tpu.memref_slice %arg12[%dma_wait3A_153, %dma_wait3A_154] : memref<10240x64xf32, #tpu.memory_space<vmem_shared>> -> memref<10240x64xf32, #tpu.memory_space<vmem_shared>>
    tpu.wait_indirect_dma semaphore(%arg20 : memref<!tpu.dma_semaphore, #tpu.memory_space<semaphore_mem>>) src(%arg11 : memref<125x64xf32, #tpu.memory_space<vmem>>) dst(%dma_wait3A_155 : memref<10240x64xf32, #tpu.memory_space<vmem_shared>>)
    %barrier3A_156 = arith.constant 0 : index
    tpu.barrier barrier_id(%barrier3A_156)
    %mul3A_157 = arith.constant 640 : i32
    %mul3A_158 = arith.muli %arg1, %mul3A_157 : i32
    %mul3A_159 = arith.constant 10240 : i32
    %mul3A_160 = arith.muli %add3A_82, %mul3A_159 : i32
    %mul3A_161 = arith.constant 640 : i32
    %mul3A_162 = arith.muli %arg1, %mul3A_161 : i32
    %add3A_163 = arith.addi %mul3A_160, %mul3A_162 : i32
    "tpu.region"() ({
      %run_scoped3A = tpu.sem_alloc : memref<!tpu.dma_semaphore, #tpu.memory_space<semaphore_mem>>
      %dma_start3A_164 = arith.constant 0 : i32
      %dma_start3A_165 = tpu.memref_slice %arg5[%add3A_163, %dma_start3A_164] : memref<40960x64xf32, #tpu.memory_space<hbm>> -> memref<640x64xf32, #tpu.memory_space<hbm>>
      %dma_start3A_166 = arith.constant 0 : i32
      %dma_start3A_167 = tpu.memref_slice %arg12[%mul3A_158, %dma_start3A_166] : memref<10240x64xf32, #tpu.memory_space<vmem_shared>> -> memref<640x64xf32, #tpu.memory_space<vmem_shared>>
      tpu.enqueue_dma source(%dma_start3A_167 : memref<640x64xf32, #tpu.memory_space<vmem_shared>>) target(%dma_start3A_165 : memref<640x64xf32, #tpu.memory_space<hbm>>) target_semaphore(%run_scoped3A : memref<!tpu.dma_semaphore, #tpu.memory_space<semaphore_mem>>)
      %dma_wait3A_168 = arith.constant 0 : i32
      %dma_wait3A_169 = tpu.memref_slice %arg5[%add3A_163, %dma_wait3A_168] : memref<40960x64xf32, #tpu.memory_space<hbm>> -> memref<640x64xf32, #tpu.memory_space<hbm>>
      %dma_wait3A_170 = arith.constant 0 : i32
      %dma_wait3A_171 = tpu.memref_slice %arg12[%mul3A_158, %dma_wait3A_170] : memref<10240x64xf32, #tpu.memory_space<vmem_shared>> -> memref<640x64xf32, #tpu.memory_space<vmem_shared>>
      tpu.wait_dma2 semaphore(%run_scoped3A : memref<!tpu.dma_semaphore, #tpu.memory_space<semaphore_mem>>) src(%dma_wait3A_171 : memref<640x64xf32, #tpu.memory_space<vmem_shared>>) dst(%dma_wait3A_169 : memref<640x64xf32, #tpu.memory_space<hbm>>)
      tpu.yield
    }) : () -> ()
    return
  }
}

#map = affine_map<(d0, d1) -> (0, 0, 0)>
#map1 = affine_map<(d0, d1) -> (0)>
module attributes {stable_mosaic.version = 14 : i64} {
  func.func @_deg_kernel(%arg0: i32, %arg1: i32, %arg2: memref<32x125x80xi32, #tpu.memory_space<hbm>>, %arg3: memref<10240xf32, #tpu.memory_space<hbm>>, %arg4: memref<20480xf32, #tpu.memory_space<hbm>>, %arg5: memref<125x80xi32, #tpu.memory_space<vmem>>, %arg6: memref<80xf32, #tpu.memory_space<vmem>>, %arg7: memref<10240xf32, #tpu.memory_space<vmem_shared>>) attributes {dimension_semantics = [#tpu.dimension_semantics<core_parallel>, #tpu.dimension_semantics<subcore_parallel>], iteration_bounds = array<i64: 2, 16>, scalar_prefetch = 0 : i64, scratch_operands = 3 : i64, tpu.core_type = #tpu.core_type<sc_vector_subcore>, window_params = [{transform_indices = #map}, {transform_indices = #map1}, {transform_indices = #map1}]} {
    %mul3A = arith.constant 16 : i32
    %mul3A_0 = arith.muli %arg0, %mul3A : i32
    %add3A = arith.addi %mul3A_0, %arg1 : i32
    "tpu.region"() ({
      %run_scoped3A = tpu.sem_alloc : memref<!tpu.dma_semaphore, #tpu.memory_space<semaphore_mem>>
      %dma_start3A = arith.constant 0 : i32
      %dma_start3A_46 = arith.constant 0 : i32
      %dma_start3A_47 = tpu.memref_slice %arg2[%add3A, %dma_start3A, %dma_start3A_46] : memref<32x125x80xi32, #tpu.memory_space<hbm>> -> memref<1x125x80xi32, #tpu.memory_space<hbm>>
      %dma_start3A_48 = tpu.memref_squeeze %dma_start3A_47 : memref<1x125x80xi32, #tpu.memory_space<hbm>> -> memref<125x80xi32, #tpu.memory_space<hbm>>
      %dma_start3A_49 = arith.constant 0 : i32
      %dma_start3A_50 = arith.constant 0 : i32
      %dma_start3A_51 = tpu.memref_slice %arg2[%add3A, %dma_start3A_49, %dma_start3A_50] : memref<32x125x80xi32, #tpu.memory_space<hbm>> -> memref<1x125x80xi32, #tpu.memory_space<hbm>>
      %dma_start3A_52 = tpu.memref_squeeze %dma_start3A_51 : memref<1x125x80xi32, #tpu.memory_space<hbm>> -> memref<125x80xi32, #tpu.memory_space<hbm>>
      tpu.enqueue_dma source(%dma_start3A_52 : memref<125x80xi32, #tpu.memory_space<hbm>>) target(%arg5 : memref<125x80xi32, #tpu.memory_space<vmem>>) target_semaphore(%run_scoped3A : memref<!tpu.dma_semaphore, #tpu.memory_space<semaphore_mem>>)
      %dma_wait3A = arith.constant 0 : i32
      %dma_wait3A_53 = arith.constant 0 : i32
      %dma_wait3A_54 = tpu.memref_slice %arg2[%add3A, %dma_wait3A, %dma_wait3A_53] : memref<32x125x80xi32, #tpu.memory_space<hbm>> -> memref<1x125x80xi32, #tpu.memory_space<hbm>>
      %dma_wait3A_55 = tpu.memref_squeeze %dma_wait3A_54 : memref<1x125x80xi32, #tpu.memory_space<hbm>> -> memref<125x80xi32, #tpu.memory_space<hbm>>
      %dma_wait3A_56 = arith.constant 0 : i32
      %dma_wait3A_57 = arith.constant 0 : i32
      %dma_wait3A_58 = tpu.memref_slice %arg2[%add3A, %dma_wait3A_56, %dma_wait3A_57] : memref<32x125x80xi32, #tpu.memory_space<hbm>> -> memref<1x125x80xi32, #tpu.memory_space<hbm>>
      %dma_wait3A_59 = tpu.memref_squeeze %dma_wait3A_58 : memref<1x125x80xi32, #tpu.memory_space<hbm>> -> memref<125x80xi32, #tpu.memory_space<hbm>>
      tpu.wait_dma2 semaphore(%run_scoped3A : memref<!tpu.dma_semaphore, #tpu.memory_space<semaphore_mem>>) src(%dma_wait3A_59 : memref<125x80xi32, #tpu.memory_space<hbm>>) dst(%arg5 : memref<125x80xi32, #tpu.memory_space<vmem>>)
      tpu.yield
    }) : () -> ()
    %mul3A_1 = arith.constant 640 : i32
    %mul3A_2 = arith.muli %arg1, %mul3A_1 : i32
    %mul3A_3 = arith.constant 640 : i32
    %mul3A_4 = arith.muli %arg1, %mul3A_3 : i32
    "tpu.region"() ({
      %run_scoped3A = tpu.sem_alloc : memref<!tpu.dma_semaphore, #tpu.memory_space<semaphore_mem>>
      %dma_start3A = tpu.memref_slice %arg7[%mul3A_4] : memref<10240xf32, #tpu.memory_space<vmem_shared>> -> memref<640xf32, #tpu.memory_space<vmem_shared>>
      %dma_start3A_46 = tpu.memref_slice %arg3[%mul3A_2] : memref<10240xf32, #tpu.memory_space<hbm>> -> memref<640xf32, #tpu.memory_space<hbm>>
      tpu.enqueue_dma source(%dma_start3A_46 : memref<640xf32, #tpu.memory_space<hbm>>) target(%dma_start3A : memref<640xf32, #tpu.memory_space<vmem_shared>>) target_semaphore(%run_scoped3A : memref<!tpu.dma_semaphore, #tpu.memory_space<semaphore_mem>>)
      %dma_wait3A = tpu.memref_slice %arg7[%mul3A_4] : memref<10240xf32, #tpu.memory_space<vmem_shared>> -> memref<640xf32, #tpu.memory_space<vmem_shared>>
      %dma_wait3A_47 = tpu.memref_slice %arg3[%mul3A_2] : memref<10240xf32, #tpu.memory_space<hbm>> -> memref<640xf32, #tpu.memory_space<hbm>>
      tpu.wait_dma2 semaphore(%run_scoped3A : memref<!tpu.dma_semaphore, #tpu.memory_space<semaphore_mem>>) src(%dma_wait3A_47 : memref<640xf32, #tpu.memory_space<hbm>>) dst(%dma_wait3A : memref<640xf32, #tpu.memory_space<vmem_shared>>)
      tpu.yield
    }) : () -> ()
    %broadcast_in_dim3A = arith.constant 1.000000e+00 : f32
    %broadcast_in_dim3A_5 = vector.broadcast %broadcast_in_dim3A : f32 to vector<16xf32>
    %swap3A = arith.constant 0 : index
    %swap3A_6 = tpu.vector_load %arg6[%swap3A] {strides = array<i32>} : memref<80xf32, #tpu.memory_space<vmem>>, vector<16xf32>,
    %swap3A_7 = vector.shape_cast %swap3A_6 : vector<16xf32> to vector<16xf32>
    %swap3A_8 = vector.shape_cast %broadcast_in_dim3A_5 : vector<16xf32> to vector<16xf32>
    tpu.vector_store %arg6[%swap3A], %swap3A_8 {strides = array<i32>} : memref<80xf32, #tpu.memory_space<vmem>>, vector<16xf32>,
    %broadcast_in_dim3A_9 = arith.constant 1.000000e+00 : f32
    %broadcast_in_dim3A_10 = vector.broadcast %broadcast_in_dim3A_9 : f32 to vector<16xf32>
    %swap3A_11 = arith.constant 16 : index
    %swap3A_12 = tpu.vector_load %arg6[%swap3A_11] {strides = array<i32>} : memref<80xf32, #tpu.memory_space<vmem>>, vector<16xf32>,
    %swap3A_13 = vector.shape_cast %swap3A_12 : vector<16xf32> to vector<16xf32>
    %swap3A_14 = vector.shape_cast %broadcast_in_dim3A_10 : vector<16xf32> to vector<16xf32>
    tpu.vector_store %arg6[%swap3A_11], %swap3A_14 {strides = array<i32>} : memref<80xf32, #tpu.memory_space<vmem>>, vector<16xf32>,
    %broadcast_in_dim3A_15 = arith.constant 1.000000e+00 : f32
    %broadcast_in_dim3A_16 = vector.broadcast %broadcast_in_dim3A_15 : f32 to vector<16xf32>
    %swap3A_17 = arith.constant 32 : index
    %swap3A_18 = tpu.vector_load %arg6[%swap3A_17] {strides = array<i32>} : memref<80xf32, #tpu.memory_space<vmem>>, vector<16xf32>,
    %swap3A_19 = vector.shape_cast %swap3A_18 : vector<16xf32> to vector<16xf32>
    %swap3A_20 = vector.shape_cast %broadcast_in_dim3A_16 : vector<16xf32> to vector<16xf32>
    tpu.vector_store %arg6[%swap3A_17], %swap3A_20 {strides = array<i32>} : memref<80xf32, #tpu.memory_space<vmem>>, vector<16xf32>,
    %broadcast_in_dim3A_21 = arith.constant 1.000000e+00 : f32
    %broadcast_in_dim3A_22 = vector.broadcast %broadcast_in_dim3A_21 : f32 to vector<16xf32>
    %swap3A_23 = arith.constant 48 : index
    %swap3A_24 = tpu.vector_load %arg6[%swap3A_23] {strides = array<i32>} : memref<80xf32, #tpu.memory_space<vmem>>, vector<16xf32>,
    %swap3A_25 = vector.shape_cast %swap3A_24 : vector<16xf32> to vector<16xf32>
    %swap3A_26 = vector.shape_cast %broadcast_in_dim3A_22 : vector<16xf32> to vector<16xf32>
    tpu.vector_store %arg6[%swap3A_23], %swap3A_26 {strides = array<i32>} : memref<80xf32, #tpu.memory_space<vmem>>, vector<16xf32>,
    %broadcast_in_dim3A_27 = arith.constant 1.000000e+00 : f32
    %broadcast_in_dim3A_28 = vector.broadcast %broadcast_in_dim3A_27 : f32 to vector<16xf32>
    %swap3A_29 = arith.constant 64 : index
    %swap3A_30 = tpu.vector_load %arg6[%swap3A_29] {strides = array<i32>} : memref<80xf32, #tpu.memory_space<vmem>>, vector<16xf32>,
    %swap3A_31 = vector.shape_cast %swap3A_30 : vector<16xf32> to vector<16xf32>
    %swap3A_32 = vector.shape_cast %broadcast_in_dim3A_28 : vector<16xf32> to vector<16xf32>
    tpu.vector_store %arg6[%swap3A_29], %swap3A_32 {strides = array<i32>} : memref<80xf32, #tpu.memory_space<vmem>>, vector<16xf32>,
    %barrier3A = arith.constant 0 : index
    tpu.barrier barrier_id(%barrier3A)
    %scan3A = arith.constant 0 : i32
    %scan3A_33 = arith.constant 0 : i32
    %scan3A_34 = arith.constant 125 : i32
    %scan3A_35 = arith.addi %scan3A_33, %scan3A_34 : i32
    %scan3A_36 = arith.constant 1 : i32
    scf.for %scan3A_46 = %scan3A_33 to %scan3A_35 step %scan3A_36  : i32 {
      "tpu.region"() ({
        %run_scoped3A = tpu.sem_alloc : memref<!tpu.dma_semaphore, #tpu.memory_space<semaphore_mem>>
        %dma_start3A = arith.constant 0 : i32
        %dma_start3A_47 = tpu.memref_slice %arg5[%scan3A_46, %dma_start3A] : memref<125x80xi32, #tpu.memory_space<vmem>> -> memref<1x80xi32, #tpu.memory_space<vmem>>
        %dma_start3A_48 = tpu.memref_squeeze %dma_start3A_47 : memref<1x80xi32, #tpu.memory_space<vmem>> -> memref<80xi32, #tpu.memory_space<vmem>>
        %dma_start3A_49 = arith.constant 0 : i32
        %dma_start3A_50 = tpu.memref_slice %arg7[%dma_start3A_49] : memref<10240xf32, #tpu.memory_space<vmem_shared>> -> memref<10240xf32, #tpu.memory_space<vmem_shared>>
        tpu.enqueue_indirect_dma source(%arg6 : memref<80xf32, #tpu.memory_space<vmem>>) target(%dma_start3A_50 : memref<10240xf32, #tpu.memory_space<vmem_shared>>) offsets(%dma_start3A_48 : memref<80xi32, #tpu.memory_space<vmem>>) semaphore(%run_scoped3A : memref<!tpu.dma_semaphore, #tpu.memory_space<semaphore_mem>>) {add = true}
        %dma_wait3A = arith.constant 0 : i32
        %dma_wait3A_51 = tpu.memref_slice %arg5[%scan3A_46, %dma_wait3A] : memref<125x80xi32, #tpu.memory_space<vmem>> -> memref<1x80xi32, #tpu.memory_space<vmem>>
        %dma_wait3A_52 = tpu.memref_squeeze %dma_wait3A_51 : memref<1x80xi32, #tpu.memory_space<vmem>> -> memref<80xi32, #tpu.memory_space<vmem>>
        %dma_wait3A_53 = arith.constant 0 : i32
        %dma_wait3A_54 = tpu.memref_slice %arg7[%dma_wait3A_53] : memref<10240xf32, #tpu.memory_space<vmem_shared>> -> memref<10240xf32, #tpu.memory_space<vmem_shared>>
        tpu.wait_indirect_dma semaphore(%run_scoped3A : memref<!tpu.dma_semaphore, #tpu.memory_space<semaphore_mem>>) src(%arg6 : memref<80xf32, #tpu.memory_space<vmem>>) dst(%dma_wait3A_54 : memref<10240xf32, #tpu.memory_space<vmem_shared>>)
        tpu.yield
      }) : () -> ()
    }
    %scan3A_37 = arith.constant 125 : i32
    %barrier3A_38 = arith.constant 0 : index
    tpu.barrier barrier_id(%barrier3A_38)
    %mul3A_39 = arith.constant 640 : i32
    %mul3A_40 = arith.muli %arg1, %mul3A_39 : i32
    %mul3A_41 = arith.constant 10240 : i32
    %mul3A_42 = arith.muli %arg0, %mul3A_41 : i32
    %mul3A_43 = arith.constant 640 : i32
    %mul3A_44 = arith.muli %arg1, %mul3A_43 : i32
    %add3A_45 = arith.addi %mul3A_42, %mul3A_44 : i32
    "tpu.region"() ({
      %run_scoped3A = tpu.sem_alloc : memref<!tpu.dma_semaphore, #tpu.memory_space<semaphore_mem>>
      %dma_start3A = tpu.memref_slice %arg4[%add3A_45] : memref<20480xf32, #tpu.memory_space<hbm>> -> memref<640xf32, #tpu.memory_space<hbm>>
      %dma_start3A_46 = tpu.memref_slice %arg7[%mul3A_40] : memref<10240xf32, #tpu.memory_space<vmem_shared>> -> memref<640xf32, #tpu.memory_space<vmem_shared>>
      tpu.enqueue_dma source(%dma_start3A_46 : memref<640xf32, #tpu.memory_space<vmem_shared>>) target(%dma_start3A : memref<640xf32, #tpu.memory_space<hbm>>) target_semaphore(%run_scoped3A : memref<!tpu.dma_semaphore, #tpu.memory_space<semaphore_mem>>)
      %dma_wait3A = tpu.memref_slice %arg4[%add3A_45] : memref<20480xf32, #tpu.memory_space<hbm>> -> memref<640xf32, #tpu.memory_space<hbm>>
      %dma_wait3A_47 = tpu.memref_slice %arg7[%mul3A_40] : memref<10240xf32, #tpu.memory_space<vmem_shared>> -> memref<640xf32, #tpu.memory_space<vmem_shared>>
      tpu.wait_dma2 semaphore(%run_scoped3A : memref<!tpu.dma_semaphore, #tpu.memory_space<semaphore_mem>>) src(%dma_wait3A_47 : memref<640xf32, #tpu.memory_space<vmem_shared>>) dst(%dma_wait3A : memref<640xf32, #tpu.memory_space<hbm>>)
      tpu.yield
    }) : () -> ()
    return
  }
}

#map = affine_map<(d0, d1) -> (0, 0)>
#map1 = affine_map<(d0, d1) -> (0, 0, 0)>
module attributes {stable_mosaic.version = 14 : i64} {
  func.func @agg_kernel(%arg0: i32, %arg1: i32, %arg2: memref<20480x64xf32, #tpu.memory_space<hbm>>, %arg3: memref<64x164x125xi32, #tpu.memory_space<hbm>>, %arg4: memref<16x164x125xi32, #tpu.memory_space<hbm>>, %arg5: memref<20480x64xf32, #tpu.memory_space<hbm>>, %arg6: memref<164x125xi32, #tpu.memory_space<vmem>>, %arg7: memref<164x125xi32, #tpu.memory_space<vmem>>, %arg8: memref<125x64xf32, #tpu.memory_space<vmem>>, %arg9: memref<125x64xf32, #tpu.memory_space<vmem>>, %arg10: memref<125x64xf32, #tpu.memory_space<vmem>>, %arg11: memref<125x64xf32, #tpu.memory_space<vmem>>, %arg12: memref<10240x64xf32, #tpu.memory_space<vmem_shared>>, %arg13: memref<!tpu.dma_semaphore, #tpu.memory_space<semaphore_mem>>, %arg14: memref<!tpu.dma_semaphore, #tpu.memory_space<semaphore_mem>>, %arg15: memref<!tpu.dma_semaphore, #tpu.memory_space<semaphore_mem>>, %arg16: memref<!tpu.dma_semaphore, #tpu.memory_space<semaphore_mem>>, %arg17: memref<!tpu.dma_semaphore, #tpu.memory_space<semaphore_mem>>, %arg18: memref<!tpu.dma_semaphore, #tpu.memory_space<semaphore_mem>>, %arg19: memref<!tpu.dma_semaphore, #tpu.memory_space<semaphore_mem>>, %arg20: memref<!tpu.dma_semaphore, #tpu.memory_space<semaphore_mem>>) attributes {dimension_semantics = [#tpu.dimension_semantics<core_parallel>, #tpu.dimension_semantics<subcore_parallel>], iteration_bounds = array<i64: 2, 16>, scalar_prefetch = 0 : i64, scratch_operands = 15 : i64, tpu.core_type = #tpu.core_type<sc_vector_subcore>, window_params = [{transform_indices = #map}, {transform_indices = #map1}, {transform_indices = #map1}, {transform_indices = #map}]} {
    "tpu.region"() ({
      %run_scoped3A = tpu.sem_alloc : memref<!tpu.dma_semaphore, #tpu.memory_space<semaphore_mem>>
      %dma_start3A_79 = arith.constant 0 : i32
      %dma_start3A_80 = arith.constant 0 : i32
      %dma_start3A_81 = tpu.memref_slice %arg4[%arg1, %dma_start3A_79, %dma_start3A_80] : memref<16x164x125xi32, #tpu.memory_space<hbm>> -> memref<1x164x125xi32, #tpu.memory_space<hbm>>
      %dma_start3A_82 = tpu.memref_squeeze %dma_start3A_81 : memref<1x164x125xi32, #tpu.memory_space<hbm>> -> memref<164x125xi32, #tpu.memory_space<hbm>>
      %dma_start3A_83 = arith.constant 0 : i32
      %dma_start3A_84 = arith.constant 0 : i32
      %dma_start3A_85 = tpu.memref_slice %arg4[%arg1, %dma_start3A_83, %dma_start3A_84] : memref<16x164x125xi32, #tpu.memory_space<hbm>> -> memref<1x164x125xi32, #tpu.memory_space<hbm>>
      %dma_start3A_86 = tpu.memref_squeeze %dma_start3A_85 : memref<1x164x125xi32, #tpu.memory_space<hbm>> -> memref<164x125xi32, #tpu.memory_space<hbm>>
      tpu.enqueue_dma source(%dma_start3A_86 : memref<164x125xi32, #tpu.memory_space<hbm>>) target(%arg7 : memref<164x125xi32, #tpu.memory_space<vmem>>) target_semaphore(%run_scoped3A : memref<!tpu.dma_semaphore, #tpu.memory_space<semaphore_mem>>)
      %dma_wait3A_87 = arith.constant 0 : i32
      %dma_wait3A_88 = arith.constant 0 : i32
      %dma_wait3A_89 = tpu.memref_slice %arg4[%arg1, %dma_wait3A_87, %dma_wait3A_88] : memref<16x164x125xi32, #tpu.memory_space<hbm>> -> memref<1x164x125xi32, #tpu.memory_space<hbm>>
      %dma_wait3A_90 = tpu.memref_squeeze %dma_wait3A_89 : memref<1x164x125xi32, #tpu.memory_space<hbm>> -> memref<164x125xi32, #tpu.memory_space<hbm>>
      %dma_wait3A_91 = arith.constant 0 : i32
      %dma_wait3A_92 = arith.constant 0 : i32
      %dma_wait3A_93 = tpu.memref_slice %arg4[%arg1, %dma_wait3A_91, %dma_wait3A_92] : memref<16x164x125xi32, #tpu.memory_space<hbm>> -> memref<1x164x125xi32, #tpu.memory_space<hbm>>
      %dma_wait3A_94 = tpu.memref_squeeze %dma_wait3A_93 : memref<1x164x125xi32, #tpu.memory_space<hbm>> -> memref<164x125xi32, #tpu.memory_space<hbm>>
      tpu.wait_dma2 semaphore(%run_scoped3A : memref<!tpu.dma_semaphore, #tpu.memory_space<semaphore_mem>>) src(%dma_wait3A_94 : memref<164x125xi32, #tpu.memory_space<hbm>>) dst(%arg7 : memref<164x125xi32, #tpu.memory_space<vmem>>)
      tpu.yield
    }) : () -> ()
    %mul3A = arith.constant 1 : i32
    %mul3A_0 = arith.muli %arg0, %mul3A : i32
    %add3A = arith.constant 0 : i32
    %add3A_1 = arith.addi %mul3A_0, %add3A : i32
    %mul3A_2 = arith.constant 16 : i32
    %mul3A_3 = arith.muli %add3A_1, %mul3A_2 : i32
    %add3A_4 = arith.addi %mul3A_3, %arg1 : i32
    "tpu.region"() ({
      %run_scoped3A = tpu.sem_alloc : memref<!tpu.dma_semaphore, #tpu.memory_space<semaphore_mem>>
      %dma_start3A_79 = arith.constant 0 : i32
      %dma_start3A_80 = arith.constant 0 : i32
      %dma_start3A_81 = tpu.memref_slice %arg3[%add3A_4, %dma_start3A_79, %dma_start3A_80] : memref<64x164x125xi32, #tpu.memory_space<hbm>> -> memref<1x164x125xi32, #tpu.memory_space<hbm>>
      %dma_start3A_82 = tpu.memref_squeeze %dma_start3A_81 : memref<1x164x125xi32, #tpu.memory_space<hbm>> -> memref<164x125xi32, #tpu.memory_space<hbm>>
      %dma_start3A_83 = arith.constant 0 : i32
      %dma_start3A_84 = arith.constant 0 : i32
      %dma_start3A_85 = tpu.memref_slice %arg3[%add3A_4, %dma_start3A_83, %dma_start3A_84] : memref<64x164x125xi32, #tpu.memory_space<hbm>> -> memref<1x164x125xi32, #tpu.memory_space<hbm>>
      %dma_start3A_86 = tpu.memref_squeeze %dma_start3A_85 : memref<1x164x125xi32, #tpu.memory_space<hbm>> -> memref<164x125xi32, #tpu.memory_space<hbm>>
      tpu.enqueue_dma source(%dma_start3A_86 : memref<164x125xi32, #tpu.memory_space<hbm>>) target(%arg6 : memref<164x125xi32, #tpu.memory_space<vmem>>) target_semaphore(%run_scoped3A : memref<!tpu.dma_semaphore, #tpu.memory_space<semaphore_mem>>)
      %dma_wait3A_87 = arith.constant 0 : i32
      %dma_wait3A_88 = arith.constant 0 : i32
      %dma_wait3A_89 = tpu.memref_slice %arg3[%add3A_4, %dma_wait3A_87, %dma_wait3A_88] : memref<64x164x125xi32, #tpu.memory_space<hbm>> -> memref<1x164x125xi32, #tpu.memory_space<hbm>>
      %dma_wait3A_90 = tpu.memref_squeeze %dma_wait3A_89 : memref<1x164x125xi32, #tpu.memory_space<hbm>> -> memref<164x125xi32, #tpu.memory_space<hbm>>
      %dma_wait3A_91 = arith.constant 0 : i32
      %dma_wait3A_92 = arith.constant 0 : i32
      %dma_wait3A_93 = tpu.memref_slice %arg3[%add3A_4, %dma_wait3A_91, %dma_wait3A_92] : memref<64x164x125xi32, #tpu.memory_space<hbm>> -> memref<1x164x125xi32, #tpu.memory_space<hbm>>
      %dma_wait3A_94 = tpu.memref_squeeze %dma_wait3A_93 : memref<1x164x125xi32, #tpu.memory_space<hbm>> -> memref<164x125xi32, #tpu.memory_space<hbm>>
      tpu.wait_dma2 semaphore(%run_scoped3A : memref<!tpu.dma_semaphore, #tpu.memory_space<semaphore_mem>>) src(%dma_wait3A_94 : memref<164x125xi32, #tpu.memory_space<hbm>>) dst(%arg6 : memref<164x125xi32, #tpu.memory_space<vmem>>)
      tpu.yield
    }) : () -> ()
    %mul3A_5 = arith.constant 10240 : i32
    %mul3A_6 = arith.muli %add3A_1, %mul3A_5 : i32
    %mul3A_7 = arith.constant 640 : i32
    %mul3A_8 = arith.muli %arg1, %mul3A_7 : i32
    %add3A_9 = arith.addi %mul3A_6, %mul3A_8 : i32
    %mul3A_10 = arith.constant 640 : i32
    %mul3A_11 = arith.muli %arg1, %mul3A_10 : i32
    "tpu.region"() ({
      %run_scoped3A = tpu.sem_alloc : memref<!tpu.dma_semaphore, #tpu.memory_space<semaphore_mem>>
      %dma_start3A_79 = arith.constant 0 : i32
      %dma_start3A_80 = tpu.memref_slice %arg12[%mul3A_11, %dma_start3A_79] : memref<10240x64xf32, #tpu.memory_space<vmem_shared>> -> memref<640x64xf32, #tpu.memory_space<vmem_shared>>
      %dma_start3A_81 = arith.constant 0 : i32
      %dma_start3A_82 = tpu.memref_slice %arg2[%add3A_9, %dma_start3A_81] : memref<20480x64xf32, #tpu.memory_space<hbm>> -> memref<640x64xf32, #tpu.memory_space<hbm>>
      tpu.enqueue_dma source(%dma_start3A_82 : memref<640x64xf32, #tpu.memory_space<hbm>>) target(%dma_start3A_80 : memref<640x64xf32, #tpu.memory_space<vmem_shared>>) target_semaphore(%run_scoped3A : memref<!tpu.dma_semaphore, #tpu.memory_space<semaphore_mem>>)
      %dma_wait3A_83 = arith.constant 0 : i32
      %dma_wait3A_84 = tpu.memref_slice %arg12[%mul3A_11, %dma_wait3A_83] : memref<10240x64xf32, #tpu.memory_space<vmem_shared>> -> memref<640x64xf32, #tpu.memory_space<vmem_shared>>
      %dma_wait3A_85 = arith.constant 0 : i32
      %dma_wait3A_86 = tpu.memref_slice %arg2[%add3A_9, %dma_wait3A_85] : memref<20480x64xf32, #tpu.memory_space<hbm>> -> memref<640x64xf32, #tpu.memory_space<hbm>>
      tpu.wait_dma2 semaphore(%run_scoped3A : memref<!tpu.dma_semaphore, #tpu.memory_space<semaphore_mem>>) src(%dma_wait3A_86 : memref<640x64xf32, #tpu.memory_space<hbm>>) dst(%dma_wait3A_84 : memref<640x64xf32, #tpu.memory_space<vmem_shared>>)
      tpu.yield
    }) : () -> ()
    %barrier3A = arith.constant 0 : index
    tpu.barrier barrier_id(%barrier3A)
    %dma_start3A = arith.constant 0 : i32
    %dma_start3A_12 = arith.constant 0 : i32
    %dma_start3A_13 = tpu.memref_slice %arg6[%dma_start3A, %dma_start3A_12] : memref<164x125xi32, #tpu.memory_space<vmem>> -> memref<1x125xi32, #tpu.memory_space<vmem>>
    %dma_start3A_14 = tpu.memref_squeeze %dma_start3A_13 : memref<1x125xi32, #tpu.memory_space<vmem>> -> memref<125xi32, #tpu.memory_space<vmem>>
    %dma_start3A_15 = arith.constant 0 : i32
    %dma_start3A_16 = arith.constant 0 : i32
    %dma_start3A_17 = tpu.memref_slice %arg2[%dma_start3A_15, %dma_start3A_16] : memref<20480x64xf32, #tpu.memory_space<hbm>> -> memref<20480x64xf32, #tpu.memory_space<hbm>>
    tpu.enqueue_indirect_dma source(%dma_start3A_17 : memref<20480x64xf32, #tpu.memory_space<hbm>>) target(%arg8 : memref<125x64xf32, #tpu.memory_space<vmem>>) offsets(%dma_start3A_14 : memref<125xi32, #tpu.memory_space<vmem>>) semaphore(%arg13 : memref<!tpu.dma_semaphore, #tpu.memory_space<semaphore_mem>>)
    %dma_start3A_18 = arith.constant 1 : i32
    %dma_start3A_19 = arith.constant 0 : i32
    %dma_start3A_20 = tpu.memref_slice %arg6[%dma_start3A_18, %dma_start3A_19] : memref<164x125xi32, #tpu.memory_space<vmem>> -> memref<1x125xi32, #tpu.memory_space<vmem>>
    %dma_start3A_21 = tpu.memref_squeeze %dma_start3A_20 : memref<1x125xi32, #tpu.memory_space<vmem>> -> memref<125xi32, #tpu.memory_space<vmem>>
    %dma_start3A_22 = arith.constant 0 : i32
    %dma_start3A_23 = arith.constant 0 : i32
    %dma_start3A_24 = tpu.memref_slice %arg2[%dma_start3A_22, %dma_start3A_23] : memref<20480x64xf32, #tpu.memory_space<hbm>> -> memref<20480x64xf32, #tpu.memory_space<hbm>>
    tpu.enqueue_indirect_dma source(%dma_start3A_24 : memref<20480x64xf32, #tpu.memory_space<hbm>>) target(%arg9 : memref<125x64xf32, #tpu.memory_space<vmem>>) offsets(%dma_start3A_21 : memref<125xi32, #tpu.memory_space<vmem>>) semaphore(%arg14 : memref<!tpu.dma_semaphore, #tpu.memory_space<semaphore_mem>>)
    %dma_start3A_25 = arith.constant 2 : i32
    %dma_start3A_26 = arith.constant 0 : i32
    %dma_start3A_27 = tpu.memref_slice %arg6[%dma_start3A_25, %dma_start3A_26] : memref<164x125xi32, #tpu.memory_space<vmem>> -> memref<1x125xi32, #tpu.memory_space<vmem>>
    %dma_start3A_28 = tpu.memref_squeeze %dma_start3A_27 : memref<1x125xi32, #tpu.memory_space<vmem>> -> memref<125xi32, #tpu.memory_space<vmem>>
    %dma_start3A_29 = arith.constant 0 : i32
    %dma_start3A_30 = arith.constant 0 : i32
    %dma_start3A_31 = tpu.memref_slice %arg2[%dma_start3A_29, %dma_start3A_30] : memref<20480x64xf32, #tpu.memory_space<hbm>> -> memref<20480x64xf32, #tpu.memory_space<hbm>>
    tpu.enqueue_indirect_dma source(%dma_start3A_31 : memref<20480x64xf32, #tpu.memory_space<hbm>>) target(%arg10 : memref<125x64xf32, #tpu.memory_space<vmem>>) offsets(%dma_start3A_28 : memref<125xi32, #tpu.memory_space<vmem>>) semaphore(%arg15 : memref<!tpu.dma_semaphore, #tpu.memory_space<semaphore_mem>>)
    %dma_start3A_32 = arith.constant 163 : i32
    %dma_start3A_33 = arith.constant 0 : i32
    %dma_start3A_34 = tpu.memref_slice %arg7[%dma_start3A_32, %dma_start3A_33] : memref<164x125xi32, #tpu.memory_space<vmem>> -> memref<1x125xi32, #tpu.memory_space<vmem>>
    %dma_start3A_35 = tpu.memref_squeeze %dma_start3A_34 : memref<1x125xi32, #tpu.memory_space<vmem>> -> memref<125xi32, #tpu.memory_space<vmem>>
    %dma_start3A_36 = arith.constant 0 : i32
    %dma_start3A_37 = arith.constant 0 : i32
    %dma_start3A_38 = tpu.memref_slice %arg12[%dma_start3A_36, %dma_start3A_37] : memref<10240x64xf32, #tpu.memory_space<vmem_shared>> -> memref<10240x64xf32, #tpu.memory_space<vmem_shared>>
    tpu.enqueue_indirect_dma source(%arg11 : memref<125x64xf32, #tpu.memory_space<vmem>>) target(%dma_start3A_38 : memref<10240x64xf32, #tpu.memory_space<vmem_shared>>) offsets(%dma_start3A_35 : memref<125xi32, #tpu.memory_space<vmem>>) semaphore(%arg20 : memref<!tpu.dma_semaphore, #tpu.memory_space<semaphore_mem>>) {add = true}
    %scan3A = arith.constant 0 : i32
    %scan3A_39 = arith.constant 0 : i32
    %scan3A_40 = arith.constant 41 : i32
    %scan3A_41 = arith.addi %scan3A_39, %scan3A_40 : i32
    %scan3A_42 = arith.constant 1 : i32
    scf.for %scan3A_79 = %scan3A_39 to %scan3A_41 step %scan3A_42  : i32 {
      %mul3A_80 = arith.constant 4 : i32
      %mul3A_81 = arith.muli %mul3A_80, %scan3A_79 : i32
      %add3A_82 = arith.constant 0 : i32
      %add3A_83 = arith.addi %mul3A_81, %add3A_82 : i32
      %dma_wait3A_84 = arith.constant 0 : i32
      %dma_wait3A_85 = arith.constant 0 : i32
      %dma_wait3A_86 = tpu.memref_slice %arg6[%dma_wait3A_84, %dma_wait3A_85] : memref<164x125xi32, #tpu.memory_space<vmem>> -> memref<1x125xi32, #tpu.memory_space<vmem>>
      %dma_wait3A_87 = tpu.memref_squeeze %dma_wait3A_86 : memref<1x125xi32, #tpu.memory_space<vmem>> -> memref<125xi32, #tpu.memory_space<vmem>>
      %dma_wait3A_88 = arith.constant 0 : i32
      %dma_wait3A_89 = arith.constant 0 : i32
      %dma_wait3A_90 = tpu.memref_slice %arg2[%dma_wait3A_88, %dma_wait3A_89] : memref<20480x64xf32, #tpu.memory_space<hbm>> -> memref<20480x64xf32, #tpu.memory_space<hbm>>
      tpu.wait_indirect_dma semaphore(%arg13 : memref<!tpu.dma_semaphore, #tpu.memory_space<semaphore_mem>>) src(%dma_wait3A_90 : memref<20480x64xf32, #tpu.memory_space<hbm>>) dst(%arg8 : memref<125x64xf32, #tpu.memory_space<vmem>>)
      %dma_start3A_91 = arith.constant 0 : i32
      %dma_start3A_92 = tpu.memref_slice %arg7[%add3A_83, %dma_start3A_91] : memref<164x125xi32, #tpu.memory_space<vmem>> -> memref<1x125xi32, #tpu.memory_space<vmem>>
      %dma_start3A_93 = tpu.memref_squeeze %dma_start3A_92 : memref<1x125xi32, #tpu.memory_space<vmem>> -> memref<125xi32, #tpu.memory_space<vmem>>
      %dma_start3A_94 = arith.constant 0 : i32
      %dma_start3A_95 = arith.constant 0 : i32
      %dma_start3A_96 = tpu.memref_slice %arg12[%dma_start3A_94, %dma_start3A_95] : memref<10240x64xf32, #tpu.memory_space<vmem_shared>> -> memref<10240x64xf32, #tpu.memory_space<vmem_shared>>
      tpu.enqueue_indirect_dma source(%arg8 : memref<125x64xf32, #tpu.memory_space<vmem>>) target(%dma_start3A_96 : memref<10240x64xf32, #tpu.memory_space<vmem_shared>>) offsets(%dma_start3A_93 : memref<125xi32, #tpu.memory_space<vmem>>) semaphore(%arg17 : memref<!tpu.dma_semaphore, #tpu.memory_space<semaphore_mem>>) {add = true}
      %dma_wait3A_97 = arith.constant 0 : i32
      %dma_wait3A_98 = arith.constant 0 : i32
      %dma_wait3A_99 = tpu.memref_slice %arg7[%dma_wait3A_97, %dma_wait3A_98] : memref<164x125xi32, #tpu.memory_space<vmem>> -> memref<1x125xi32, #tpu.memory_space<vmem>>
      %dma_wait3A_100 = tpu.memref_squeeze %dma_wait3A_99 : memref<1x125xi32, #tpu.memory_space<vmem>> -> memref<125xi32, #tpu.memory_space<vmem>>
      %dma_wait3A_101 = arith.constant 0 : i32
      %dma_wait3A_102 = arith.constant 0 : i32
      %dma_wait3A_103 = tpu.memref_slice %arg12[%dma_wait3A_101, %dma_wait3A_102] : memref<10240x64xf32, #tpu.memory_space<vmem_shared>> -> memref<10240x64xf32, #tpu.memory_space<vmem_shared>>
      tpu.wait_indirect_dma semaphore(%arg20 : memref<!tpu.dma_semaphore, #tpu.memory_space<semaphore_mem>>) src(%arg11 : memref<125x64xf32, #tpu.memory_space<vmem>>) dst(%dma_wait3A_103 : memref<10240x64xf32, #tpu.memory_space<vmem_shared>>)
      %add3A_104 = arith.constant 3 : i32
      %add3A_105 = arith.addi %add3A_83, %add3A_104 : i32
      %min3A = arith.constant 163 : i32
      %min3A_106 = arith.minsi %add3A_105, %min3A : i32
      %dma_start3A_107 = arith.constant 0 : i32
      %dma_start3A_108 = tpu.memref_slice %arg6[%min3A_106, %dma_start3A_107] : memref<164x125xi32, #tpu.memory_space<vmem>> -> memref<1x125xi32, #tpu.memory_space<vmem>>
      %dma_start3A_109 = tpu.memref_squeeze %dma_start3A_108 : memref<1x125xi32, #tpu.memory_space<vmem>> -> memref<125xi32, #tpu.memory_space<vmem>>
      %dma_start3A_110 = arith.constant 0 : i32
      %dma_start3A_111 = arith.constant 0 : i32
      %dma_start3A_112 = tpu.memref_slice %arg2[%dma_start3A_110, %dma_start3A_111] : memref<20480x64xf32, #tpu.memory_space<hbm>> -> memref<20480x64xf32, #tpu.memory_space<hbm>>
      tpu.enqueue_indirect_dma source(%dma_start3A_112 : memref<20480x64xf32, #tpu.memory_space<hbm>>) target(%arg11 : memref<125x64xf32, #tpu.memory_space<vmem>>) offsets(%dma_start3A_109 : memref<125xi32, #tpu.memory_space<vmem>>) semaphore(%arg16 : memref<!tpu.dma_semaphore, #tpu.memory_space<semaphore_mem>>)
      %mul3A_113 = arith.constant 4 : i32
      %mul3A_114 = arith.muli %mul3A_113, %scan3A_79 : i32
      %add3A_115 = arith.constant 1 : i32
      %add3A_116 = arith.addi %mul3A_114, %add3A_115 : i32
      %dma_wait3A_117 = arith.constant 0 : i32
      %dma_wait3A_118 = arith.constant 0 : i32
      %dma_wait3A_119 = tpu.memref_slice %arg6[%dma_wait3A_117, %dma_wait3A_118] : memref<164x125xi32, #tpu.memory_space<vmem>> -> memref<1x125xi32, #tpu.memory_space<vmem>>
      %dma_wait3A_120 = tpu.memref_squeeze %dma_wait3A_119 : memref<1x125xi32, #tpu.memory_space<vmem>> -> memref<125xi32, #tpu.memory_space<vmem>>
      %dma_wait3A_121 = arith.constant 0 : i32
      %dma_wait3A_122 = arith.constant 0 : i32
      %dma_wait3A_123 = tpu.memref_slice %arg2[%dma_wait3A_121, %dma_wait3A_122] : memref<20480x64xf32, #tpu.memory_space<hbm>> -> memref<20480x64xf32, #tpu.memory_space<hbm>>
      tpu.wait_indirect_dma semaphore(%arg14 : memref<!tpu.dma_semaphore, #tpu.memory_space<semaphore_mem>>) src(%dma_wait3A_123 : memref<20480x64xf32, #tpu.memory_space<hbm>>) dst(%arg9 : memref<125x64xf32, #tpu.memory_space<vmem>>)
      %dma_start3A_124 = arith.constant 0 : i32
      %dma_start3A_125 = tpu.memref_slice %arg7[%add3A_116, %dma_start3A_124] : memref<164x125xi32, #tpu.memory_space<vmem>> -> memref<1x125xi32, #tpu.memory_space<vmem>>
      %dma_start3A_126 = tpu.memref_squeeze %dma_start3A_125 : memref<1x125xi32, #tpu.memory_space<vmem>> -> memref<125xi32, #tpu.memory_space<vmem>>
      %dma_start3A_127 = arith.constant 0 : i32
      %dma_start3A_128 = arith.constant 0 : i32
      %dma_start3A_129 = tpu.memref_slice %arg12[%dma_start3A_127, %dma_start3A_128] : memref<10240x64xf32, #tpu.memory_space<vmem_shared>> -> memref<10240x64xf32, #tpu.memory_space<vmem_shared>>
      tpu.enqueue_indirect_dma source(%arg9 : memref<125x64xf32, #tpu.memory_space<vmem>>) target(%dma_start3A_129 : memref<10240x64xf32, #tpu.memory_space<vmem_shared>>) offsets(%dma_start3A_126 : memref<125xi32, #tpu.memory_space<vmem>>) semaphore(%arg18 : memref<!tpu.dma_semaphore, #tpu.memory_space<semaphore_mem>>) {add = true}
      %dma_wait3A_130 = arith.constant 0 : i32
      %dma_wait3A_131 = arith.constant 0 : i32
      %dma_wait3A_132 = tpu.memref_slice %arg7[%dma_wait3A_130, %dma_wait3A_131] : memref<164x125xi32, #tpu.memory_space<vmem>> -> memref<1x125xi32, #tpu.memory_space<vmem>>
      %dma_wait3A_133 = tpu.memref_squeeze %dma_wait3A_132 : memref<1x125xi32, #tpu.memory_space<vmem>> -> memref<125xi32, #tpu.memory_space<vmem>>
      %dma_wait3A_134 = arith.constant 0 : i32
      %dma_wait3A_135 = arith.constant 0 : i32
      %dma_wait3A_136 = tpu.memref_slice %arg12[%dma_wait3A_134, %dma_wait3A_135] : memref<10240x64xf32, #tpu.memory_space<vmem_shared>> -> memref<10240x64xf32, #tpu.memory_space<vmem_shared>>
      tpu.wait_indirect_dma semaphore(%arg17 : memref<!tpu.dma_semaphore, #tpu.memory_space<semaphore_mem>>) src(%arg8 : memref<125x64xf32, #tpu.memory_space<vmem>>) dst(%dma_wait3A_136 : memref<10240x64xf32, #tpu.memory_space<vmem_shared>>)
      %add3A_137 = arith.constant 3 : i32
      %add3A_138 = arith.addi %add3A_116, %add3A_137 : i32
      %min3A_139 = arith.constant 163 : i32
      %min3A_140 = arith.minsi %add3A_138, %min3A_139 : i32
      %dma_start3A_141 = arith.constant 0 : i32
      %dma_start3A_142 = tpu.memref_slice %arg6[%min3A_140, %dma_start3A_141] : memref<164x125xi32, #tpu.memory_space<vmem>> -> memref<1x125xi32, #tpu.memory_space<vmem>>
      %dma_start3A_143 = tpu.memref_squeeze %dma_start3A_142 : memref<1x125xi32, #tpu.memory_space<vmem>> -> memref<125xi32, #tpu.memory_space<vmem>>
      %dma_start3A_144 = arith.constant 0 : i32
      %dma_start3A_145 = arith.constant 0 : i32
      %dma_start3A_146 = tpu.memref_slice %arg2[%dma_start3A_144, %dma_start3A_145] : memref<20480x64xf32, #tpu.memory_space<hbm>> -> memref<20480x64xf32, #tpu.memory_space<hbm>>
      tpu.enqueue_indirect_dma source(%dma_start3A_146 : memref<20480x64xf32, #tpu.memory_space<hbm>>) target(%arg8 : memref<125x64xf32, #tpu.memory_space<vmem>>) offsets(%dma_start3A_143 : memref<125xi32, #tpu.memory_space<vmem>>) semaphore(%arg13 : memref<!tpu.dma_semaphore, #tpu.memory_space<semaphore_mem>>)
      %mul3A_147 = arith.constant 4 : i32
      %mul3A_148 = arith.muli %mul3A_147, %scan3A_79 : i32
      %add3A_149 = arith.constant 2 : i32
      %add3A_150 = arith.addi %mul3A_148, %add3A_149 : i32
      %dma_wait3A_151 = arith.constant 0 : i32
      %dma_wait3A_152 = arith.constant 0 : i32
      %dma_wait3A_153 = tpu.memref_slice %arg6[%dma_wait3A_151, %dma_wait3A_152] : memref<164x125xi32, #tpu.memory_space<vmem>> -> memref<1x125xi32, #tpu.memory_space<vmem>>
      %dma_wait3A_154 = tpu.memref_squeeze %dma_wait3A_153 : memref<1x125xi32, #tpu.memory_space<vmem>> -> memref<125xi32, #tpu.memory_space<vmem>>
      %dma_wait3A_155 = arith.constant 0 : i32
      %dma_wait3A_156 = arith.constant 0 : i32
      %dma_wait3A_157 = tpu.memref_slice %arg2[%dma_wait3A_155, %dma_wait3A_156] : memref<20480x64xf32, #tpu.memory_space<hbm>> -> memref<20480x64xf32, #tpu.memory_space<hbm>>
      tpu.wait_indirect_dma semaphore(%arg15 : memref<!tpu.dma_semaphore, #tpu.memory_space<semaphore_mem>>) src(%dma_wait3A_157 : memref<20480x64xf32, #tpu.memory_space<hbm>>) dst(%arg10 : memref<125x64xf32, #tpu.memory_space<vmem>>)
      %dma_start3A_158 = arith.constant 0 : i32
      %dma_start3A_159 = tpu.memref_slice %arg7[%add3A_150, %dma_start3A_158] : memref<164x125xi32, #tpu.memory_space<vmem>> -> memref<1x125xi32, #tpu.memory_space<vmem>>
      %dma_start3A_160 = tpu.memref_squeeze %dma_start3A_159 : memref<1x125xi32, #tpu.memory_space<vmem>> -> memref<125xi32, #tpu.memory_space<vmem>>
      %dma_start3A_161 = arith.constant 0 : i32
      %dma_start3A_162 = arith.constant 0 : i32
      %dma_start3A_163 = tpu.memref_slice %arg12[%dma_start3A_161, %dma_start3A_162] : memref<10240x64xf32, #tpu.memory_space<vmem_shared>> -> memref<10240x64xf32, #tpu.memory_space<vmem_shared>>
      tpu.enqueue_indirect_dma source(%arg10 : memref<125x64xf32, #tpu.memory_space<vmem>>) target(%dma_start3A_163 : memref<10240x64xf32, #tpu.memory_space<vmem_shared>>) offsets(%dma_start3A_160 : memref<125xi32, #tpu.memory_space<vmem>>) semaphore(%arg19 : memref<!tpu.dma_semaphore, #tpu.memory_space<semaphore_mem>>) {add = true}
      %dma_wait3A_164 = arith.constant 0 : i32
      %dma_wait3A_165 = arith.constant 0 : i32
      %dma_wait3A_166 = tpu.memref_slice %arg7[%dma_wait3A_164, %dma_wait3A_165] : memref<164x125xi32, #tpu.memory_space<vmem>> -> memref<1x125xi32, #tpu.memory_space<vmem>>
      %dma_wait3A_167 = tpu.memref_squeeze %dma_wait3A_166 : memref<1x125xi32, #tpu.memory_space<vmem>> -> memref<125xi32, #tpu.memory_space<vmem>>
      %dma_wait3A_168 = arith.constant 0 : i32
      %dma_wait3A_169 = arith.constant 0 : i32
      %dma_wait3A_170 = tpu.memref_slice %arg12[%dma_wait3A_168, %dma_wait3A_169] : memref<10240x64xf32, #tpu.memory_space<vmem_shared>> -> memref<10240x64xf32, #tpu.memory_space<vmem_shared>>
      tpu.wait_indirect_dma semaphore(%arg18 : memref<!tpu.dma_semaphore, #tpu.memory_space<semaphore_mem>>) src(%arg9 : memref<125x64xf32, #tpu.memory_space<vmem>>) dst(%dma_wait3A_170 : memref<10240x64xf32, #tpu.memory_space<vmem_shared>>)
      %add3A_171 = arith.constant 3 : i32
      %add3A_172 = arith.addi %add3A_150, %add3A_171 : i32
      %min3A_173 = arith.constant 163 : i32
      %min3A_174 = arith.minsi %add3A_172, %min3A_173 : i32
      %dma_start3A_175 = arith.constant 0 : i32
      %dma_start3A_176 = tpu.memref_slice %arg6[%min3A_174, %dma_start3A_175] : memref<164x125xi32, #tpu.memory_space<vmem>> -> memref<1x125xi32, #tpu.memory_space<vmem>>
      %dma_start3A_177 = tpu.memref_squeeze %dma_start3A_176 : memref<1x125xi32, #tpu.memory_space<vmem>> -> memref<125xi32, #tpu.memory_space<vmem>>
      %dma_start3A_178 = arith.constant 0 : i32
      %dma_start3A_179 = arith.constant 0 : i32
      %dma_start3A_180 = tpu.memref_slice %arg2[%dma_start3A_178, %dma_start3A_179] : memref<20480x64xf32, #tpu.memory_space<hbm>> -> memref<20480x64xf32, #tpu.memory_space<hbm>>
      tpu.enqueue_indirect_dma source(%dma_start3A_180 : memref<20480x64xf32, #tpu.memory_space<hbm>>) target(%arg9 : memref<125x64xf32, #tpu.memory_space<vmem>>) offsets(%dma_start3A_177 : memref<125xi32, #tpu.memory_space<vmem>>) semaphore(%arg14 : memref<!tpu.dma_semaphore, #tpu.memory_space<semaphore_mem>>)
      %mul3A_181 = arith.constant 4 : i32
      %mul3A_182 = arith.muli %mul3A_181, %scan3A_79 : i32
      %add3A_183 = arith.constant 3 : i32
      %add3A_184 = arith.addi %mul3A_182, %add3A_183 : i32
      %dma_wait3A_185 = arith.constant 0 : i32
      %dma_wait3A_186 = arith.constant 0 : i32
      %dma_wait3A_187 = tpu.memref_slice %arg6[%dma_wait3A_185, %dma_wait3A_186] : memref<164x125xi32, #tpu.memory_space<vmem>> -> memref<1x125xi32, #tpu.memory_space<vmem>>
      %dma_wait3A_188 = tpu.memref_squeeze %dma_wait3A_187 : memref<1x125xi32, #tpu.memory_space<vmem>> -> memref<125xi32, #tpu.memory_space<vmem>>
      %dma_wait3A_189 = arith.constant 0 : i32
      %dma_wait3A_190 = arith.constant 0 : i32
      %dma_wait3A_191 = tpu.memref_slice %arg2[%dma_wait3A_189, %dma_wait3A_190] : memref<20480x64xf32, #tpu.memory_space<hbm>> -> memref<20480x64xf32, #tpu.memory_space<hbm>>
      tpu.wait_indirect_dma semaphore(%arg16 : memref<!tpu.dma_semaphore, #tpu.memory_space<semaphore_mem>>) src(%dma_wait3A_191 : memref<20480x64xf32, #tpu.memory_space<hbm>>) dst(%arg11 : memref<125x64xf32, #tpu.memory_space<vmem>>)
      %dma_start3A_192 = arith.constant 0 : i32
      %dma_start3A_193 = tpu.memref_slice %arg7[%add3A_184, %dma_start3A_192] : memref<164x125xi32, #tpu.memory_space<vmem>> -> memref<1x125xi32, #tpu.memory_space<vmem>>
      %dma_start3A_194 = tpu.memref_squeeze %dma_start3A_193 : memref<1x125xi32, #tpu.memory_space<vmem>> -> memref<125xi32, #tpu.memory_space<vmem>>
      %dma_start3A_195 = arith.constant 0 : i32
      %dma_start3A_196 = arith.constant 0 : i32
      %dma_start3A_197 = tpu.memref_slice %arg12[%dma_start3A_195, %dma_start3A_196] : memref<10240x64xf32, #tpu.memory_space<vmem_shared>> -> memref<10240x64xf32, #tpu.memory_space<vmem_shared>>
      tpu.enqueue_indirect_dma source(%arg11 : memref<125x64xf32, #tpu.memory_space<vmem>>) target(%dma_start3A_197 : memref<10240x64xf32, #tpu.memory_space<vmem_shared>>) offsets(%dma_start3A_194 : memref<125xi32, #tpu.memory_space<vmem>>) semaphore(%arg20 : memref<!tpu.dma_semaphore, #tpu.memory_space<semaphore_mem>>) {add = true}
      %dma_wait3A_198 = arith.constant 0 : i32
      %dma_wait3A_199 = arith.constant 0 : i32
      %dma_wait3A_200 = tpu.memref_slice %arg7[%dma_wait3A_198, %dma_wait3A_199] : memref<164x125xi32, #tpu.memory_space<vmem>> -> memref<1x125xi32, #tpu.memory_space<vmem>>
      %dma_wait3A_201 = tpu.memref_squeeze %dma_wait3A_200 : memref<1x125xi32, #tpu.memory_space<vmem>> -> memref<125xi32, #tpu.memory_space<vmem>>
      %dma_wait3A_202 = arith.constant 0 : i32
      %dma_wait3A_203 = arith.constant 0 : i32
      %dma_wait3A_204 = tpu.memref_slice %arg12[%dma_wait3A_202, %dma_wait3A_203] : memref<10240x64xf32, #tpu.memory_space<vmem_shared>> -> memref<10240x64xf32, #tpu.memory_space<vmem_shared>>
      tpu.wait_indirect_dma semaphore(%arg19 : memref<!tpu.dma_semaphore, #tpu.memory_space<semaphore_mem>>) src(%arg10 : memref<125x64xf32, #tpu.memory_space<vmem>>) dst(%dma_wait3A_204 : memref<10240x64xf32, #tpu.memory_space<vmem_shared>>)
      %add3A_205 = arith.constant 3 : i32
      %add3A_206 = arith.addi %add3A_184, %add3A_205 : i32
      %min3A_207 = arith.constant 163 : i32
      %min3A_208 = arith.minsi %add3A_206, %min3A_207 : i32
      %dma_start3A_209 = arith.constant 0 : i32
      %dma_start3A_210 = tpu.memref_slice %arg6[%min3A_208, %dma_start3A_209] : memref<164x125xi32, #tpu.memory_space<vmem>> -> memref<1x125xi32, #tpu.memory_space<vmem>>
      %dma_start3A_211 = tpu.memref_squeeze %dma_start3A_210 : memref<1x125xi32, #tpu.memory_space<vmem>> -> memref<125xi32, #tpu.memory_space<vmem>>
      %dma_start3A_212 = arith.constant 0 : i32
      %dma_start3A_213 = arith.constant 0 : i32
      %dma_start3A_214 = tpu.memref_slice %arg2[%dma_start3A_212, %dma_start3A_213] : memref<20480x64xf32, #tpu.memory_space<hbm>> -> memref<20480x64xf32, #tpu.memory_space<hbm>>
      tpu.enqueue_indirect_dma source(%dma_start3A_214 : memref<20480x64xf32, #tpu.memory_space<hbm>>) target(%arg10 : memref<125x64xf32, #tpu.memory_space<vmem>>) offsets(%dma_start3A_211 : memref<125xi32, #tpu.memory_space<vmem>>) semaphore(%arg15 : memref<!tpu.dma_semaphore, #tpu.memory_space<semaphore_mem>>)
    }
    %scan3A_43 = arith.constant 41 : i32
    %dma_wait3A = arith.constant 0 : i32
    %dma_wait3A_44 = arith.constant 0 : i32
    %dma_wait3A_45 = tpu.memref_slice %arg6[%dma_wait3A, %dma_wait3A_44] : memref<164x125xi32, #tpu.memory_space<vmem>> -> memref<1x125xi32, #tpu.memory_space<vmem>>
    %dma_wait3A_46 = tpu.memref_squeeze %dma_wait3A_45 : memref<1x125xi32, #tpu.memory_space<vmem>> -> memref<125xi32, #tpu.memory_space<vmem>>
    %dma_wait3A_47 = arith.constant 0 : i32
    %dma_wait3A_48 = arith.constant 0 : i32
    %dma_wait3A_49 = tpu.memref_slice %arg2[%dma_wait3A_47, %dma_wait3A_48] : memref<20480x64xf32, #tpu.memory_space<hbm>> -> memref<20480x64xf32, #tpu.memory_space<hbm>>
    tpu.wait_indirect_dma semaphore(%arg13 : memref<!tpu.dma_semaphore, #tpu.memory_space<semaphore_mem>>) src(%dma_wait3A_49 : memref<20480x64xf32, #tpu.memory_space<hbm>>) dst(%arg8 : memref<125x64xf32, #tpu.memory_space<vmem>>)
    %dma_wait3A_50 = arith.constant 0 : i32
    %dma_wait3A_51 = arith.constant 0 : i32
    %dma_wait3A_52 = tpu.memref_slice %arg6[%dma_wait3A_50, %dma_wait3A_51] : memref<164x125xi32, #tpu.memory_space<vmem>> -> memref<1x125xi32, #tpu.memory_space<vmem>>
    %dma_wait3A_53 = tpu.memref_squeeze %dma_wait3A_52 : memref<1x125xi32, #tpu.memory_space<vmem>> -> memref<125xi32, #tpu.memory_space<vmem>>
    %dma_wait3A_54 = arith.constant 0 : i32
    %dma_wait3A_55 = arith.constant 0 : i32
    %dma_wait3A_56 = tpu.memref_slice %arg2[%dma_wait3A_54, %dma_wait3A_55] : memref<20480x64xf32, #tpu.memory_space<hbm>> -> memref<20480x64xf32, #tpu.memory_space<hbm>>
    tpu.wait_indirect_dma semaphore(%arg14 : memref<!tpu.dma_semaphore, #tpu.memory_space<semaphore_mem>>) src(%dma_wait3A_56 : memref<20480x64xf32, #tpu.memory_space<hbm>>) dst(%arg9 : memref<125x64xf32, #tpu.memory_space<vmem>>)
    %dma_wait3A_57 = arith.constant 0 : i32
    %dma_wait3A_58 = arith.constant 0 : i32
    %dma_wait3A_59 = tpu.memref_slice %arg6[%dma_wait3A_57, %dma_wait3A_58] : memref<164x125xi32, #tpu.memory_space<vmem>> -> memref<1x125xi32, #tpu.memory_space<vmem>>
    %dma_wait3A_60 = tpu.memref_squeeze %dma_wait3A_59 : memref<1x125xi32, #tpu.memory_space<vmem>> -> memref<125xi32, #tpu.memory_space<vmem>>
    %dma_wait3A_61 = arith.constant 0 : i32
    %dma_wait3A_62 = arith.constant 0 : i32
    %dma_wait3A_63 = tpu.memref_slice %arg2[%dma_wait3A_61, %dma_wait3A_62] : memref<20480x64xf32, #tpu.memory_space<hbm>> -> memref<20480x64xf32, #tpu.memory_space<hbm>>
    tpu.wait_indirect_dma semaphore(%arg15 : memref<!tpu.dma_semaphore, #tpu.memory_space<semaphore_mem>>) src(%dma_wait3A_63 : memref<20480x64xf32, #tpu.memory_space<hbm>>) dst(%arg10 : memref<125x64xf32, #tpu.memory_space<vmem>>)
    %dma_wait3A_64 = arith.constant 0 : i32
    %dma_wait3A_65 = arith.constant 0 : i32
    %dma_wait3A_66 = tpu.memref_slice %arg7[%dma_wait3A_64, %dma_wait3A_65] : memref<164x125xi32, #tpu.memory_space<vmem>> -> memref<1x125xi32, #tpu.memory_space<vmem>>
    %dma_wait3A_67 = tpu.memref_squeeze %dma_wait3A_66 : memref<1x125xi32, #tpu.memory_space<vmem>> -> memref<125xi32, #tpu.memory_space<vmem>>
    %dma_wait3A_68 = arith.constant 0 : i32
    %dma_wait3A_69 = arith.constant 0 : i32
    %dma_wait3A_70 = tpu.memref_slice %arg12[%dma_wait3A_68, %dma_wait3A_69] : memref<10240x64xf32, #tpu.memory_space<vmem_shared>> -> memref<10240x64xf32, #tpu.memory_space<vmem_shared>>
    tpu.wait_indirect_dma semaphore(%arg20 : memref<!tpu.dma_semaphore, #tpu.memory_space<semaphore_mem>>) src(%arg11 : memref<125x64xf32, #tpu.memory_space<vmem>>) dst(%dma_wait3A_70 : memref<10240x64xf32, #tpu.memory_space<vmem_shared>>)
    %barrier3A_71 = arith.constant 0 : index
    tpu.barrier barrier_id(%barrier3A_71)
    %mul3A_72 = arith.constant 640 : i32
    %mul3A_73 = arith.muli %arg1, %mul3A_72 : i32
    %mul3A_74 = arith.constant 10240 : i32
    %mul3A_75 = arith.muli %add3A_1, %mul3A_74 : i32
    %mul3A_76 = arith.constant 640 : i32
    %mul3A_77 = arith.muli %arg1, %mul3A_76 : i32
    %add3A_78 = arith.addi %mul3A_75, %mul3A_77 : i32
    "tpu.region"() ({
      %run_scoped3A = tpu.sem_alloc : memref<!tpu.dma_semaphore, #tpu.memory_space<semaphore_mem>>
      %dma_start3A_79 = arith.constant 0 : i32
      %dma_start3A_80 = tpu.memref_slice %arg5[%add3A_78, %dma_start3A_79] : memref<20480x64xf32, #tpu.memory_space<hbm>> -> memref<640x64xf32, #tpu.memory_space<hbm>>
      %dma_start3A_81 = arith.constant 0 : i32
      %dma_start3A_82 = tpu.memref_slice %arg12[%mul3A_73, %dma_start3A_81] : memref<10240x64xf32, #tpu.memory_space<vmem_shared>> -> memref<640x64xf32, #tpu.memory_space<vmem_shared>>
      tpu.enqueue_dma source(%dma_start3A_82 : memref<640x64xf32, #tpu.memory_space<vmem_shared>>) target(%dma_start3A_80 : memref<640x64xf32, #tpu.memory_space<hbm>>) target_semaphore(%run_scoped3A : memref<!tpu.dma_semaphore, #tpu.memory_space<semaphore_mem>>)
      %dma_wait3A_83 = arith.constant 0 : i32
      %dma_wait3A_84 = tpu.memref_slice %arg5[%add3A_78, %dma_wait3A_83] : memref<20480x64xf32, #tpu.memory_space<hbm>> -> memref<640x64xf32, #tpu.memory_space<hbm>>
      %dma_wait3A_85 = arith.constant 0 : i32
      %dma_wait3A_86 = tpu.memref_slice %arg12[%mul3A_73, %dma_wait3A_85] : memref<10240x64xf32, #tpu.memory_space<vmem_shared>> -> memref<640x64xf32, #tpu.memory_space<vmem_shared>>
      tpu.wait_dma2 semaphore(%run_scoped3A : memref<!tpu.dma_semaphore, #tpu.memory_space<semaphore_mem>>) src(%dma_wait3A_86 : memref<640x64xf32, #tpu.memory_space<vmem_shared>>) dst(%dma_wait3A_84 : memref<640x64xf32, #tpu.memory_space<hbm>>)
      tpu.yield
    }) : () -> ()
    return
  }
}

module attributes {stable_mosaic.version = 14 : i64} {
  func.func @body(%arg0: i32, %arg1: i32, %arg2: memref<640x256xf32, #tpu.memory_space<vmem>>, %arg3: memref<1x256x64xf32, #tpu.memory_space<vmem>>, %arg4: memref<640x1xf32, #tpu.memory_space<vmem>>, %arg5: memref<640x1xf32, #tpu.memory_space<vmem>>, %arg6: memref<640x64xf32, #tpu.memory_space<vmem>>, %arg7: memref<640x1xf32, #tpu.memory_space<vmem>>) attributes {dimension_semantics = [#tpu.dimension_semantics<arbitrary>, #tpu.dimension_semantics<arbitrary>], iteration_bounds = array<i64: 4, 16>, scalar_prefetch = 0 : i64, scratch_operands = 0 : i64, tpu.core_type = #tpu.core_type<tc>, window_params = [{transform_indices = @transform_0, window_bounds = array<i64: 640, 256>}, {transform_indices = @transform_1, window_bounds = array<i64: 1, 256, 64>}, {transform_indices = @transform_2, window_bounds = array<i64: 640, 1>}, {transform_indices = @transform_3, window_bounds = array<i64: 640, 1>}, {transform_indices = @transform_4, window_bounds = array<i64: 640, 64>}, {transform_indices = @transform_5, window_bounds = array<i64: 640, 1>}]} {
    %get3A = arith.constant 0 : index
    %get3A_0 = arith.constant 0 : index
    %get3A_1 = vector.load %arg4[%get3A, %get3A_0] : memref<640x1xf32, #tpu.memory_space<vmem>>, vector<640x1xf32>
    %add3A = arith.constant 1.000000e+00 : f32
    %add3A_2 = vector.broadcast %add3A : f32 to vector<640x1xf32>
    %add3A_3 = arith.addf %add3A_2, %get3A_1 : vector<640x1xf32>
    %get3A_4 = arith.constant 0 : index
    %get3A_5 = arith.constant 0 : index
    %get3A_6 = vector.load %arg5[%get3A_4, %get3A_5] : memref<640x1xf32, #tpu.memory_space<vmem>>, vector<640x1xf32>
    %add3A_7 = arith.addf %add3A_3, %get3A_6 : vector<640x1xf32>
    %rsqrt3A = math.rsqrt %add3A_7 : vector<640x1xf32>
    %get3A_8 = arith.constant 0 : index
    %get3A_9 = arith.constant 0 : index
    %get3A_10 = vector.load %arg2[%get3A_8, %get3A_9] : memref<640x256xf32, #tpu.memory_space<vmem>>, vector<640x256xf32>
    %get3A_11 = arith.constant 0 : index
    %get3A_12 = arith.constant 0 : index
    %get3A_13 = arith.constant 0 : index
    %get3A_14 = vector.load %arg3[%get3A_11, %get3A_12, %get3A_13] : memref<1x256x64xf32, #tpu.memory_space<vmem>>, vector<1x256x64xf32>
    %get3A_15 = vector.shape_cast %get3A_14 : vector<1x256x64xf32> to vector<256x64xf32>
    %dot_general3A = arith.constant dense<0.000000e+00> : vector<640x64xf32>
    %dot_general3A_16 = tpu.matmul %get3A_10, %get3A_15, %dot_general3A {dimension_numbers = #tpu.dot_dimension_numbers<[1], [0], [0], [1], [0, 0, 1, 1], [], []>, transpose_lhs_hint = false} : vector<640x256xf32>, vector<256x64xf32>, vector<640x64xf32> -> vector<640x64xf32>
    %mul3A = vector.broadcast %rsqrt3A : vector<640x1xf32> to vector<640x64xf32>
    %mul3A_17 = arith.mulf %dot_general3A_16, %mul3A : vector<640x64xf32>
    %swap3A = arith.constant 0 : index
    %swap3A_18 = arith.constant 0 : index
    %swap3A_19 = vector.load %arg6[%swap3A, %swap3A_18] : memref<640x64xf32, #tpu.memory_space<vmem>>, vector<640x64xf32>
    tpu.vector_store %arg6[%swap3A, %swap3A_18], %mul3A_17 {strides = array<i32>} : memref<640x64xf32, #tpu.memory_space<vmem>>, vector<640x64xf32>,
    %swap3A_20 = arith.constant 0 : index
    %swap3A_21 = arith.constant 0 : index
    %swap3A_22 = vector.load %arg7[%swap3A_20, %swap3A_21] : memref<640x1xf32, #tpu.memory_space<vmem>>, vector<640x1xf32>
    tpu.vector_store %arg7[%swap3A_20, %swap3A_21], %rsqrt3A {strides = array<i32>} : memref<640x1xf32, #tpu.memory_space<vmem>>, vector<640x1xf32>,
    return
  }
  func.func @transform_0(%arg0: i32, %arg1: i32) -> (i32, i32) {
    %c0_i32 = arith.constant 0 : i32
    %c0_i32_0 = arith.constant 0 : i32
    return %arg1, %c0_i32 : i32, i32
  }
  func.func @transform_1(%arg0: i32, %arg1: i32) -> (i32, i32, i32) {
    %c0_i32 = arith.constant 0 : i32
    %c0_i32_0 = arith.constant 0 : i32
    %c0_i32_1 = arith.constant 0 : i32
    return %arg0, %c0_i32, %c0_i32_0 : i32, i32, i32
  }
  func.func @transform_2(%arg0: i32, %arg1: i32) -> (i32, i32) {
    %c0_i32 = arith.constant 0 : i32
    %c0_i32_0 = arith.constant 0 : i32
    return %arg1, %c0_i32 : i32, i32
  }
  func.func @transform_3(%arg0: i32, %arg1: i32) -> (i32, i32) {
    %add3A = arith.constant 16 : i32
    %add3A_0 = arith.addi %add3A, %arg1 : i32
    %c0_i32 = arith.constant 0 : i32
    %c0_i32_1 = arith.constant 0 : i32
    return %add3A_0, %c0_i32 : i32, i32
  }
  func.func @transform_4(%arg0: i32, %arg1: i32) -> (i32, i32) {
    %mul3A = arith.constant 16 : i32
    %mul3A_0 = arith.muli %arg0, %mul3A : i32
    %add3A = arith.addi %mul3A_0, %arg1 : i32
    %c0_i32 = arith.constant 0 : i32
    %c0_i32_1 = arith.constant 0 : i32
    return %add3A, %c0_i32 : i32, i32
  }
  func.func @transform_5(%arg0: i32, %arg1: i32) -> (i32, i32) {
    %c0_i32 = arith.constant 0 : i32
    %c0_i32_0 = arith.constant 0 : i32
    return %arg1, %c0_i32 : i32, i32
  }
}

module attributes {stable_mosaic.version = 14 : i64} {
  func.func @body(%arg0: i32, %arg1: i32, %arg2: memref<640x64xf32, #tpu.memory_space<vmem>>, %arg3: memref<640x64xf32, #tpu.memory_space<vmem>>, %arg4: memref<640x64xf32, #tpu.memory_space<vmem>>, %arg5: memref<640x64xf32, #tpu.memory_space<vmem>>, %arg6: memref<640x1xf32, #tpu.memory_space<vmem>>, %arg7: memref<1x256xf32, #tpu.memory_space<vmem>>, %arg8: memref<1x4x64x64xf32, #tpu.memory_space<vmem>>, %arg9: memref<640x64xf32, #tpu.memory_space<vmem>>) attributes {dimension_semantics = [#tpu.dimension_semantics<arbitrary>, #tpu.dimension_semantics<arbitrary>], iteration_bounds = array<i64: 2, 16>, scalar_prefetch = 0 : i64, scratch_operands = 0 : i64, tpu.core_type = #tpu.core_type<tc>, window_params = [{transform_indices = @transform_0, window_bounds = array<i64: 640, 64>}, {transform_indices = @transform_1, window_bounds = array<i64: 640, 64>}, {transform_indices = @transform_2, window_bounds = array<i64: 640, 64>}, {transform_indices = @transform_3, window_bounds = array<i64: 640, 64>}, {transform_indices = @transform_4, window_bounds = array<i64: 640, 1>}, {pipeline_mode = #tpu.pipeline_mode<synchronous>, transform_indices = @transform_5, window_bounds = array<i64: 1, 256>}, {transform_indices = @transform_6, window_bounds = array<i64: 1, 4, 64, 64>}, {transform_indices = @transform_7, window_bounds = array<i64: 640, 64>}]} {
    %get3A = arith.constant 0 : index
    %get3A_0 = arith.constant 0 : index
    %get3A_1 = vector.load %arg6[%get3A, %get3A_0] : memref<640x1xf32, #tpu.memory_space<vmem>>, vector<640x1xf32>
    %broadcast_in_dim3A = arith.constant 0.000000e+00 : f32
    %broadcast_in_dim3A_2 = vector.broadcast %broadcast_in_dim3A : f32 to vector<640x64xf32>
    %get3A_3 = arith.constant 0 : index
    %get3A_4 = arith.constant 0 : index
    %get3A_5 = vector.load %arg2[%get3A_3, %get3A_4] : memref<640x64xf32, #tpu.memory_space<vmem>>, vector<640x64xf32>
    %mul3A = vector.broadcast %get3A_1 : vector<640x1xf32> to vector<640x64xf32>
    %mul3A_6 = arith.mulf %mul3A, %get3A_5 : vector<640x64xf32>
    %get3A_7 = arith.constant 0 : index
    %get3A_8 = arith.constant 0 : index
    %get3A_9 = vector.load %arg7[%get3A_7, %get3A_8] : memref<1x256xf32, #tpu.memory_space<vmem>>, vector<1x64xf32>
    %add3A = vector.broadcast %get3A_9 : vector<1x64xf32> to vector<640x64xf32>
    %add3A_10 = arith.addf %mul3A_6, %add3A : vector<640x64xf32>
    %max3A = arith.constant 0.000000e+00 : f32
    %max3A_11 = vector.broadcast %max3A : f32 to vector<640x64xf32>
    %max3A_12 = arith.maximumf %add3A_10, %max3A_11 : vector<640x64xf32>
    %get3A_13 = arith.constant 0 : index
    %get3A_14 = arith.constant 0 : index
    %get3A_15 = arith.constant 0 : index
    %get3A_16 = arith.constant 0 : index
    %get3A_17 = vector.load %arg8[%get3A_13, %get3A_14, %get3A_15, %get3A_16] : memref<1x4x64x64xf32, #tpu.memory_space<vmem>>, vector<1x1x64x64xf32>
    %get3A_18 = vector.shape_cast %get3A_17 : vector<1x1x64x64xf32> to vector<64x64xf32>
    %dot_general3A = arith.constant dense<0.000000e+00> : vector<640x64xf32>
    %dot_general3A_19 = tpu.matmul %max3A_12, %get3A_18, %dot_general3A {dimension_numbers = #tpu.dot_dimension_numbers<[1], [0], [0], [1], [0, 0, 1, 1], [], []>, transpose_lhs_hint = false} : vector<640x64xf32>, vector<64x64xf32>, vector<640x64xf32> -> vector<640x64xf32>
    %add3A_20 = arith.addf %broadcast_in_dim3A_2, %dot_general3A_19 : vector<640x64xf32>
    %get3A_21 = arith.constant 0 : index
    %get3A_22 = arith.constant 0 : index
    %get3A_23 = vector.load %arg3[%get3A_21, %get3A_22] : memref<640x64xf32, #tpu.memory_space<vmem>>, vector<640x64xf32>
    %mul3A_24 = vector.broadcast %get3A_1 : vector<640x1xf32> to vector<640x64xf32>
    %mul3A_25 = arith.mulf %mul3A_24, %get3A_23 : vector<640x64xf32>
    %get3A_26 = arith.constant 0 : index
    %get3A_27 = arith.constant 64 : index
    %get3A_28 = vector.load %arg7[%get3A_26, %get3A_27] : memref<1x256xf32, #tpu.memory_space<vmem>>, vector<1x64xf32>
    %add3A_29 = vector.broadcast %get3A_28 : vector<1x64xf32> to vector<640x64xf32>
    %add3A_30 = arith.addf %mul3A_25, %add3A_29 : vector<640x64xf32>
    %max3A_31 = arith.constant 0.000000e+00 : f32
    %max3A_32 = vector.broadcast %max3A_31 : f32 to vector<640x64xf32>
    %max3A_33 = arith.maximumf %add3A_30, %max3A_32 : vector<640x64xf32>
    %get3A_34 = arith.constant 0 : index
    %get3A_35 = arith.constant 1 : index
    %get3A_36 = arith.constant 0 : index
    %get3A_37 = arith.constant 0 : index
    %get3A_38 = vector.load %arg8[%get3A_34, %get3A_35, %get3A_36, %get3A_37] : memref<1x4x64x64xf32, #tpu.memory_space<vmem>>, vector<1x1x64x64xf32>
    %get3A_39 = vector.shape_cast %get3A_38 : vector<1x1x64x64xf32> to vector<64x64xf32>
    %dot_general3A_40 = arith.constant dense<0.000000e+00> : vector<640x64xf32>
    %dot_general3A_41 = tpu.matmul %max3A_33, %get3A_39, %dot_general3A_40 {dimension_numbers = #tpu.dot_dimension_numbers<[1], [0], [0], [1], [0, 0, 1, 1], [], []>, transpose_lhs_hint = false} : vector<640x64xf32>, vector<64x64xf32>, vector<640x64xf32> -> vector<640x64xf32>
    %add3A_42 = arith.addf %add3A_20, %dot_general3A_41 : vector<640x64xf32>
    %get3A_43 = arith.constant 0 : index
    %get3A_44 = arith.constant 0 : index
    %get3A_45 = vector.load %arg4[%get3A_43, %get3A_44] : memref<640x64xf32, #tpu.memory_space<vmem>>, vector<640x64xf32>
    %mul3A_46 = vector.broadcast %get3A_1 : vector<640x1xf32> to vector<640x64xf32>
    %mul3A_47 = arith.mulf %mul3A_46, %get3A_45 : vector<640x64xf32>
    %get3A_48 = arith.constant 0 : index
    %get3A_49 = arith.constant 128 : index
    %get3A_50 = vector.load %arg7[%get3A_48, %get3A_49] : memref<1x256xf32, #tpu.memory_space<vmem>>, vector<1x64xf32>
    %add3A_51 = vector.broadcast %get3A_50 : vector<1x64xf32> to vector<640x64xf32>
    %add3A_52 = arith.addf %mul3A_47, %add3A_51 : vector<640x64xf32>
    %max3A_53 = arith.constant 0.000000e+00 : f32
    %max3A_54 = vector.broadcast %max3A_53 : f32 to vector<640x64xf32>
    %max3A_55 = arith.maximumf %add3A_52, %max3A_54 : vector<640x64xf32>
    %get3A_56 = arith.constant 0 : index
    %get3A_57 = arith.constant 2 : index
    %get3A_58 = arith.constant 0 : index
    %get3A_59 = arith.constant 0 : index
    %get3A_60 = vector.load %arg8[%get3A_56, %get3A_57, %get3A_58, %get3A_59] : memref<1x4x64x64xf32, #tpu.memory_space<vmem>>, vector<1x1x64x64xf32>
    %get3A_61 = vector.shape_cast %get3A_60 : vector<1x1x64x64xf32> to vector<64x64xf32>
    %dot_general3A_62 = arith.constant dense<0.000000e+00> : vector<640x64xf32>
    %dot_general3A_63 = tpu.matmul %max3A_55, %get3A_61, %dot_general3A_62 {dimension_numbers = #tpu.dot_dimension_numbers<[1], [0], [0], [1], [0, 0, 1, 1], [], []>, transpose_lhs_hint = false} : vector<640x64xf32>, vector<64x64xf32>, vector<640x64xf32> -> vector<640x64xf32>
    %add3A_64 = arith.addf %add3A_42, %dot_general3A_63 : vector<640x64xf32>
    %get3A_65 = arith.constant 0 : index
    %get3A_66 = arith.constant 0 : index
    %get3A_67 = vector.load %arg5[%get3A_65, %get3A_66] : memref<640x64xf32, #tpu.memory_space<vmem>>, vector<640x64xf32>
    %mul3A_68 = vector.broadcast %get3A_1 : vector<640x1xf32> to vector<640x64xf32>
    %mul3A_69 = arith.mulf %mul3A_68, %get3A_67 : vector<640x64xf32>
    %get3A_70 = arith.constant 0 : index
    %get3A_71 = arith.constant 192 : index
    %get3A_72 = vector.load %arg7[%get3A_70, %get3A_71] : memref<1x256xf32, #tpu.memory_space<vmem>>, vector<1x64xf32>
    %add3A_73 = vector.broadcast %get3A_72 : vector<1x64xf32> to vector<640x64xf32>
    %add3A_74 = arith.addf %mul3A_69, %add3A_73 : vector<640x64xf32>
    %max3A_75 = arith.constant 0.000000e+00 : f32
    %max3A_76 = vector.broadcast %max3A_75 : f32 to vector<640x64xf32>
    %max3A_77 = arith.maximumf %add3A_74, %max3A_76 : vector<640x64xf32>
    %get3A_78 = arith.constant 0 : index
    %get3A_79 = arith.constant 3 : index
    %get3A_80 = arith.constant 0 : index
    %get3A_81 = arith.constant 0 : index
    %get3A_82 = vector.load %arg8[%get3A_78, %get3A_79, %get3A_80, %get3A_81] : memref<1x4x64x64xf32, #tpu.memory_space<vmem>>, vector<1x1x64x64xf32>
    %get3A_83 = vector.shape_cast %get3A_82 : vector<1x1x64x64xf32> to vector<64x64xf32>
    %dot_general3A_84 = arith.constant dense<0.000000e+00> : vector<640x64xf32>
    %dot_general3A_85 = tpu.matmul %max3A_77, %get3A_83, %dot_general3A_84 {dimension_numbers = #tpu.dot_dimension_numbers<[1], [0], [0], [1], [0, 0, 1, 1], [], []>, transpose_lhs_hint = false} : vector<640x64xf32>, vector<64x64xf32>, vector<640x64xf32> -> vector<640x64xf32>
    %add3A_86 = arith.addf %add3A_64, %dot_general3A_85 : vector<640x64xf32>
    %mul3A_87 = vector.broadcast %get3A_1 : vector<640x1xf32> to vector<640x64xf32>
    %mul3A_88 = arith.mulf %add3A_86, %mul3A_87 : vector<640x64xf32>
    %swap3A = arith.constant 0 : index
    %swap3A_89 = arith.constant 0 : index
    %swap3A_90 = vector.load %arg9[%swap3A, %swap3A_89] : memref<640x64xf32, #tpu.memory_space<vmem>>, vector<640x64xf32>
    tpu.vector_store %arg9[%swap3A, %swap3A_89], %mul3A_88 {strides = array<i32>} : memref<640x64xf32, #tpu.memory_space<vmem>>, vector<640x64xf32>,
    return
  }
  func.func @transform_0(%arg0: i32, %arg1: i32) -> (i32, i32) {
    %add3A = arith.constant 0 : i32
    %add3A_0 = arith.addi %add3A, %arg1 : i32
    %c0_i32 = arith.constant 0 : i32
    %c0_i32_1 = arith.constant 0 : i32
    return %add3A_0, %c0_i32 : i32, i32
  }
  func.func @transform_1(%arg0: i32, %arg1: i32) -> (i32, i32) {
    %add3A = arith.constant 16 : i32
    %add3A_0 = arith.addi %add3A, %arg1 : i32
    %c0_i32 = arith.constant 0 : i32
    %c0_i32_1 = arith.constant 0 : i32
    return %add3A_0, %c0_i32 : i32, i32
  }
  func.func @transform_2(%arg0: i32, %arg1: i32) -> (i32, i32) {
    %add3A = arith.constant 32 : i32
    %add3A_0 = arith.addi %add3A, %arg1 : i32
    %c0_i32 = arith.constant 0 : i32
    %c0_i32_1 = arith.constant 0 : i32
    return %add3A_0, %c0_i32 : i32, i32
  }
  func.func @transform_3(%arg0: i32, %arg1: i32) -> (i32, i32) {
    %add3A = arith.constant 48 : i32
    %add3A_0 = arith.addi %add3A, %arg1 : i32
    %c0_i32 = arith.constant 0 : i32
    %c0_i32_1 = arith.constant 0 : i32
    return %add3A_0, %c0_i32 : i32, i32
  }
  func.func @transform_4(%arg0: i32, %arg1: i32) -> (i32, i32) {
    %c0_i32 = arith.constant 0 : i32
    %c0_i32_0 = arith.constant 0 : i32
    return %arg1, %c0_i32 : i32, i32
  }
  func.func @transform_5(%arg0: i32, %arg1: i32) -> (i32, i32) {
    %c0_i32 = arith.constant 0 : i32
    %c0_i32_0 = arith.constant 0 : i32
    %c0_i32_1 = arith.constant 0 : i32
    return %c0_i32, %c0_i32_0 : i32, i32
  }
  func.func @transform_6(%arg0: i32, %arg1: i32) -> (i32, i32, i32, i32) {
    %c0_i32 = arith.constant 0 : i32
    %c0_i32_0 = arith.constant 0 : i32
    %c0_i32_1 = arith.constant 0 : i32
    %c0_i32_2 = arith.constant 0 : i32
    return %arg0, %c0_i32, %c0_i32_0, %c0_i32_1 : i32, i32, i32, i32
  }
  func.func @transform_7(%arg0: i32, %arg1: i32) -> (i32, i32) {
    %mul3A = arith.constant 16 : i32
    %mul3A_0 = arith.muli %arg0, %mul3A : i32
    %add3A = arith.addi %mul3A_0, %arg1 : i32
    %c0_i32 = arith.constant 0 : i32
    %c0_i32_1 = arith.constant 0 : i32
    return %add3A, %c0_i32 : i32, i32
  }
}

module attributes {stable_mosaic.version = 14 : i64} {
  func.func @body(%arg0: i32, %arg1: memref<640x64xf32, #tpu.memory_space<vmem>>, %arg2: memref<640x64xf32, #tpu.memory_space<vmem>>, %arg3: memref<640x1xf32, #tpu.memory_space<vmem>>, %arg4: memref<1x128xf32, #tpu.memory_space<vmem>>, %arg5: memref<640x128xf32, #tpu.memory_space<vmem>>) attributes {dimension_semantics = [#tpu.dimension_semantics<arbitrary>], iteration_bounds = array<i64: 16>, scalar_prefetch = 0 : i64, scratch_operands = 0 : i64, tpu.core_type = #tpu.core_type<tc>, window_params = [{transform_indices = @transform_0, window_bounds = array<i64: 640, 64>}, {transform_indices = @transform_1, window_bounds = array<i64: 640, 64>}, {transform_indices = @transform_2, window_bounds = array<i64: 640, 1>}, {pipeline_mode = #tpu.pipeline_mode<synchronous>, transform_indices = @transform_3, window_bounds = array<i64: 1, 128>}, {transform_indices = @transform_4, window_bounds = array<i64: 640, 128>}]} {
    %get3A = arith.constant 0 : index
    %get3A_0 = arith.constant 0 : index
    %get3A_1 = vector.load %arg3[%get3A, %get3A_0] : memref<640x1xf32, #tpu.memory_space<vmem>>, vector<640x1xf32>
    %get3A_2 = arith.constant 0 : index
    %get3A_3 = arith.constant 0 : index
    %get3A_4 = vector.load %arg1[%get3A_2, %get3A_3] : memref<640x64xf32, #tpu.memory_space<vmem>>, vector<640x64xf32>
    %mul3A = vector.broadcast %get3A_1 : vector<640x1xf32> to vector<640x64xf32>
    %mul3A_5 = arith.mulf %mul3A, %get3A_4 : vector<640x64xf32>
    %get3A_6 = arith.constant 0 : index
    %get3A_7 = arith.constant 0 : index
    %get3A_8 = vector.load %arg4[%get3A_6, %get3A_7] : memref<1x128xf32, #tpu.memory_space<vmem>>, vector<1x64xf32>
    %add3A = vector.broadcast %get3A_8 : vector<1x64xf32> to vector<640x64xf32>
    %add3A_9 = arith.addf %mul3A_5, %add3A : vector<640x64xf32>
    %swap3A = arith.constant 0 : index
    %swap3A_10 = arith.constant 0 : index
    %swap3A_11 = vector.load %arg5[%swap3A, %swap3A_10] : memref<640x128xf32, #tpu.memory_space<vmem>>, vector<640x64xf32>
    tpu.vector_store %arg5[%swap3A, %swap3A_10], %add3A_9 {strides = array<i32>} : memref<640x128xf32, #tpu.memory_space<vmem>>, vector<640x64xf32>,
    %get3A_12 = arith.constant 0 : index
    %get3A_13 = arith.constant 0 : index
    %get3A_14 = vector.load %arg3[%get3A_12, %get3A_13] : memref<640x1xf32, #tpu.memory_space<vmem>>, vector<640x1xf32>
    %get3A_15 = arith.constant 0 : index
    %get3A_16 = arith.constant 0 : index
    %get3A_17 = vector.load %arg2[%get3A_15, %get3A_16] : memref<640x64xf32, #tpu.memory_space<vmem>>, vector<640x64xf32>
    %mul3A_18 = vector.broadcast %get3A_14 : vector<640x1xf32> to vector<640x64xf32>
    %mul3A_19 = arith.mulf %mul3A_18, %get3A_17 : vector<640x64xf32>
    %get3A_20 = arith.constant 0 : index
    %get3A_21 = arith.constant 64 : index
    %get3A_22 = vector.load %arg4[%get3A_20, %get3A_21] : memref<1x128xf32, #tpu.memory_space<vmem>>, vector<1x64xf32>
    %add3A_23 = vector.broadcast %get3A_22 : vector<1x64xf32> to vector<640x64xf32>
    %add3A_24 = arith.addf %mul3A_19, %add3A_23 : vector<640x64xf32>
    %swap3A_25 = arith.constant 0 : index
    %swap3A_26 = arith.constant 64 : index
    %swap3A_27 = vector.load %arg5[%swap3A_25, %swap3A_26] : memref<640x128xf32, #tpu.memory_space<vmem>>, vector<640x64xf32>
    tpu.vector_store %arg5[%swap3A_25, %swap3A_26], %add3A_24 {strides = array<i32>} : memref<640x128xf32, #tpu.memory_space<vmem>>, vector<640x64xf32>,
    return
  }
  func.func @transform_0(%arg0: i32) -> (i32, i32) {
    %c0_i32 = arith.constant 0 : i32
    %c0_i32_0 = arith.constant 0 : i32
    return %arg0, %c0_i32 : i32, i32
  }
  func.func @transform_1(%arg0: i32) -> (i32, i32) {
    %add3A = arith.constant 16 : i32
    %add3A_0 = arith.addi %add3A, %arg0 : i32
    %c0_i32 = arith.constant 0 : i32
    %c0_i32_1 = arith.constant 0 : i32
    return %add3A_0, %c0_i32 : i32, i32
  }
  func.func @transform_2(%arg0: i32) -> (i32, i32) {
    %c0_i32 = arith.constant 0 : i32
    %c0_i32_0 = arith.constant 0 : i32
    return %arg0, %c0_i32 : i32, i32
  }
  func.func @transform_3(%arg0: i32) -> (i32, i32) {
    %c0_i32 = arith.constant 0 : i32
    %c0_i32_0 = arith.constant 0 : i32
    %c0_i32_1 = arith.constant 0 : i32
    return %c0_i32, %c0_i32_0 : i32, i32
  }
  func.func @transform_4(%arg0: i32) -> (i32, i32) {
    %c0_i32 = arith.constant 0 : i32
    %c0_i32_0 = arith.constant 0 : i32
    return %arg0, %c0_i32 : i32, i32
  }
}

</mosaic_0001>

<sc_bundles>
// kernel: kernel.11.cloned.1.call-start
scs
__scs_entry_jumppad:
0x0: {  	(pc) =	sbr.rel $0x88, $3  }
0x1: {  	(tag) =	ssettag $0x0;
	lr =	simm.s32 $0x1  }
0x2: {  	[smem:$0x3F9A] =	sst lr;
	_ =	strace $0xD0000000  }
0x3: {  	_ = 	snop  }
0x4: {  	_ = 	snop  }
0x5: {  	_ = 	snop  }
0x6: {  	_ = 	snop  }
0x7: {  	_ = 	snop  }
__scs_overlays_trampoline_lowered:
0x8: {  	[smem:$0x3FA9] =	sst s0  }
0x9: {  	[smem:$0x3FAA] =	sst s1  }
0xa: {  	[smem:$0x3FAB] =	sst s2  }
0xb: {  	[smem:$0x3FAC] =	sst s3  }
0xc: {  	[smem:$0x3FAD] =	sst s4  }
0xd: {  	[smem:$0x3FAE] =	sst s5  }
0xe: {  	[smem:$0x3FAF] =	sst s6  }
0xf: {  	[smem:$0x3FB0] =	sst s7  }
0x10: {  	[smem:$0x3FB1] =	sst s8  }
0x11: {  	[smem:$0x3FB2] =	sst s9;
	s0 =	simm.s32 @!p0 $0x0  }
0x12: {  	s1 =	sld [smem:$0x3F98];
	s0 =	simm.s32 @p0 $0x1  }
0x13: {  	[smem:$0x3FB3] =	sst s0;
	s0 =	simm.s32 @!p1 $0x0  }
0x14: {  	s2 =	sld [smem:$0x3F97];
	s0 =	simm.s32 @p1 $0x1  }
0x15: {  	[smem:$0x3FB4] =	sst s0;
	s0 =	simm.s32 @!p2 $0x0  }
0x16: {  	s3 =	sld [smem:$0x3FDB];
	s0 =	simm.s32 @p2 $0x1  }
0x17: {  	s4 =	simm.s32 $0x1BF5;
	[smem:$0x3FB6] =	sst s0  }
0x18: {  	s0 =	sld [smem:$0x3F99];
	_ =	swait.ge [sflag:s4], $0x0  }
0x19: {  	s7 =	sld [smem:$0x3F9A]  }
0x1a: {  	s8 =	sadd.s32 $0xFFFFE003, lr  }
0x1b: {  	s9 =	sadd.s32 $0xFFFFFEF7, lr;
	s5 =	simm.s32 $0xFFFFFFFF;
	p2 =	slt.u32 s8, $0xFFFFF086  }
0x1c: {  	p1 =	slt.u32 s9, $0xF7A;
	s5 =	simm.s32 @!p2 $0x0  }
0x1d: {  	s5 =	simm.s32 @p1 $0x1;
	p0 =	seq.s32 s7, s2  }
0x1e: {  	s7 =	smul.u32 @!p0 $0xF7A, s2;
	p2 =	seq.s32 @!p0 s5, $0x0  }
0x1f: {  	s9 =	smul.u32 $0xF7A, s1;
	s8 =	simm.s32 @!p0 $0x1BF5;
	p2 =	por !p2, p0  }
0x20: {  	[sflag:s8] =	ssyncset.s32 @!p0 $0xFFFFF086;
	s6 =	sadd.s32 @!p0 s3, s7;
	s7 =	simm.s32 @!p0 $0x108  }
0x21: {  	s3 =	sadd.s32 s3, s9;
	s6 =	sadd.s32 @!p0 $0x88, s6;
	s7 =	simm.s32 @p2 $0x1082  }
0x22: {  	[simem:s7], [sflag:s8] =	dma.local @!p0 [hbm:s6], $0xF7A  }
0x23: {  	s9 =	sor.u32 $0xD0000000, s2;
	s6 =	simm.s32 $0x108;
	_ =	swait.ge @!p0 [sflag:s8], $0x0  }
0x24: {  	s3 =	sadd.s32 $0x88, s3;
	s6 =	simm.s32 @!p1 $0x1082;
	[sflag:s4] =	ssyncset.s32 $0xFFFFF086  }
0x25: {  	[simem:s6], [sflag:s4] =	dma.local [hbm:s3], $0xF7A  }
0x26: {  	[smem:$0x3F9A] =	sst s1;
	(tag) =	ssettag s2;
	_ =	strace s9  }
0x27: {  	s1 =	sld [smem:$0x3FAA]  }
0x28: {  	s2 =	sld [smem:$0x3FAB]  }
0x29: {  	s4 =	sld [smem:$0x3FAD]  }
0x2a: {  	p0 =	seq.s32 s5, $0x0;
	s5 =	sld [smem:$0x3FAE]  }
0x2b: {  	s6 =	sld [smem:$0x3FAF]  }
0x2c: {  	s7 =	sld [smem:$0x3FB0]  }
0x2d: {  	s3 =	simm.s32 $0x108;
	s8 =	sld [smem:$0x3FB1]  }
0x2e: {  	s3 =	simm.s32 @!p0 $0x1082;
	s9 =	sld [smem:$0x3FB2]  }
0x2f: {  	lr =	sadd.s32 s0, s3;
	s0 =	sld [smem:$0x3FA9]  }
0x30: {  	s3 =	sld [smem:$0x3FAC]  }
0x31: {  	[smem:$0x3FB5] =	sst s10  }
0x32: {  	s10 =	sld [smem:$0x3FB3];
	_ =	sdelay $0x3  }
0x33: {  	p0 =	seq.s32 s10, $0x1;
	s10 =	sld [smem:$0x3FB5];
	_ =	sdelay $0x3  }
0x34: {  	[smem:$0x3FB5] =	sst s10  }
0x35: {  	s10 =	sld [smem:$0x3FB4];
	_ =	sdelay $0x3  }
0x36: {  	p1 =	seq.s32 s10, $0x1;
	s10 =	sld [smem:$0x3FB5];
	_ =	sdelay $0x3  }
0x37: {  	[smem:$0x3FB5] =	sst s10  }
0x38: {  	s10 =	sld [smem:$0x3FB6]  }
0x39: {  	_ = 	snop;
	(pc) =	sbr.ind lr, $3  }
0x3a: {  	_ = 	snop  }
0x3b: {  	_ = 	snop  }
0x3c: {  	p2 =	seq.s32 s10, $0x1;
	s10 =	sld [smem:$0x3FB5]  }
0x3d: {  	_ =	shalt  }
0x3e: {  	_ =	shalt  }
0x3f: {  	_ =	shalt  }
0x40: {  	_ =	shalt  }
0x41: {  	_ =	shalt  }
0x42: {  	_ =	shalt  }
0x43: {  	_ =	shalt  }
0x44: {  	_ =	shalt  }
0x45: {  	_ =	shalt  }
0x46: {  	_ =	shalt  }
0x47: {  	_ =	shalt  }
0x48: {  	_ =	shalt  }
0x49: {  	_ =	shalt  }
0x4a: {  	_ =	shalt  }
0x4b: {  	_ =	shalt  }
0x4c: {  	_ =	shalt  }
0x4d: {  	_ =	shalt  }
0x4e: {  	_ =	shalt  }
0x4f: {  	_ =	shalt  }
0x50: {  	_ =	shalt  }
0x51: {  	_ =	shalt  }
0x52: {  	_ =	shalt  }
0x53: {  	_ =	shalt  }
0x54: {  	_ =	shalt  }
0x55: {  	_ =	shalt  }
0x56: {  	_ =	shalt  }
0x57: {  	_ =	shalt  }
0x58: {  	_ =	shalt  }
0x59: {  	_ =	shalt  }
0x5a: {  	_ =	shalt  }
0x5b: {  	_ =	shalt  }
0x5c: {  	_ =	shalt  }
0x5d: {  	_ =	shalt  }
0x5e: {  	_ =	shalt  }
0x5f: {  	_ =	shalt  }
0x60: {  	_ =	shalt  }
0x61: {  	_ =	shalt  }
0x62: {  	_ =	shalt  }
0x63: {  	_ =	shalt  }
0x64: {  	_ =	shalt  }
0x65: {  	_ =	shalt  }
0x66: {  	_ =	shalt  }
0x67: {  	_ =	shalt  }
0x68: {  	_ =	shalt  }
0x69: {  	_ =	shalt  }
0x6a: {  	_ =	shalt  }
0x6b: {  	_ =	shalt  }
0x6c: {  	_ =	shalt  }
0x6d: {  	_ =	shalt  }
0x6e: {  	_ =	shalt  }
0x6f: {  	_ =	shalt  }
0x70: {  	_ =	shalt  }
0x71: {  	_ =	shalt  }
0x72: {  	_ =	shalt  }
0x73: {  	_ =	shalt  }
0x74: {  	_ =	shalt  }
0x75: {  	_ =	shalt  }
0x76: {  	_ =	shalt  }
0x77: {  	_ =	shalt  }
0x78: {  	_ =	shalt  }
0x79: {  	_ =	shalt  }
0x7a: {  	_ =	shalt  }
0x7b: {  	_ =	shalt  }
0x7c: {  	_ =	shalt  }
0x7d: {  	_ =	shalt  }
0x7e: {  	_ =	shalt  }
0x7f: {  	_ =	shalt  }
0x80: {  	_ =	shalt  }
0x81: {  	_ =	shalt  }
0x82: {  	_ =	shalt  }
0x83: {  	_ =	shalt  }
0x84: {  	_ =	shalt  }
0x85: {  	_ =	shalt  }
0x86: {  	_ =	shalt  }
0x87: {  	_ =	shalt  }
.Lfunc_end0:
.L_simem_size_0:
called_computation.1_lowered:
.L_overlay_start_0:
0x88: {  	s2 =	sld [smem:$0x3FD9]  }
0x89: {  	s3 =	sld [smem:$0x3FFE];
	_ =	sdelay $0x1  }
0x8a: {  	s1 =	srdreg.scid  }
0x8b: {  	s0 =	sand.u32 $0x1, s1  }
0x8c: {  	s16 =	sshll.u32 s0, $0xA;
	s2 =	sadd.s32 s3, s2  }
0x8d: {  	s2 =	sadd.s32 s2, s16  }
0x8e: {  	[smem:$0x3FC1] =	sst s2  }
0x8f: {  	_ = 	snop  }
0x90: {  	(tm) =	ssettm $0x1  }
0x91: {  	s17 =	sld [smem:$0x3FFB];
	_ =	sdelay $0x3  }
0x92: {  	_ =	strace s17  }
0x93: {  	s2 =	sld [smem:$0x3FFC];
	_ =	sdelay $0x3  }
0x94: {  	_ =	strace s2  }
0x95: {  	s2 =	sld [smem:$0x3FFD];
	_ =	sdelay $0x3  }
0x96: {  	_ =	strace s2  }
0x97: {  	_ =	strace $0x8FFFFFFF  }
0x98: {  	s18 =	sld [smem:$0x3FDB];
	_ =	sdelay $0x1  }
0x99: {  	s19 =	simm.s32 $_scs_section_size  }
0x9a: {  	s4 =	simm.s32 $_size__tile_overlayer_lowered;
	s5 =	simm.s32 $_tile_overlayer_lowered  }
0x9b: {  	s22 =	simm.s32 $0x1BFF;
	s21 =	sshll.u32 s5, $0x1;
	s2 =	sadd.s32 s19, s18  }
0x9c: {  	s6 =	simm.s32 $0x0;
	s20 =	sshll.u32 s4, $0x1;
	s4 =	sadd.s32 s21, s2  }
0x9d: {  	[timem:s6], [sflag:s22] =	dma.local [hbm:s4], s20  }
0x9e: {  	_ =	swait.ge [sflag:s22], s20  }
0x9f: {  	s3 =	ssub.s32 $0x0, s20;
	[sflag:s22] =	ssyncset.done $0x0  }
0xa0: {  	[sflag:s22] =	ssyncadd.s32 s3;
	_ =	sdelay $0x1  }
0xa1: {  	s23 =	simm.s32 $0x1B8B  }
0xa2: {  	_ =	swait.ge [sflag:s23], $0x1  }
0xa3: {  	[sflag:s23] =	ssyncset.done $0x0  }
0xa4: {  	s25 =	simm.s32 $0x1B8E;
	s24 =	sld [smem:$0x3FFE];
	[sflag:s23] =	ssyncadd.s32 $0xFFFFFFFF  }
0xa5: {  	s26 =	simm.s32 $execute0_lowered;
	[smem:$0x3FD2] =	sst s25  }
0xa6: {  	s4 =	sshll.u32 s26, $0x1;
	_ =	strace $0x80000049;
	[dreg:$0x1] =	wrdreg $0xFFFFFFFF  }
0xa7: {  	s28 =	simm.s32 $_size_execute0_lowered;
	s2 =	sadd.s32 s2, s4;
	[dreg:$0x0] =	wrdreg $0x0  }
0xa8: {  	s4 =	sshll.u32 s28, $0x1;
	[dreg:$0x2] =	wrdreg s2  }
0xa9: {  	[dreg:$0x3] =	wrdreg s4  }
0xaa: {  	[dreg:$0x4] =	wrdreg $0xC0  }
0xab: {  	_ =	task [dreg:s6], $0x5FFFF  }
0xac: {  	[dreg:$0x1] =	wrdreg $0xFFFFFFFF  }
0xad: {  	[dreg:$0x0] =	wrdreg $0x60  }
0xae: {  	[dreg:$0x2] =	wrdreg s24  }
0xaf: {  	[dreg:$0x3] =	wrdreg $0x121000  }
0xb0: {  	[dreg:$0x4] =	wrdreg $0x9  }
0xb1: {  	_ =	task.clear_ibuf [dreg:s6], $0x5FFFF;
	_ =	strace $0x90000049  }
0xb2: {  	s29 =	simm.s32 $0x9;
	_ =	strace $0x8000004B  }
0xb3: {  	_ =	swait.ge [sflag:s29], $0x1  }
0xb4: {  	[sflag:s29] =	ssyncadd.s32 $0xFFFFFFFF  }
0xb5: {  	_ =	strace $0x9000004B  }
0xb6: {  	_ =	sfence  }
0xb7: {  	s30 =	sld [smem:$0x0];
	_ =	sdelay $0x2  }
0xb8: {  	s31 =	sshll.u32 s1, $0xD;
	s1 =	sshrl.u32 s1, $0x2  }
0xb9: {  	s3 =	sand.u32 $0x4000, s31;
	s1 =	sadd.s32 s1, s30  }
0xba: {  	s0 =	sor.u32 s3, s0;
	s1 =	sshll.u32 s1, $0x11  }
0xbb: {  	s0 =	sor.u32 s1, s0  }
0xbc: {  	s0 =	sadd.s32 $0x8F2B, s0  }
0xbd: {  	[sflag:s0] =	ssyncadd.remote.s32 $0x1  }
0xbe: {  	_ =	sfence.sel $0xFFFF  }
0xbf: {  	[dreg:$0x0] =	wrdreg $0xFFFFFFFF;
	(pc) =	sbr.abs _section_cstart, $3  }
0xc0: {  	[dreg:$0x1] =	wrdreg $0xFFFFFFFF  }
0xc1: {  	_ =	task.clear_ibuf [dreg:s6], $0x2FFFF;
	_ =	strace $0x9FFFFFFF  }
0xc2: {  	(tm) =	ssettm $0x7FFFFFFF  }
0xc3: {  	_ =	shalt  }
tec
execute0_lowered:
.L_overlay_start_1:
0x0: {  	(tag) =	ssettag $0x1  }
0x1: {  	s0 =	rddreg [dreg:$0x0]  }
0x2: {  	s1 =	rddreg [dreg:$0x1];
	s3 =	simm.s32 $0x0;
	s2 =	srdreg.scid  }
0x3: {  	s11 =	stileid.u32;
	s14 =	simm.s32 $0x9;
	s17 =	simm.s32 $0x7D  }
0x4: {  	s18 =	simm.s32 $0xA400;
	s19 =	simm.s32 $0x80;
	s28 =	simm.s32 $0x2  }
0x5: {  	s29 =	simm.s32 $0x5;
	s30 =	simm.s32 $0x3;
	s31 =	simm.s32 $0x6  }
0x6: {  	s13 =	simm.s32 $0xA200;
	[smem:$0x7FF] =	sst s3;
	s5 =	smul.u32 $0xA40, s11  }
0x7: {  	s2 =	sand.u32 $0x1, s2;
	s4 =	sadd.s32 $0x35A00, s0;
	s10 =	smul.u32 $0x280, s11  }
0x8: {  	s7 =	sadd.s32 $0x2600, s0;
	s20 =	smul.u32 $0x28000, s11;
	s26 =	sshll.u32 s11, $0x6  }
0x9: {  	_ =	strace $0x8000004A;
	s6 =	sshll.u32 s2, $0x5;
	s8 =	ssub.s32 $0x2, s2  }
0xa: {  	s21 =	smul.u32 $0x5000, s2;
	s2 =	sshllo.u32 s2, $0x1;
	s15 =	sor.u32 $0x1C09, s26  }
0xb: {  	s26 =	simm.s32 $0x8;
	s6 =	sor.u32 s11, s6;
	s5 =	sadd.s32 s5, s0  }
0xc: {  	s9 =	sshrl.u32 s8, $0x1;
	s22 =	sshll.u32 s2, $0x4;
	s2 =	smul.u32 $0x2800, s2  }
0xd: {  	s0 =	sadd.s32 $0x85A00, s0;
	s6 =	smul.u32 $0xA40, s6;
	s8 =	ssub.s32 s8, s9  }
0xe: {  	s5 =	sadd.s32 $0x2B600, s5;
	s9 =	sor.u32 s11, s22;
	s22 =	simm.s32 $0xE280  }
0xf: {  	[dreg:$0x3] =	wrdreg s5;
	s5 =	sshrl.u32 s20, $0x2;
	s9 =	smul.u32 $0xA40, s9  }
0x10: {  	s2 =	sadd.s32 s10, s2;
	s12 =	smax.u32 s8, $0x1;
	s20 =	simm.s32 $0xC340  }
0x11: {  	s8 =	simm.s32 $0x0;
	s6 =	sadd.s32 s7, s6;
	s5 =	sadd.s32 s5, s1  }
0x12: {  	s2 =	sshll.u32 s2, $0x3;
	[dreg:$0x4] =	wrdreg s6;
	s6 =	sadd.s32 s10, s21  }
0x13: {  	s24 =	sadd.s32 s7, s9;
	s25 =	sadd.s32 s4, s2;
	s16 =	sshrl.u32 s5, $0x3  }
0x14: {  	s21 =	simm.s32 $0x100;
	s6 =	sshll.u32 s6, $0x3;
	[dreg:$0x7] =	wrdreg s24  }
0x15: {  	s5 =	simm.s32 $0x5180;
	[dreg:$0x8] =	wrdreg s25;
	s23 =	sadd.s32 s4, s6  }
0x16: {  	s7 =	simm.s32 $0xA300;
	s6 =	sadd.s32 s0, s6;
	[dreg:$0x5] =	wrdreg s23  }
0x17: {  	s24 =	simm.s32 $0x101C0;
	s0 =	sadd.s32 s0, s2;
	[dreg:$0x6] =	wrdreg s6  }
0x18: {  	s25 =	simm.s32 $0x1;
	s2 =	simm.s32 $0x7;
	[dreg:$0x9] =	wrdreg s0  }
0x19: {  	s23 =	simm.s32 $0xA380;
	s0 =	simm.s32 $0x4;
	s6 =	simm.s32 $0xA280  }
.LBB2_1:
0x1a: {  	s9 =	rddreg [dreg:$0x3];
	s10 =	simm.s32 $0x5200  }
0x1b: {  	[tilespmem:s10], [sflag:$0x9] =	stream.linear.gather [hbm4b:s9+s3], $0x5200, $0x38;
	[tilespmem:$0x1C100] =	vst v63  }
0x1c: {  	_ =	swait.ge [sflag:s14], $0x5200  }
0x1d: {  	[sflag:s14] =	ssyncset.done $0x0  }
0x1e: {  	s11 =	rddreg [dreg:$0x4];
	[sflag:s14] =	ssyncadd.s32 $0xFFFFAE00  }
0x1f: {  	[tilespmem:s3], [sflag:$0x9] =	stream.linear.gather [hbm4b:s11+s3], $0x5200, $0x38;
	[tilespmem:$0x1C100] =	vst v63  }
0x20: {  	_ =	swait.ge [sflag:s14], $0x5200  }
0x21: {  	[sflag:s14] =	ssyncset.done $0x0  }
0x22: {  	s10 =	rddreg [dreg:$0x5];
	[sflag:s14] =	ssyncadd.s32 $0xFFFFAE00  }
0x23: {  	[spmem:s16], [sflag:s15] =	dma.local [hbm:s10], $0x1400  }
0x24: {  	_ =	swait.ge [sflag:s14], $0x1400  }
0x25: {  	[sflag:s14] =	ssyncset.done $0x0  }
0x26: {  	[sflag:s14] =	ssyncadd.s32 $0xFFFFEC00  }
0x27: {  	[bflag:$0x0] =	sbarrier.arrive $0xFFFF  }
0x28: {  	[tilespmem:s18], [sflag:$0x1] =	stream.indirect.gather [hbm4b:s4+s17], $0x40, s3, s17, $0xb8;
	[tilespmem:$0x1C100] =	vst v63  }
0x29: {  	_ = 	snop  }
0x2a: {  	[tilespmem:s20], [sflag:$0x2] =	stream.indirect.gather [hbm4b:s4+s17], $0x40, s19, s17, $0xb8;
	[tilespmem:$0x1C100] =	vst v63  }
0x2b: {  	_ = 	snop  }
0x2c: {  	[tilespmem:s22], [sflag:$0x3] =	stream.indirect.gather [hbm4b:s4+s17], $0x40, s21, s17, $0xb8;
	[tilespmem:$0x1C100] =	vst v63  }
0x2d: {  	_ = 	snop  }
0x2e: {  	[spmem:s1] =	stream.indirect.scatter.add.f32 [tilespmem:s24], [sflag:$0x8], $0x40, s23, s17, $0xb8;
	[tilespmem:$0x1C100] =	vst v63  }
0x2f: {  	_ =	swait.ge [sflag:s25], $0x1F40  }
0x30: {  	[sflag:s25] =	ssyncset.done $0x0  }
0x31: {  	s11 =	simm.s32 $0x5200;
	[sflag:s25] =	ssyncadd.s32 $0xFFFFE0C0  }
0x32: {  	[spmem:s1] =	stream.indirect.scatter.add.f32 [tilespmem:s18], [sflag:$0x5], $0x40, s11, s17, $0xb8;
	[tilespmem:$0x1C100] =	vst v63  }
0x33: {  	_ =	swait.ge [sflag:s26], $0x1F40  }
0x34: {  	[sflag:s26] =	ssyncset.done $0x0  }
0x35: {  	s10 =	simm.s32 $0x180;
	[sflag:s26] =	ssyncadd.s32 $0xFFFFE0C0  }
0x36: {  	[tilespmem:s24], [sflag:$0x4] =	stream.indirect.gather [hbm4b:s4+s17], $0x40, s10, s17, $0xb8;
	[tilespmem:$0x1C100] =	vst v63  }
0x37: {  	_ =	swait.ge [sflag:s28], $0x1F40  }
0x38: {  	[sflag:s28] =	ssyncset.done $0x0  }
0x39: {  	s11 =	simm.s32 $0x5280;
	[sflag:s28] =	ssyncadd.s32 $0xFFFFE0C0  }
0x3a: {  	[spmem:s1] =	stream.indirect.scatter.add.f32 [tilespmem:s20], [sflag:$0x6], $0x40, s11, s17, $0xb8;
	[tilespmem:$0x1C100] =	vst v63  }
0x3b: {  	_ =	swait.ge [sflag:s29], $0x1F40  }
0x3c: {  	[sflag:s29] =	ssyncset.done $0x0  }
0x3d: {  	s10 =	simm.s32 $0x200;
	[sflag:s29] =	ssyncadd.s32 $0xFFFFE0C0  }
0x3e: {  	[tilespmem:s18], [sflag:$0x1] =	stream.indirect.gather [hbm4b:s4+s17], $0x40, s10, s17, $0xb8;
	[tilespmem:$0x1C100] =	vst v63  }
0x3f: {  	_ =	swait.ge [sflag:s30], $0x1F40  }
0x40: {  	[sflag:s30] =	ssyncset.done $0x0  }
0x41: {  	s11 =	simm.s32 $0x5300;
	[sflag:s30] =	ssyncadd.s32 $0xFFFFE0C0  }
0x42: {  	[spmem:s1] =	stream.indirect.scatter.add.f32 [tilespmem:s22], [sflag:$0x7], $0x40, s11, s17, $0xb8;
	[tilespmem:$0x1C100] =	vst v63  }
0x43: {  	_ =	swait.ge [sflag:s31], $0x1F40  }
0x44: {  	[sflag:s31] =	ssyncset.done $0x0  }
0x45: {  	s10 =	simm.s32 $0x280;
	[sflag:s31] =	ssyncadd.s32 $0xFFFFE0C0  }
0x46: {  	[tilespmem:s20], [sflag:$0x2] =	stream.indirect.gather [hbm4b:s4+s17], $0x40, s10, s17, $0xb8;
	[tilespmem:$0x1C100] =	vst v63  }
0x47: {  	_ =	swait.ge [sflag:s0], $0x1F40  }
0x48: {  	[sflag:s0] =	ssyncset.done $0x0  }
0x49: {  	s11 =	simm.s32 $0x5380;
	[sflag:s0] =	ssyncadd.s32 $0xFFFFE0C0  }
0x4a: {  	[spmem:s1] =	stream.indirect.scatter.add.f32 [tilespmem:s24], [sflag:$0x8], $0x40, s11, s17, $0xb8;
	[tilespmem:$0x1C100] =	vst v63  }
0x4b: {  	_ =	swait.ge [sflag:s2], $0x1F40  }
0x4c: {  	[sflag:s2] =	ssyncset.done $0x0  }
0x4d: {  	s9 =	simm.s32 $0x800;
	s10 =	simm.s32 $0x300;
	[sflag:s2] =	ssyncadd.s32 $0xFFFFE0C0  }
.LBB2_2:
0x4e: {  	[tilespmem:s22], [sflag:$0x3] =	stream.indirect.gather [hbm4b:s4+s17], $0x40, s10, s17, $0xb8;
	[tilespmem:$0x1C100] =	vst v63  }
0x4f: {  	s10 =	smov.u32 s9  }
0x50: {  	p0 =	sne.s32 s9, $0x13800;
	s9 =	sadd.s32 $0x800, s9;
	_ =	swait.ge [sflag:s25], $0x1F40  }
0x51: {  	s10 =	sshra.s32 s10, $0x2;
	[sflag:s25] =	ssyncset.done $0x0  }
0x52: {  	s11 =	sadd.s32 $0x5200, s10;
	[sflag:s25] =	ssyncadd.s32 $0xFFFFE0C0  }
0x53: {  	[spmem:s1] =	stream.indirect.scatter.add.f32 [tilespmem:s18], [sflag:$0x5], $0x40, s11, s17, $0xb8;
	[tilespmem:$0x1C100] =	vst v63  }
0x54: {  	_ =	swait.ge [sflag:s26], $0x1F40  }
0x55: {  	[sflag:s26] =	ssyncset.done $0x0  }
0x56: {  	s11 =	sadd.s32 $0x180, s10;
	[sflag:s26] =	ssyncadd.s32 $0xFFFFE0C0  }
0x57: {  	[tilespmem:s24], [sflag:$0x4] =	stream.indirect.gather [hbm4b:s4+s17], $0x40, s11, s17, $0xb8;
	[tilespmem:$0x1C100] =	vst v63  }
0x58: {  	_ =	swait.ge [sflag:s28], $0x1F40  }
0x59: {  	[sflag:s28] =	ssyncset.done $0x0  }
0x5a: {  	s11 =	sadd.s32 $0x5280, s10;
	[sflag:s28] =	ssyncadd.s32 $0xFFFFE0C0  }
0x5b: {  	[spmem:s1] =	stream.indirect.scatter.add.f32 [tilespmem:s20], [sflag:$0x6], $0x40, s11, s17, $0xb8;
	[tilespmem:$0x1C100] =	vst v63  }
0x5c: {  	_ =	swait.ge [sflag:s29], $0x1F40  }
0x5d: {  	[sflag:s29] =	ssyncset.done $0x0  }
0x5e: {  	s11 =	sadd.s32 $0x200, s10;
	[sflag:s29] =	ssyncadd.s32 $0xFFFFE0C0  }
0x5f: {  	[tilespmem:s18], [sflag:$0x1] =	stream.indirect.gather [hbm4b:s4+s17], $0x40, s11, s17, $0xb8;
	[tilespmem:$0x1C100] =	vst v63  }
0x60: {  	_ =	swait.ge [sflag:s30], $0x1F40  }
0x61: {  	[sflag:s30] =	ssyncset.done $0x0  }
0x62: {  	s11 =	sadd.s32 $0x5300, s10;
	[sflag:s30] =	ssyncadd.s32 $0xFFFFE0C0  }
0x63: {  	[spmem:s1] =	stream.indirect.scatter.add.f32 [tilespmem:s22], [sflag:$0x7], $0x40, s11, s17, $0xb8;
	[tilespmem:$0x1C100] =	vst v63  }
0x64: {  	_ =	swait.ge [sflag:s31], $0x1F40  }
0x65: {  	[sflag:s31] =	ssyncset.done $0x0  }
0x66: {  	s11 =	sadd.s32 $0x280, s10;
	[sflag:s31] =	ssyncadd.s32 $0xFFFFE0C0  }
0x67: {  	[tilespmem:s20], [sflag:$0x2] =	stream.indirect.gather [hbm4b:s4+s17], $0x40, s11, s17, $0xb8;
	[tilespmem:$0x1C100] =	vst v63  }
0x68: {  	_ =	swait.ge [sflag:s0], $0x1F40  }
0x69: {  	[sflag:s0] =	ssyncset.done $0x0  }
.Ltmp0:
0x6a: {  	s11 =	sadd.s32 $0x5380, s10;
	[sflag:s0] =	ssyncadd.s32 $0xFFFFE0C0;
	(pc) =	sbr.rel @p0 .LBB2_2-.Ltmp0, $4  }
0x6b: {  	[spmem:s1] =	stream.indirect.scatter.add.f32 [tilespmem:s24], [sflag:$0x8], $0x40, s11, s17, $0xb8;
	[tilespmem:$0x1C100] =	vst v63  }
0x6c: {  	_ =	swait.ge [sflag:s2], $0x1F40  }
0x6d: {  	[sflag:s2] =	ssyncset.done $0x0  }
0x6e: {  	s10 =	sadd.s32 $0x300, s10;
	[sflag:s2] =	ssyncadd.s32 $0xFFFFE0C0  }
0x6f: {  	[tilespmem:s22], [sflag:$0x3] =	stream.indirect.gather [hbm4b:s4+s17], $0x40, s10, s17, $0xb8;
	[tilespmem:$0x1C100] =	vst v63  }
0x70: {  	_ =	swait.ge [sflag:s25], $0x1F40  }
0x71: {  	[sflag:s25] =	ssyncset.done $0x0  }
0x72: {  	[sflag:s25] =	ssyncadd.s32 $0xFFFFE0C0  }
0x73: {  	[spmem:s1] =	stream.indirect.scatter.add.f32 [tilespmem:s18], [sflag:$0x5], $0x40, s13, s17, $0xb8;
	[tilespmem:$0x1C100] =	vst v63  }
0x74: {  	_ =	swait.ge [sflag:s26], $0x1F40  }
0x75: {  	[sflag:s26] =	ssyncset.done $0x0  }
0x76: {  	[sflag:s26] =	ssyncadd.s32 $0xFFFFE0C0  }
0x77: {  	[tilespmem:s24], [sflag:$0x4] =	stream.indirect.gather [hbm4b:s4+s17], $0x40, s5, s17, $0xb8;
	[tilespmem:$0x1C100] =	vst v63  }
0x78: {  	_ =	swait.ge [sflag:s28], $0x1F40  }
0x79: {  	[sflag:s28] =	ssyncset.done $0x0  }
0x7a: {  	[sflag:s28] =	ssyncadd.s32 $0xFFFFE0C0  }
0x7b: {  	[spmem:s1] =	stream.indirect.scatter.add.f32 [tilespmem:s20], [sflag:$0x6], $0x40, s6, s17, $0xb8;
	[tilespmem:$0x1C100] =	vst v63  }
0x7c: {  	_ =	swait.ge [sflag:s29], $0x1F40  }
0x7d: {  	[sflag:s29] =	ssyncset.done $0x0  }
0x7e: {  	[sflag:s29] =	ssyncadd.s32 $0xFFFFE0C0  }
0x7f: {  	[tilespmem:s18], [sflag:$0x1] =	stream.indirect.gather [hbm4b:s4+s17], $0x40, s5, s17, $0xb8;
	[tilespmem:$0x1C100] =	vst v63  }
0x80: {  	_ =	swait.ge [sflag:s30], $0x1F40  }
0x81: {  	[sflag:s30] =	ssyncset.done $0x0  }
0x82: {  	[sflag:s30] =	ssyncadd.s32 $0xFFFFE0C0  }
0x83: {  	[spmem:s1] =	stream.indirect.scatter.add.f32 [tilespmem:s22], [sflag:$0x7], $0x40, s7, s17, $0xb8;
	[tilespmem:$0x1C100] =	vst v63  }
0x84: {  	_ =	swait.ge [sflag:s31], $0x1F40  }
0x85: {  	[sflag:s31] =	ssyncset.done $0x0  }
0x86: {  	[sflag:s31] =	ssyncadd.s32 $0xFFFFE0C0  }
0x87: {  	[tilespmem:s20], [sflag:$0x2] =	stream.indirect.gather [hbm4b:s4+s17], $0x40, s5, s17, $0xb8;
	[tilespmem:$0x1C100] =	vst v63  }
0x88: {  	_ =	swait.ge [sflag:s0], $0x1F40  }
0x89: {  	[sflag:s0] =	ssyncset.done $0x0  }
0x8a: {  	[sflag:s0] =	ssyncadd.s32 $0xFFFFE0C0  }
0x8b: {  	[spmem:s1] =	stream.indirect.scatter.add.f32 [tilespmem:s24], [sflag:$0x8], $0x40, s23, s17, $0xb8;
	[tilespmem:$0x1C100] =	vst v63  }
0x8c: {  	_ =	swait.ge [sflag:s2], $0x1F40  }
0x8d: {  	[sflag:s2] =	ssyncset.done $0x0  }
0x8e: {  	[sflag:s2] =	ssyncadd.s32 $0xFFFFE0C0  }
0x8f: {  	[tilespmem:s22], [sflag:$0x3] =	stream.indirect.gather [hbm4b:s4+s17], $0x40, s5, s17, $0xb8;
	[tilespmem:$0x1C100] =	vst v63  }
0x90: {  	_ =	swait.ge [sflag:s25], $0x1F40  }
0x91: {  	[sflag:s25] =	ssyncset.done $0x0  }
0x92: {  	[sflag:s25] =	ssyncadd.s32 $0xFFFFE0C0  }
0x93: {  	_ =	swait.ge [sflag:s28], $0x1F40  }
0x94: {  	[sflag:s28] =	ssyncset.done $0x0  }
0x95: {  	[sflag:s28] =	ssyncadd.s32 $0xFFFFE0C0  }
0x96: {  	_ =	swait.ge [sflag:s30], $0x1F40  }
0x97: {  	[sflag:s30] =	ssyncset.done $0x0  }
0x98: {  	[sflag:s30] =	ssyncadd.s32 $0xFFFFE0C0  }
0x99: {  	_ =	swait.ge [sflag:s26], $0x1F40  }
0x9a: {  	[sflag:s26] =	ssyncset.done $0x0  }
0x9b: {  	[sflag:s26] =	ssyncadd.s32 $0xFFFFE0C0  }
0x9c: {  	[bflag:$0x0] =	sbarrier.arrive $0xFFFF  }
0x9d: {  	s9 =	rddreg [dreg:$0x6]  }
0x9e: {  	[hbm:s9], [sflag:s15] =	dma.local [spmem:s16], $0x1400  }
0x9f: {  	_ =	swait.ge [sflag:s14], $0x1400  }
0xa0: {  	[sflag:s14] =	ssyncset.done $0x0  }
0xa1: {  	s9 =	simm.s32 $0x0;
	s11 =	rddreg [dreg:$0x7];
	[sflag:s14] =	ssyncadd.s32 $0xFFFFEC00  }
0xa2: {  	[tilespmem:s9], [sflag:$0x9] =	stream.linear.gather [hbm4b:s11+s9], $0x5200, $0x38;
	[tilespmem:$0x1C100] =	vst v63  }
0xa3: {  	_ =	swait.ge [sflag:s14], $0x5200  }
0xa4: {  	[sflag:s14] =	ssyncset.done $0x0  }
0xa5: {  	s11 =	rddreg [dreg:$0x8];
	[sflag:s14] =	ssyncadd.s32 $0xFFFFAE00  }
0xa6: {  	[spmem:s16], [sflag:s15] =	dma.local [hbm:s11], $0x1400  }
0xa7: {  	_ =	swait.ge [sflag:s14], $0x1400  }
0xa8: {  	[sflag:s14] =	ssyncset.done $0x0  }
0xa9: {  	[sflag:s14] =	ssyncadd.s32 $0xFFFFEC00  }
0xaa: {  	[bflag:$0x0] =	sbarrier.arrive $0xFFFF  }
0xab: {  	[tilespmem:s18], [sflag:$0x1] =	stream.indirect.gather [hbm4b:s4+s17], $0x40, s9, s17, $0xb8;
	[tilespmem:$0x1C100] =	vst v63  }
0xac: {  	_ = 	snop  }
0xad: {  	[tilespmem:s20], [sflag:$0x2] =	stream.indirect.gather [hbm4b:s4+s17], $0x40, s19, s17, $0xb8;
	[tilespmem:$0x1C100] =	vst v63  }
0xae: {  	_ = 	snop  }
0xaf: {  	[tilespmem:s22], [sflag:$0x3] =	stream.indirect.gather [hbm4b:s4+s17], $0x40, s21, s17, $0xb8;
	[tilespmem:$0x1C100] =	vst v63  }
0xb0: {  	_ = 	snop  }
0xb1: {  	[spmem:s1] =	stream.indirect.scatter.add.f32 [tilespmem:s24], [sflag:$0x8], $0x40, s23, s17, $0xb8;
	[tilespmem:$0x1C100] =	vst v63  }
0xb2: {  	_ =	swait.ge [sflag:s25], $0x1F40  }
0xb3: {  	[sflag:s25] =	ssyncset.done $0x0  }
0xb4: {  	s11 =	simm.s32 $0x5200;
	[sflag:s25] =	ssyncadd.s32 $0xFFFFE0C0  }
0xb5: {  	[spmem:s1] =	stream.indirect.scatter.add.f32 [tilespmem:s18], [sflag:$0x5], $0x40, s11, s17, $0xb8;
	[tilespmem:$0x1C100] =	vst v63  }
0xb6: {  	_ =	swait.ge [sflag:s26], $0x1F40  }
0xb7: {  	[sflag:s26] =	ssyncset.done $0x0  }
0xb8: {  	s10 =	simm.s32 $0x180;
	[sflag:s26] =	ssyncadd.s32 $0xFFFFE0C0  }
0xb9: {  	[tilespmem:s24], [sflag:$0x4] =	stream.indirect.gather [hbm4b:s4+s17], $0x40, s10, s17, $0xb8;
	[tilespmem:$0x1C100] =	vst v63  }
0xba: {  	_ =	swait.ge [sflag:s28], $0x1F40  }
0xbb: {  	[sflag:s28] =	ssyncset.done $0x0  }
0xbc: {  	s11 =	simm.s32 $0x5280;
	[sflag:s28] =	ssyncadd.s32 $0xFFFFE0C0  }
0xbd: {  	[spmem:s1] =	stream.indirect.scatter.add.f32 [tilespmem:s20], [sflag:$0x6], $0x40, s11, s17, $0xb8;
	[tilespmem:$0x1C100] =	vst v63  }
0xbe: {  	_ =	swait.ge [sflag:s29], $0x1F40  }
0xbf: {  	[sflag:s29] =	ssyncset.done $0x0  }
0xc0: {  	s10 =	simm.s32 $0x200;
	[sflag:s29] =	ssyncadd.s32 $0xFFFFE0C0  }
0xc1: {  	[tilespmem:s18], [sflag:$0x1] =	stream.indirect.gather [hbm4b:s4+s17], $0x40, s10, s17, $0xb8;
	[tilespmem:$0x1C100] =	vst v63  }
0xc2: {  	_ =	swait.ge [sflag:s30], $0x1F40  }
0xc3: {  	[sflag:s30] =	ssyncset.done $0x0  }
0xc4: {  	s11 =	simm.s32 $0x5300;
	[sflag:s30] =	ssyncadd.s32 $0xFFFFE0C0  }
0xc5: {  	[spmem:s1] =	stream.indirect.scatter.add.f32 [tilespmem:s22], [sflag:$0x7], $0x40, s11, s17, $0xb8;
	[tilespmem:$0x1C100] =	vst v63  }
0xc6: {  	_ =	swait.ge [sflag:s31], $0x1F40  }
0xc7: {  	[sflag:s31] =	ssyncset.done $0x0  }
0xc8: {  	s10 =	simm.s32 $0x280;
	[sflag:s31] =	ssyncadd.s32 $0xFFFFE0C0  }
0xc9: {  	[tilespmem:s20], [sflag:$0x2] =	stream.indirect.gather [hbm4b:s4+s17], $0x40, s10, s17, $0xb8;
	[tilespmem:$0x1C100] =	vst v63  }
0xca: {  	_ =	swait.ge [sflag:s0], $0x1F40  }
0xcb: {  	[sflag:s0] =	ssyncset.done $0x0  }
0xcc: {  	s11 =	simm.s32 $0x5380;
	[sflag:s0] =	ssyncadd.s32 $0xFFFFE0C0  }
0xcd: {  	[spmem:s1] =	stream.indirect.scatter.add.f32 [tilespmem:s24], [sflag:$0x8], $0x40, s11, s17, $0xb8;
	[tilespmem:$0x1C100] =	vst v63  }
0xce: {  	_ =	swait.ge [sflag:s2], $0x1F40  }
0xcf: {  	[sflag:s2] =	ssyncset.done $0x0  }
0xd0: {  	s9 =	simm.s32 $0x800;
	s10 =	simm.s32 $0x300;
	[sflag:s2] =	ssyncadd.s32 $0xFFFFE0C0  }
.LBB2_4:
0xd1: {  	[tilespmem:s22], [sflag:$0x3] =	stream.indirect.gather [hbm4b:s4+s17], $0x40, s10, s17, $0xb8;
	[tilespmem:$0x1C100] =	vst v63  }
0xd2: {  	s10 =	smov.u32 s9  }
0xd3: {  	p0 =	sne.s32 s9, $0x13800;
	s9 =	sadd.s32 $0x800, s9;
	_ =	swait.ge [sflag:s25], $0x1F40  }
0xd4: {  	s10 =	sshra.s32 s10, $0x2;
	[sflag:s25] =	ssyncset.done $0x0  }
0xd5: {  	s11 =	sadd.s32 $0x5200, s10;
	[sflag:s25] =	ssyncadd.s32 $0xFFFFE0C0  }
0xd6: {  	[spmem:s1] =	stream.indirect.scatter.add.f32 [tilespmem:s18], [sflag:$0x5], $0x40, s11, s17, $0xb8;
	[tilespmem:$0x1C100] =	vst v63  }
0xd7: {  	_ =	swait.ge [sflag:s26], $0x1F40  }
0xd8: {  	[sflag:s26] =	ssyncset.done $0x0  }
0xd9: {  	s11 =	sadd.s32 $0x180, s10;
	[sflag:s26] =	ssyncadd.s32 $0xFFFFE0C0  }
0xda: {  	[tilespmem:s24], [sflag:$0x4] =	stream.indirect.gather [hbm4b:s4+s17], $0x40, s11, s17, $0xb8;
	[tilespmem:$0x1C100] =	vst v63  }
0xdb: {  	_ =	swait.ge [sflag:s28], $0x1F40  }
0xdc: {  	[sflag:s28] =	ssyncset.done $0x0  }
0xdd: {  	s11 =	sadd.s32 $0x5280, s10;
	[sflag:s28] =	ssyncadd.s32 $0xFFFFE0C0  }
0xde: {  	[spmem:s1] =	stream.indirect.scatter.add.f32 [tilespmem:s20], [sflag:$0x6], $0x40, s11, s17, $0xb8;
	[tilespmem:$0x1C100] =	vst v63  }
0xdf: {  	_ =	swait.ge [sflag:s29], $0x1F40  }
0xe0: {  	[sflag:s29] =	ssyncset.done $0x0  }
0xe1: {  	s11 =	sadd.s32 $0x200, s10;
	[sflag:s29] =	ssyncadd.s32 $0xFFFFE0C0  }
0xe2: {  	[tilespmem:s18], [sflag:$0x1] =	stream.indirect.gather [hbm4b:s4+s17], $0x40, s11, s17, $0xb8;
	[tilespmem:$0x1C100] =	vst v63  }
0xe3: {  	_ =	swait.ge [sflag:s30], $0x1F40  }
0xe4: {  	[sflag:s30] =	ssyncset.done $0x0  }
0xe5: {  	s11 =	sadd.s32 $0x5300, s10;
	[sflag:s30] =	ssyncadd.s32 $0xFFFFE0C0  }
0xe6: {  	[spmem:s1] =	stream.indirect.scatter.add.f32 [tilespmem:s22], [sflag:$0x7], $0x40, s11, s17, $0xb8;
	[tilespmem:$0x1C100] =	vst v63  }
0xe7: {  	_ =	swait.ge [sflag:s31], $0x1F40  }
0xe8: {  	[sflag:s31] =	ssyncset.done $0x0  }
0xe9: {  	s11 =	sadd.s32 $0x280, s10;
	[sflag:s31] =	ssyncadd.s32 $0xFFFFE0C0  }
0xea: {  	[tilespmem:s20], [sflag:$0x2] =	stream.indirect.gather [hbm4b:s4+s17], $0x40, s11, s17, $0xb8;
	[tilespmem:$0x1C100] =	vst v63  }
0xeb: {  	_ =	swait.ge [sflag:s0], $0x1F40  }
0xec: {  	[sflag:s0] =	ssyncset.done $0x0  }
.Ltmp1:
0xed: {  	s11 =	sadd.s32 $0x5380, s10;
	[sflag:s0] =	ssyncadd.s32 $0xFFFFE0C0;
	(pc) =	sbr.rel @p0 .LBB2_4-.Ltmp1, $4  }
0xee: {  	[spmem:s1] =	stream.indirect.scatter.add.f32 [tilespmem:s24], [sflag:$0x8], $0x40, s11, s17, $0xb8;
	[tilespmem:$0x1C100] =	vst v63  }
0xef: {  	_ =	swait.ge [sflag:s2], $0x1F40  }
0xf0: {  	[sflag:s2] =	ssyncset.done $0x0  }
0xf1: {  	s10 =	sadd.s32 $0x300, s10;
	[sflag:s2] =	ssyncadd.s32 $0xFFFFE0C0  }
0xf2: {  	[tilespmem:s22], [sflag:$0x3] =	stream.indirect.gather [hbm4b:s4+s17], $0x40, s10, s17, $0xb8;
	[tilespmem:$0x1C100] =	vst v63  }
0xf3: {  	_ =	swait.ge [sflag:s25], $0x1F40  }
0xf4: {  	[sflag:s25] =	ssyncset.done $0x0  }
0xf5: {  	[sflag:s25] =	ssyncadd.s32 $0xFFFFE0C0  }
0xf6: {  	[spmem:s1] =	stream.indirect.scatter.add.f32 [tilespmem:s18], [sflag:$0x5], $0x40, s13, s17, $0xb8;
	[tilespmem:$0x1C100] =	vst v63  }
0xf7: {  	_ =	swait.ge [sflag:s26], $0x1F40  }
0xf8: {  	[sflag:s26] =	ssyncset.done $0x0  }
0xf9: {  	[sflag:s26] =	ssyncadd.s32 $0xFFFFE0C0  }
0xfa: {  	[tilespmem:s24], [sflag:$0x4] =	stream.indirect.gather [hbm4b:s4+s17], $0x40, s5, s17, $0xb8;
	[tilespmem:$0x1C100] =	vst v63  }
0xfb: {  	_ =	swait.ge [sflag:s28], $0x1F40  }
0xfc: {  	[sflag:s28] =	ssyncset.done $0x0  }
0xfd: {  	[sflag:s28] =	ssyncadd.s32 $0xFFFFE0C0  }
0xfe: {  	[spmem:s1] =	stream.indirect.scatter.add.f32 [tilespmem:s20], [sflag:$0x6], $0x40, s6, s17, $0xb8;
	[tilespmem:$0x1C100] =	vst v63  }
0xff: {  	_ =	swait.ge [sflag:s29], $0x1F40  }
0x100: {  	[sflag:s29] =	ssyncset.done $0x0  }
0x101: {  	[sflag:s29] =	ssyncadd.s32 $0xFFFFE0C0  }
0x102: {  	[tilespmem:s18], [sflag:$0x1] =	stream.indirect.gather [hbm4b:s4+s17], $0x40, s5, s17, $0xb8;
	[tilespmem:$0x1C100] =	vst v63  }
0x103: {  	_ =	swait.ge [sflag:s30], $0x1F40  }
0x104: {  	[sflag:s30] =	ssyncset.done $0x0  }
0x105: {  	[sflag:s30] =	ssyncadd.s32 $0xFFFFE0C0  }
0x106: {  	[spmem:s1] =	stream.indirect.scatter.add.f32 [tilespmem:s22], [sflag:$0x7], $0x40, s7, s17, $0xb8;
	[tilespmem:$0x1C100] =	vst v63  }
0x107: {  	_ =	swait.ge [sflag:s31], $0x1F40  }
0x108: {  	[sflag:s31] =	ssyncset.done $0x0  }
0x109: {  	[sflag:s31] =	ssyncadd.s32 $0xFFFFE0C0  }
0x10a: {  	[tilespmem:s20], [sflag:$0x2] =	stream.indirect.gather [hbm4b:s4+s17], $0x40, s5, s17, $0xb8;
	[tilespmem:$0x1C100] =	vst v63  }
0x10b: {  	_ =	swait.ge [sflag:s0], $0x1F40  }
0x10c: {  	[sflag:s0] =	ssyncset.done $0x0  }
0x10d: {  	[sflag:s0] =	ssyncadd.s32 $0xFFFFE0C0  }
0x10e: {  	[spmem:s1] =	stream.indirect.scatter.add.f32 [tilespmem:s24], [sflag:$0x8], $0x40, s23, s17, $0xb8;
	[tilespmem:$0x1C100] =	vst v63  }
0x10f: {  	_ =	swait.ge [sflag:s2], $0x1F40  }
0x110: {  	[sflag:s2] =	ssyncset.done $0x0  }
0x111: {  	[sflag:s2] =	ssyncadd.s32 $0xFFFFE0C0  }
0x112: {  	[tilespmem:s22], [sflag:$0x3] =	stream.indirect.gather [hbm4b:s4+s17], $0x40, s5, s17, $0xb8;
	[tilespmem:$0x1C100] =	vst v63  }
0x113: {  	_ =	swait.ge [sflag:s25], $0x1F40  }
0x114: {  	[sflag:s25] =	ssyncset.done $0x0  }
0x115: {  	[sflag:s25] =	ssyncadd.s32 $0xFFFFE0C0  }
0x116: {  	_ =	swait.ge [sflag:s28], $0x1F40  }
0x117: {  	[sflag:s28] =	ssyncset.done $0x0  }
0x118: {  	[sflag:s28] =	ssyncadd.s32 $0xFFFFE0C0  }
0x119: {  	_ =	swait.ge [sflag:s30], $0x1F40  }
0x11a: {  	[sflag:s30] =	ssyncset.done $0x0  }
0x11b: {  	[sflag:s30] =	ssyncadd.s32 $0xFFFFE0C0  }
0x11c: {  	_ =	swait.ge [sflag:s26], $0x1F40  }
0x11d: {  	[sflag:s26] =	ssyncset.done $0x0  }
0x11e: {  	s8 =	sadd.s32 $0x1, s8;
	[sflag:s26] =	ssyncadd.s32 $0xFFFFE0C0  }
0x11f: {  	p0 =	sne.s32 s8, s12;
	[bflag:$0x0] =	sbarrier.arrive $0xFFFF  }
.Ltmp2:
0x120: {  	s9 =	rddreg [dreg:$0x9];
	(pc) =	sbr.rel @p0 .LBB2_1-.Ltmp2, $4  }
0x121: {  	[hbm:s9], [sflag:s15] =	dma.local [spmem:s16], $0x1400  }
0x122: {  	_ =	swait.ge [sflag:s14], $0x1400  }
0x123: {  	[sflag:s14] =	ssyncset.done $0x0  }
0x124: {  	[sflag:s14] =	ssyncadd.s32 $0xFFFFEC00  }
0x125: {  	_ =	sfence.sel $0x180000  }
0x126: {  	[bflag:$0x0] =	sbarrier.arrive $0xFFFF  }
0x127: {  	_ =	strace $0x9000004A  }
0x128: {  	s0 =	stileid.u32;
	[bflag:$0x2] =	sbarrier.arrive $0xFFFF  }
0x129: {  	p0 =	sne.s32 s0, $0x0;
	s0 =	rddreg [dreg:$0x2]  }
0x12a: {  	s0 =	sadd.s32 @!p0 $0x100000, s0  }
0x12b: {  	[sflag:s0] =	ssyncadd.tile.s32 @!p0 $0x1;
	_ =	shalt  }
.Lfunc_end2:
_tile_overlayer_lowered:
.L_overlay_start_2:
0x12c: {  	(tag) =	ssettag $0x2  }
0x12d: {  	s0 =	rddreg [dreg:$0x0];
	s2 =	stileid.u32  }
0x12e: {  	s1 =	rddreg [dreg:$0x1];
	p0 =	sne.s32 s2, $0x0  }
0x12f: {  	s3 =	rddreg [dreg:$0x2];
	[bflag:$0x3] =	sbarrier.arrive $0xFFFF;
	s2 =	simm.s32 @!p0 $0x1C09  }
0x130: {  	[timem:s3], [sflag:s2] =	dma.local @!p0 [hbm:s0], s1  }
0x131: {  	s0 =	simm.s32 @!p0 $0x9  }
0x132: {  	_ =	swait.ge @!p0 [sflag:s0], s1  }
0x133: {  	s1 =	ssub.s32 @!p0 $0x0, s1;
	[sflag:s0] =	ssyncset.done @!p0 $0x0  }
0x134: {  	[sflag:s0] =	ssyncadd.s32 @!p0 s1  }
0x135: {  	[bflag:$0x3] =	sbarrier.arrive $0xFFFF  }
0x136: {  	_ =	shalt  }

// kernel: kernel.14.cloned.1.call-start
scs
__scs_entry_jumppad:
0x0: {  	(pc) =	sbr.rel $0x88, $3  }
0x1: {  	(tag) =	ssettag $0x0;
	lr =	simm.s32 $0x1  }
0x2: {  	[smem:$0x3F9A] =	sst lr;
	_ =	strace $0xD0000000  }
0x3: {  	_ = 	snop  }
0x4: {  	_ = 	snop  }
0x5: {  	_ = 	snop  }
0x6: {  	_ = 	snop  }
0x7: {  	_ = 	snop  }
__scs_overlays_trampoline_lowered:
0x8: {  	[smem:$0x3FA9] =	sst s0  }
0x9: {  	[smem:$0x3FAA] =	sst s1  }
0xa: {  	[smem:$0x3FAB] =	sst s2  }
0xb: {  	[smem:$0x3FAC] =	sst s3  }
0xc: {  	[smem:$0x3FAD] =	sst s4  }
0xd: {  	[smem:$0x3FAE] =	sst s5  }
0xe: {  	[smem:$0x3FAF] =	sst s6  }
0xf: {  	[smem:$0x3FB0] =	sst s7  }
0x10: {  	[smem:$0x3FB1] =	sst s8  }
0x11: {  	[smem:$0x3FB2] =	sst s9;
	s0 =	simm.s32 @!p0 $0x0  }
0x12: {  	s1 =	sld [smem:$0x3F98];
	s0 =	simm.s32 @p0 $0x1  }
0x13: {  	[smem:$0x3FB3] =	sst s0;
	s0 =	simm.s32 @!p1 $0x0  }
0x14: {  	s2 =	sld [smem:$0x3F97];
	s0 =	simm.s32 @p1 $0x1  }
0x15: {  	[smem:$0x3FB4] =	sst s0;
	s0 =	simm.s32 @!p2 $0x0  }
0x16: {  	s3 =	sld [smem:$0x3FDB];
	s0 =	simm.s32 @p2 $0x1  }
0x17: {  	s4 =	simm.s32 $0x1BF5;
	[smem:$0x3FB6] =	sst s0  }
0x18: {  	s0 =	sld [smem:$0x3F99];
	_ =	swait.ge [sflag:s4], $0x0  }
0x19: {  	s7 =	sld [smem:$0x3F9A]  }
0x1a: {  	s8 =	sadd.s32 $0xFFFFE003, lr  }
0x1b: {  	s9 =	sadd.s32 $0xFFFFFEF7, lr;
	s5 =	simm.s32 $0xFFFFFFFF;
	p2 =	slt.u32 s8, $0xFFFFF086  }
0x1c: {  	p1 =	slt.u32 s9, $0xF7A;
	s5 =	simm.s32 @!p2 $0x0  }
0x1d: {  	s5 =	simm.s32 @p1 $0x1;
	p0 =	seq.s32 s7, s2  }
0x1e: {  	s7 =	smul.u32 @!p0 $0xF7A, s2;
	p2 =	seq.s32 @!p0 s5, $0x0  }
0x1f: {  	s9 =	smul.u32 $0xF7A, s1;
	s8 =	simm.s32 @!p0 $0x1BF5;
	p2 =	por !p2, p0  }
0x20: {  	[sflag:s8] =	ssyncset.s32 @!p0 $0xFFFFF086;
	s6 =	sadd.s32 @!p0 s3, s7;
	s7 =	simm.s32 @!p0 $0x108  }
0x21: {  	s3 =	sadd.s32 s3, s9;
	s6 =	sadd.s32 @!p0 $0x88, s6;
	s7 =	simm.s32 @p2 $0x1082  }
0x22: {  	[simem:s7], [sflag:s8] =	dma.local @!p0 [hbm:s6], $0xF7A  }
0x23: {  	s9 =	sor.u32 $0xD0000000, s2;
	s6 =	simm.s32 $0x108;
	_ =	swait.ge @!p0 [sflag:s8], $0x0  }
0x24: {  	s3 =	sadd.s32 $0x88, s3;
	s6 =	simm.s32 @!p1 $0x1082;
	[sflag:s4] =	ssyncset.s32 $0xFFFFF086  }
0x25: {  	[simem:s6], [sflag:s4] =	dma.local [hbm:s3], $0xF7A  }
0x26: {  	[smem:$0x3F9A] =	sst s1;
	(tag) =	ssettag s2;
	_ =	strace s9  }
0x27: {  	s1 =	sld [smem:$0x3FAA]  }
0x28: {  	s2 =	sld [smem:$0x3FAB]  }
0x29: {  	s4 =	sld [smem:$0x3FAD]  }
0x2a: {  	p0 =	seq.s32 s5, $0x0;
	s5 =	sld [smem:$0x3FAE]  }
0x2b: {  	s6 =	sld [smem:$0x3FAF]  }
0x2c: {  	s7 =	sld [smem:$0x3FB0]  }
0x2d: {  	s3 =	simm.s32 $0x108;
	s8 =	sld [smem:$0x3FB1]  }
0x2e: {  	s3 =	simm.s32 @!p0 $0x1082;
	s9 =	sld [smem:$0x3FB2]  }
0x2f: {  	lr =	sadd.s32 s0, s3;
	s0 =	sld [smem:$0x3FA9]  }
0x30: {  	s3 =	sld [smem:$0x3FAC]  }
0x31: {  	[smem:$0x3FB5] =	sst s10  }
0x32: {  	s10 =	sld [smem:$0x3FB3];
	_ =	sdelay $0x3  }
0x33: {  	p0 =	seq.s32 s10, $0x1;
	s10 =	sld [smem:$0x3FB5];
	_ =	sdelay $0x3  }
0x34: {  	[smem:$0x3FB5] =	sst s10  }
0x35: {  	s10 =	sld [smem:$0x3FB4];
	_ =	sdelay $0x3  }
0x36: {  	p1 =	seq.s32 s10, $0x1;
	s10 =	sld [smem:$0x3FB5];
	_ =	sdelay $0x3  }
0x37: {  	[smem:$0x3FB5] =	sst s10  }
0x38: {  	s10 =	sld [smem:$0x3FB6]  }
0x39: {  	_ = 	snop;
	(pc) =	sbr.ind lr, $3  }
0x3a: {  	_ = 	snop  }
0x3b: {  	_ = 	snop  }
0x3c: {  	p2 =	seq.s32 s10, $0x1;
	s10 =	sld [smem:$0x3FB5]  }
0x3d: {  	_ =	shalt  }
0x3e: {  	_ =	shalt  }
0x3f: {  	_ =	shalt  }
0x40: {  	_ =	shalt  }
0x41: {  	_ =	shalt  }
0x42: {  	_ =	shalt  }
0x43: {  	_ =	shalt  }
0x44: {  	_ =	shalt  }
0x45: {  	_ =	shalt  }
0x46: {  	_ =	shalt  }
0x47: {  	_ =	shalt  }
0x48: {  	_ =	shalt  }
0x49: {  	_ =	shalt  }
0x4a: {  	_ =	shalt  }
0x4b: {  	_ =	shalt  }
0x4c: {  	_ =	shalt  }
0x4d: {  	_ =	shalt  }
0x4e: {  	_ =	shalt  }
0x4f: {  	_ =	shalt  }
0x50: {  	_ =	shalt  }
0x51: {  	_ =	shalt  }
0x52: {  	_ =	shalt  }
0x53: {  	_ =	shalt  }
0x54: {  	_ =	shalt  }
0x55: {  	_ =	shalt  }
0x56: {  	_ =	shalt  }
0x57: {  	_ =	shalt  }
0x58: {  	_ =	shalt  }
0x59: {  	_ =	shalt  }
0x5a: {  	_ =	shalt  }
0x5b: {  	_ =	shalt  }
0x5c: {  	_ =	shalt  }
0x5d: {  	_ =	shalt  }
0x5e: {  	_ =	shalt  }
0x5f: {  	_ =	shalt  }
0x60: {  	_ =	shalt  }
0x61: {  	_ =	shalt  }
0x62: {  	_ =	shalt  }
0x63: {  	_ =	shalt  }
0x64: {  	_ =	shalt  }
0x65: {  	_ =	shalt  }
0x66: {  	_ =	shalt  }
0x67: {  	_ =	shalt  }
0x68: {  	_ =	shalt  }
0x69: {  	_ =	shalt  }
0x6a: {  	_ =	shalt  }
0x6b: {  	_ =	shalt  }
0x6c: {  	_ =	shalt  }
0x6d: {  	_ =	shalt  }
0x6e: {  	_ =	shalt  }
0x6f: {  	_ =	shalt  }
0x70: {  	_ =	shalt  }
0x71: {  	_ =	shalt  }
0x72: {  	_ =	shalt  }
0x73: {  	_ =	shalt  }
0x74: {  	_ =	shalt  }
0x75: {  	_ =	shalt  }
0x76: {  	_ =	shalt  }
0x77: {  	_ =	shalt  }
0x78: {  	_ =	shalt  }
0x79: {  	_ =	shalt  }
0x7a: {  	_ =	shalt  }
0x7b: {  	_ =	shalt  }
0x7c: {  	_ =	shalt  }
0x7d: {  	_ =	shalt  }
0x7e: {  	_ =	shalt  }
0x7f: {  	_ =	shalt  }
0x80: {  	_ =	shalt  }
0x81: {  	_ =	shalt  }
0x82: {  	_ =	shalt  }
0x83: {  	_ =	shalt  }
0x84: {  	_ =	shalt  }
0x85: {  	_ =	shalt  }
0x86: {  	_ =	shalt  }
0x87: {  	_ =	shalt  }
.Lfunc_end0:
.L_simem_size_0:
called_computation.2_lowered:
.L_overlay_start_0:
0x88: {  	s2 =	sld [smem:$0x3FD9]  }
0x89: {  	s3 =	sld [smem:$0x3FFE];
	_ =	sdelay $0x1  }
0x8a: {  	s1 =	srdreg.scid  }
0x8b: {  	s0 =	sand.u32 $0x1, s1  }
0x8c: {  	s16 =	sshll.u32 s0, $0xA;
	s2 =	sadd.s32 s3, s2  }
0x8d: {  	s2 =	sadd.s32 s2, s16  }
0x8e: {  	[smem:$0x3FC1] =	sst s2  }
0x8f: {  	_ = 	snop  }
0x90: {  	(tm) =	ssettm $0x1  }
0x91: {  	s17 =	sld [smem:$0x3FFB];
	_ =	sdelay $0x3  }
0x92: {  	_ =	strace s17  }
0x93: {  	s2 =	sld [smem:$0x3FFC];
	_ =	sdelay $0x3  }
0x94: {  	_ =	strace s2  }
0x95: {  	s2 =	sld [smem:$0x3FFD];
	_ =	sdelay $0x3  }
0x96: {  	_ =	strace s2  }
0x97: {  	_ =	strace $0x8FFFFFFF  }
0x98: {  	s18 =	sld [smem:$0x3FDB];
	_ =	sdelay $0x1  }
0x99: {  	s19 =	simm.s32 $_scs_section_size  }
0x9a: {  	s4 =	simm.s32 $_size__tile_overlayer_lowered;
	s5 =	simm.s32 $_tile_overlayer_lowered  }
0x9b: {  	s22 =	simm.s32 $0x1BFF;
	s21 =	sshll.u32 s5, $0x1;
	s2 =	sadd.s32 s19, s18  }
0x9c: {  	s6 =	simm.s32 $0x0;
	s20 =	sshll.u32 s4, $0x1;
	s4 =	sadd.s32 s21, s2  }
0x9d: {  	[timem:s6], [sflag:s22] =	dma.local [hbm:s4], s20  }
0x9e: {  	_ =	swait.ge [sflag:s22], s20  }
0x9f: {  	s3 =	ssub.s32 $0x0, s20;
	[sflag:s22] =	ssyncset.done $0x0  }
0xa0: {  	[sflag:s22] =	ssyncadd.s32 s3;
	_ =	sdelay $0x1  }
0xa1: {  	s23 =	simm.s32 $0x1B8B  }
0xa2: {  	_ =	swait.ge [sflag:s23], $0x1  }
0xa3: {  	[sflag:s23] =	ssyncset.done $0x0  }
0xa4: {  	s25 =	simm.s32 $0x1B8E;
	s24 =	sld [smem:$0x3FFE];
	[sflag:s23] =	ssyncadd.s32 $0xFFFFFFFF  }
0xa5: {  	s26 =	simm.s32 $execute0_lowered;
	[smem:$0x3FD2] =	sst s25  }
0xa6: {  	s4 =	sshll.u32 s26, $0x1;
	_ =	strace $0x8000004C;
	[dreg:$0x1] =	wrdreg $0xFFFFFFFF  }
0xa7: {  	s28 =	simm.s32 $_size_execute0_lowered;
	s2 =	sadd.s32 s2, s4;
	[dreg:$0x0] =	wrdreg $0x0  }
0xa8: {  	s4 =	sshll.u32 s28, $0x1;
	[dreg:$0x2] =	wrdreg s2  }
0xa9: {  	[dreg:$0x3] =	wrdreg s4  }
0xaa: {  	[dreg:$0x4] =	wrdreg $0xC0  }
0xab: {  	_ =	task [dreg:s6], $0x5FFFF  }
0xac: {  	[dreg:$0x1] =	wrdreg $0xFFFFFFFF  }
0xad: {  	[dreg:$0x0] =	wrdreg $0x60  }
0xae: {  	[dreg:$0x2] =	wrdreg s24  }
0xaf: {  	[dreg:$0x3] =	wrdreg $0x121000  }
0xb0: {  	[dreg:$0x4] =	wrdreg $0x9  }
0xb1: {  	_ =	task.clear_ibuf [dreg:s6], $0x5FFFF;
	_ =	strace $0x9000004C  }
0xb2: {  	s29 =	simm.s32 $0x9;
	_ =	strace $0x8000004E  }
0xb3: {  	_ =	swait.ge [sflag:s29], $0x1  }
0xb4: {  	[sflag:s29] =	ssyncadd.s32 $0xFFFFFFFF  }
0xb5: {  	_ =	strace $0x9000004E  }
0xb6: {  	_ =	sfence  }
0xb7: {  	s30 =	sld [smem:$0x0];
	_ =	sdelay $0x2  }
0xb8: {  	s31 =	sshll.u32 s1, $0xD;
	s1 =	sshrl.u32 s1, $0x2  }
0xb9: {  	s3 =	sand.u32 $0x4000, s31;
	s1 =	sadd.s32 s1, s30  }
0xba: {  	s0 =	sor.u32 s3, s0;
	s1 =	sshll.u32 s1, $0x11  }
0xbb: {  	s0 =	sor.u32 s1, s0  }
0xbc: {  	s0 =	sadd.s32 $0x8F2B, s0  }
0xbd: {  	[sflag:s0] =	ssyncadd.remote.s32 $0x1  }
0xbe: {  	_ =	sfence.sel $0xFFFF  }
0xbf: {  	[dreg:$0x0] =	wrdreg $0xFFFFFFFF;
	(pc) =	sbr.abs _section_cstart, $3  }
0xc0: {  	[dreg:$0x1] =	wrdreg $0xFFFFFFFF  }
0xc1: {  	_ =	task.clear_ibuf [dreg:s6], $0x2FFFF;
	_ =	strace $0x9FFFFFFF  }
0xc2: {  	(tm) =	ssettm $0x7FFFFFFF  }
0xc3: {  	_ =	shalt  }
tec
execute0_lowered:
.L_overlay_start_1:
0x0: {  	(tag) =	ssettag $0x1  }
0x1: {  	s0 =	srdreg.scid;
	s5 =	rddreg [dreg:$0x0]  }
0x2: {  	s11 =	stileid.u32;
	s2 =	rddreg [dreg:$0x1]  }
0x3: {  	s3 =	simm.s32 $0x0;
	s14 =	simm.s32 $0x7D;
	s15 =	simm.s32 $0xA400  }
0x4: {  	s17 =	simm.s32 $0xC340;
	s19 =	simm.s32 $0xE280;
	s20 =	simm.s32 $0xA380  }
0x5: {  	s21 =	simm.s32 $0x101C0;
	s22 =	simm.s32 $0x1;
	s23 =	simm.s32 $0x8  }
0x6: {  	s24 =	simm.s32 $0x2;
	s28 =	simm.s32 $0x6;
	s29 =	simm.s32 $0x4  }
0x7: {  	s30 =	simm.s32 $0x7;
	s16 =	simm.s32 $0x0;
	s7 =	smul.u32 $0x280, s11  }
0x8: {  	s0 =	sand.u32 $0x1, s0;
	[smem:$0x7FF] =	sst s3;
	s8 =	smul.u32 $0xA40, s11  }
0x9: {  	s4 =	sadd.s32 $0x35A00, s5;
	s9 =	smul.u32 $0x28000, s11;
	s31 =	sshll.u32 s11, $0x6  }
0xa: {  	s1 =	sshll.u32 s0, $0x4;
	s6 =	smul.u32 $0x2800, s0;
	_ =	strace $0x8000004D  }
0xb: {  	s0 =	ssub.s32 $0x2, s0;
	s12 =	sor.u32 $0x1C09, s31;
	s1 =	sor.u32 s11, s1  }
0xc: {  	s25 =	sshrl.u32 s0, $0x1;
	s8 =	sadd.s32 s8, s5;
	s26 =	sshrl.u32 s9, $0x2  }
0xd: {  	s11 =	simm.s32 $0x9;
	s1 =	smul.u32 $0xA40, s1;
	s6 =	sadd.s32 s7, s6  }
0xe: {  	s0 =	ssub.s32 s0, s25;
	s25 =	simm.s32 $0x5;
	s7 =	sshll.u32 s6, $0x3  }
0xf: {  	s9 =	smax.u32 s0, $0x1;
	s1 =	sadd.s32 s1, s5;
	s10 =	sadd.s32 s7, s5  }
0x10: {  	s5 =	sadd.s32 $0x2B600, s8;
	s7 =	sadd.s32 s4, s7;
	s6 =	sadd.s32 $0x2600, s1  }
0x11: {  	s1 =	sadd.s32 s26, s2;
	s8 =	sadd.s32 $0x5DA00, s10;
	s26 =	simm.s32 $0x3  }
0x12: {  	s10 =	simm.s32 $0xA300;
	s13 =	sshrl.u32 s1, $0x3;
	s1 =	simm.s32 $0x5180  }
.LBB2_1:
0x13: {  	s0 =	simm.s32 $0x5200  }
0x14: {  	[tilespmem:s0], [sflag:$0x9] =	stream.linear.gather [hbm4b:s5+s3], $0x5200, $0x38;
	[tilespmem:$0x1C100] =	vst v63  }
0x15: {  	_ =	swait.ge [sflag:s11], $0x5200  }
0x16: {  	[sflag:s11] =	ssyncset.done $0x0  }
0x17: {  	[sflag:s11] =	ssyncadd.s32 $0xFFFFAE00  }
0x18: {  	[tilespmem:s3], [sflag:$0x9] =	stream.linear.gather [hbm4b:s6+s3], $0x5200, $0x38;
	[tilespmem:$0x1C100] =	vst v63  }
0x19: {  	_ =	swait.ge [sflag:s11], $0x5200  }
0x1a: {  	[sflag:s11] =	ssyncset.done $0x0  }
0x1b: {  	[sflag:s11] =	ssyncadd.s32 $0xFFFFAE00  }
0x1c: {  	[spmem:s13], [sflag:s12] =	dma.local [hbm:s7], $0x1400  }
0x1d: {  	_ =	swait.ge [sflag:s11], $0x1400  }
0x1e: {  	[sflag:s11] =	ssyncset.done $0x0  }
0x1f: {  	[sflag:s11] =	ssyncadd.s32 $0xFFFFEC00  }
0x20: {  	[bflag:$0x0] =	sbarrier.arrive $0xFFFF  }
0x21: {  	[tilespmem:s15], [sflag:$0x1] =	stream.indirect.gather [hbm4b:s4+s14], $0x40, s3, s14, $0xb8;
	[tilespmem:$0x1C100] =	vst v63  }
0x22: {  	s18 =	simm.s32 $0x80  }
0x23: {  	[tilespmem:s17], [sflag:$0x2] =	stream.indirect.gather [hbm4b:s4+s14], $0x40, s18, s14, $0xb8;
	[tilespmem:$0x1C100] =	vst v63  }
0x24: {  	s18 =	simm.s32 $0x100  }
0x25: {  	[tilespmem:s19], [sflag:$0x3] =	stream.indirect.gather [hbm4b:s4+s14], $0x40, s18, s14, $0xb8;
	[tilespmem:$0x1C100] =	vst v63  }
0x26: {  	_ = 	snop  }
0x27: {  	[spmem:s2] =	stream.indirect.scatter.add.f32 [tilespmem:s21], [sflag:$0x8], $0x40, s20, s14, $0xb8;
	[tilespmem:$0x1C100] =	vst v63  }
0x28: {  	_ =	swait.ge [sflag:s22], $0x1F40  }
0x29: {  	[sflag:s22] =	ssyncset.done $0x0  }
0x2a: {  	s18 =	simm.s32 $0x5200;
	[sflag:s22] =	ssyncadd.s32 $0xFFFFE0C0  }
0x2b: {  	[spmem:s2] =	stream.indirect.scatter.add.f32 [tilespmem:s15], [sflag:$0x5], $0x40, s18, s14, $0xb8;
	[tilespmem:$0x1C100] =	vst v63  }
0x2c: {  	_ =	swait.ge [sflag:s23], $0x1F40  }
0x2d: {  	[sflag:s23] =	ssyncset.done $0x0  }
0x2e: {  	s0 =	simm.s32 $0x180;
	[sflag:s23] =	ssyncadd.s32 $0xFFFFE0C0  }
0x2f: {  	[tilespmem:s21], [sflag:$0x4] =	stream.indirect.gather [hbm4b:s4+s14], $0x40, s0, s14, $0xb8;
	[tilespmem:$0x1C100] =	vst v63  }
0x30: {  	_ =	swait.ge [sflag:s24], $0x1F40  }
0x31: {  	[sflag:s24] =	ssyncset.done $0x0  }
0x32: {  	s0 =	simm.s32 $0x5280;
	[sflag:s24] =	ssyncadd.s32 $0xFFFFE0C0  }
0x33: {  	[spmem:s2] =	stream.indirect.scatter.add.f32 [tilespmem:s17], [sflag:$0x6], $0x40, s0, s14, $0xb8;
	[tilespmem:$0x1C100] =	vst v63  }
0x34: {  	_ =	swait.ge [sflag:s25], $0x1F40  }
0x35: {  	[sflag:s25] =	ssyncset.done $0x0  }
0x36: {  	s0 =	simm.s32 $0x200;
	[sflag:s25] =	ssyncadd.s32 $0xFFFFE0C0  }
0x37: {  	[tilespmem:s15], [sflag:$0x1] =	stream.indirect.gather [hbm4b:s4+s14], $0x40, s0, s14, $0xb8;
	[tilespmem:$0x1C100] =	vst v63  }
0x38: {  	_ =	swait.ge [sflag:s26], $0x1F40  }
0x39: {  	[sflag:s26] =	ssyncset.done $0x0  }
0x3a: {  	s0 =	simm.s32 $0x5300;
	[sflag:s26] =	ssyncadd.s32 $0xFFFFE0C0  }
0x3b: {  	[spmem:s2] =	stream.indirect.scatter.add.f32 [tilespmem:s19], [sflag:$0x7], $0x40, s0, s14, $0xb8;
	[tilespmem:$0x1C100] =	vst v63  }
0x3c: {  	_ =	swait.ge [sflag:s28], $0x1F40  }
0x3d: {  	[sflag:s28] =	ssyncset.done $0x0  }
0x3e: {  	s0 =	simm.s32 $0x280;
	[sflag:s28] =	ssyncadd.s32 $0xFFFFE0C0  }
0x3f: {  	[tilespmem:s17], [sflag:$0x2] =	stream.indirect.gather [hbm4b:s4+s14], $0x40, s0, s14, $0xb8;
	[tilespmem:$0x1C100] =	vst v63  }
0x40: {  	_ =	swait.ge [sflag:s29], $0x1F40  }
0x41: {  	[sflag:s29] =	ssyncset.done $0x0  }
0x42: {  	s0 =	simm.s32 $0x5380;
	[sflag:s29] =	ssyncadd.s32 $0xFFFFE0C0  }
0x43: {  	[spmem:s2] =	stream.indirect.scatter.add.f32 [tilespmem:s21], [sflag:$0x8], $0x40, s0, s14, $0xb8;
	[tilespmem:$0x1C100] =	vst v63  }
0x44: {  	_ =	swait.ge [sflag:s30], $0x1F40  }
0x45: {  	[sflag:s30] =	ssyncset.done $0x0  }
0x46: {  	s31 =	simm.s32 $0x300;
	s18 =	simm.s32 $0x800;
	[sflag:s30] =	ssyncadd.s32 $0xFFFFE0C0  }
.LBB2_2:
0x47: {  	[tilespmem:s19], [sflag:$0x3] =	stream.indirect.gather [hbm4b:s4+s14], $0x40, s31, s14, $0xb8;
	[tilespmem:$0x1C100] =	vst v63  }
0x48: {  	s31 =	smov.u32 s18  }
0x49: {  	p0 =	sne.s32 s18, $0x13800;
	s18 =	sadd.s32 $0x800, s18;
	_ =	swait.ge [sflag:s22], $0x1F40  }
0x4a: {  	s31 =	sshra.s32 s31, $0x2;
	[sflag:s22] =	ssyncset.done $0x0  }
0x4b: {  	s0 =	sadd.s32 $0x5200, s31;
	[sflag:s22] =	ssyncadd.s32 $0xFFFFE0C0  }
0x4c: {  	[spmem:s2] =	stream.indirect.scatter.add.f32 [tilespmem:s15], [sflag:$0x5], $0x40, s0, s14, $0xb8;
	[tilespmem:$0x1C100] =	vst v63  }
0x4d: {  	_ =	swait.ge [sflag:s23], $0x1F40  }
0x4e: {  	[sflag:s23] =	ssyncset.done $0x0  }
0x4f: {  	s0 =	sadd.s32 $0x180, s31;
	[sflag:s23] =	ssyncadd.s32 $0xFFFFE0C0  }
0x50: {  	[tilespmem:s21], [sflag:$0x4] =	stream.indirect.gather [hbm4b:s4+s14], $0x40, s0, s14, $0xb8;
	[tilespmem:$0x1C100] =	vst v63  }
0x51: {  	_ =	swait.ge [sflag:s24], $0x1F40  }
0x52: {  	[sflag:s24] =	ssyncset.done $0x0  }
0x53: {  	s0 =	sadd.s32 $0x5280, s31;
	[sflag:s24] =	ssyncadd.s32 $0xFFFFE0C0  }
0x54: {  	[spmem:s2] =	stream.indirect.scatter.add.f32 [tilespmem:s17], [sflag:$0x6], $0x40, s0, s14, $0xb8;
	[tilespmem:$0x1C100] =	vst v63  }
0x55: {  	_ =	swait.ge [sflag:s25], $0x1F40  }
0x56: {  	[sflag:s25] =	ssyncset.done $0x0  }
0x57: {  	s0 =	sadd.s32 $0x200, s31;
	[sflag:s25] =	ssyncadd.s32 $0xFFFFE0C0  }
0x58: {  	[tilespmem:s15], [sflag:$0x1] =	stream.indirect.gather [hbm4b:s4+s14], $0x40, s0, s14, $0xb8;
	[tilespmem:$0x1C100] =	vst v63  }
0x59: {  	_ =	swait.ge [sflag:s26], $0x1F40  }
0x5a: {  	[sflag:s26] =	ssyncset.done $0x0  }
0x5b: {  	s0 =	sadd.s32 $0x5300, s31;
	[sflag:s26] =	ssyncadd.s32 $0xFFFFE0C0  }
0x5c: {  	[spmem:s2] =	stream.indirect.scatter.add.f32 [tilespmem:s19], [sflag:$0x7], $0x40, s0, s14, $0xb8;
	[tilespmem:$0x1C100] =	vst v63  }
0x5d: {  	_ =	swait.ge [sflag:s28], $0x1F40  }
0x5e: {  	[sflag:s28] =	ssyncset.done $0x0  }
0x5f: {  	s0 =	sadd.s32 $0x280, s31;
	[sflag:s28] =	ssyncadd.s32 $0xFFFFE0C0  }
0x60: {  	[tilespmem:s17], [sflag:$0x2] =	stream.indirect.gather [hbm4b:s4+s14], $0x40, s0, s14, $0xb8;
	[tilespmem:$0x1C100] =	vst v63  }
0x61: {  	_ =	swait.ge [sflag:s29], $0x1F40  }
0x62: {  	[sflag:s29] =	ssyncset.done $0x0  }
.Ltmp0:
0x63: {  	s0 =	sadd.s32 $0x5380, s31;
	[sflag:s29] =	ssyncadd.s32 $0xFFFFE0C0;
	(pc) =	sbr.rel @p0 .LBB2_2-.Ltmp0, $4  }
0x64: {  	[spmem:s2] =	stream.indirect.scatter.add.f32 [tilespmem:s21], [sflag:$0x8], $0x40, s0, s14, $0xb8;
	[tilespmem:$0x1C100] =	vst v63  }
0x65: {  	_ =	swait.ge [sflag:s30], $0x1F40  }
0x66: {  	[sflag:s30] =	ssyncset.done $0x0  }
0x67: {  	s31 =	sadd.s32 $0x300, s31;
	[sflag:s30] =	ssyncadd.s32 $0xFFFFE0C0  }
0x68: {  	[tilespmem:s19], [sflag:$0x3] =	stream.indirect.gather [hbm4b:s4+s14], $0x40, s31, s14, $0xb8;
	[tilespmem:$0x1C100] =	vst v63  }
0x69: {  	_ =	swait.ge [sflag:s22], $0x1F40  }
0x6a: {  	[sflag:s22] =	ssyncset.done $0x0  }
0x6b: {  	s0 =	simm.s32 $0xA200;
	[sflag:s22] =	ssyncadd.s32 $0xFFFFE0C0  }
0x6c: {  	[spmem:s2] =	stream.indirect.scatter.add.f32 [tilespmem:s15], [sflag:$0x5], $0x40, s0, s14, $0xb8;
	[tilespmem:$0x1C100] =	vst v63  }
0x6d: {  	_ =	swait.ge [sflag:s23], $0x1F40  }
0x6e: {  	[sflag:s23] =	ssyncset.done $0x0  }
0x6f: {  	[sflag:s23] =	ssyncadd.s32 $0xFFFFE0C0  }
0x70: {  	[tilespmem:s21], [sflag:$0x4] =	stream.indirect.gather [hbm4b:s4+s14], $0x40, s1, s14, $0xb8;
	[tilespmem:$0x1C100] =	vst v63  }
0x71: {  	_ =	swait.ge [sflag:s24], $0x1F40  }
0x72: {  	[sflag:s24] =	ssyncset.done $0x0  }
0x73: {  	s31 =	simm.s32 $0xA280;
	[sflag:s24] =	ssyncadd.s32 $0xFFFFE0C0  }
0x74: {  	[spmem:s2] =	stream.indirect.scatter.add.f32 [tilespmem:s17], [sflag:$0x6], $0x40, s31, s14, $0xb8;
	[tilespmem:$0x1C100] =	vst v63  }
0x75: {  	_ =	swait.ge [sflag:s25], $0x1F40  }
0x76: {  	[sflag:s25] =	ssyncset.done $0x0  }
0x77: {  	[sflag:s25] =	ssyncadd.s32 $0xFFFFE0C0  }
0x78: {  	[tilespmem:s15], [sflag:$0x1] =	stream.indirect.gather [hbm4b:s4+s14], $0x40, s1, s14, $0xb8;
	[tilespmem:$0x1C100] =	vst v63  }
0x79: {  	_ =	swait.ge [sflag:s26], $0x1F40  }
0x7a: {  	[sflag:s26] =	ssyncset.done $0x0  }
0x7b: {  	[sflag:s26] =	ssyncadd.s32 $0xFFFFE0C0  }
0x7c: {  	[spmem:s2] =	stream.indirect.scatter.add.f32 [tilespmem:s19], [sflag:$0x7], $0x40, s10, s14, $0xb8;
	[tilespmem:$0x1C100] =	vst v63  }
0x7d: {  	_ =	swait.ge [sflag:s28], $0x1F40  }
0x7e: {  	[sflag:s28] =	ssyncset.done $0x0  }
0x7f: {  	[sflag:s28] =	ssyncadd.s32 $0xFFFFE0C0  }
0x80: {  	[tilespmem:s17], [sflag:$0x2] =	stream.indirect.gather [hbm4b:s4+s14], $0x40, s1, s14, $0xb8;
	[tilespmem:$0x1C100] =	vst v63  }
0x81: {  	_ =	swait.ge [sflag:s29], $0x1F40  }
0x82: {  	[sflag:s29] =	ssyncset.done $0x0  }
0x83: {  	[sflag:s29] =	ssyncadd.s32 $0xFFFFE0C0  }
0x84: {  	[spmem:s2] =	stream.indirect.scatter.add.f32 [tilespmem:s21], [sflag:$0x8], $0x40, s20, s14, $0xb8;
	[tilespmem:$0x1C100] =	vst v63  }
0x85: {  	_ =	swait.ge [sflag:s30], $0x1F40  }
0x86: {  	[sflag:s30] =	ssyncset.done $0x0  }
0x87: {  	[sflag:s30] =	ssyncadd.s32 $0xFFFFE0C0  }
0x88: {  	[tilespmem:s19], [sflag:$0x3] =	stream.indirect.gather [hbm4b:s4+s14], $0x40, s1, s14, $0xb8;
	[tilespmem:$0x1C100] =	vst v63  }
0x89: {  	_ =	swait.ge [sflag:s22], $0x1F40  }
0x8a: {  	[sflag:s22] =	ssyncset.done $0x0  }
0x8b: {  	[sflag:s22] =	ssyncadd.s32 $0xFFFFE0C0  }
0x8c: {  	_ =	swait.ge [sflag:s24], $0x1F40  }
0x8d: {  	[sflag:s24] =	ssyncset.done $0x0  }
0x8e: {  	[sflag:s24] =	ssyncadd.s32 $0xFFFFE0C0  }
0x8f: {  	_ =	swait.ge [sflag:s26], $0x1F40  }
0x90: {  	[sflag:s26] =	ssyncset.done $0x0  }
0x91: {  	[sflag:s26] =	ssyncadd.s32 $0xFFFFE0C0  }
0x92: {  	_ =	swait.ge [sflag:s23], $0x1F40  }
0x93: {  	s16 =	sadd.s32 $0x1, s16;
	[sflag:s23] =	ssyncset.done $0x0  }
0x94: {  	p0 =	sne.s32 s16, s9;
	[sflag:s23] =	ssyncadd.s32 $0xFFFFE0C0  }
.Ltmp1:
0x95: {  	[bflag:$0x0] =	sbarrier.arrive $0xFFFF;
	(pc) =	sbr.rel @p0 .LBB2_1-.Ltmp1, $4  }
0x96: {  	[hbm:s8], [sflag:s12] =	dma.local [spmem:s13], $0x1400  }
0x97: {  	_ =	swait.ge [sflag:s11], $0x1400  }
0x98: {  	[sflag:s11] =	ssyncset.done $0x0  }
0x99: {  	[sflag:s11] =	ssyncadd.s32 $0xFFFFEC00  }
0x9a: {  	_ =	sfence.sel $0x180000  }
0x9b: {  	[bflag:$0x0] =	sbarrier.arrive $0xFFFF  }
0x9c: {  	_ =	strace $0x9000004D  }
0x9d: {  	s0 =	stileid.u32;
	[bflag:$0x2] =	sbarrier.arrive $0xFFFF  }
0x9e: {  	p0 =	sne.s32 s0, $0x0;
	s0 =	rddreg [dreg:$0x2]  }
0x9f: {  	s0 =	sadd.s32 @!p0 $0x100000, s0  }
0xa0: {  	[sflag:s0] =	ssyncadd.tile.s32 @!p0 $0x1;
	_ =	shalt  }
.Lfunc_end2:
_tile_overlayer_lowered:
.L_overlay_start_2:
0xa1: {  	(tag) =	ssettag $0x2  }
0xa2: {  	s0 =	rddreg [dreg:$0x0];
	s2 =	stileid.u32  }
0xa3: {  	s1 =	rddreg [dreg:$0x1];
	p0 =	sne.s32 s2, $0x0  }
0xa4: {  	s3 =	rddreg [dreg:$0x2];
	[bflag:$0x3] =	sbarrier.arrive $0xFFFF;
	s2 =	simm.s32 @!p0 $0x1C09  }
0xa5: {  	[timem:s3], [sflag:s2] =	dma.local @!p0 [hbm:s0], s1  }
0xa6: {  	s0 =	simm.s32 @!p0 $0x9  }
0xa7: {  	_ =	swait.ge @!p0 [sflag:s0], s1  }
0xa8: {  	s1 =	ssub.s32 @!p0 $0x0, s1;
	[sflag:s0] =	ssyncset.done @!p0 $0x0  }
0xa9: {  	[sflag:s0] =	ssyncadd.s32 @!p0 s1  }
0xaa: {  	[bflag:$0x3] =	sbarrier.arrive $0xFFFF  }
0xab: {  	_ =	shalt  }

// kernel: kernel.8.cloned.1.call-start
scs
__scs_entry_jumppad:
0x0: {  	(pc) =	sbr.rel $0x88, $3  }
0x1: {  	(tag) =	ssettag $0x0;
	lr =	simm.s32 $0x1  }
0x2: {  	[smem:$0x3F9A] =	sst lr;
	_ =	strace $0xD0000000  }
0x3: {  	_ = 	snop  }
0x4: {  	_ = 	snop  }
0x5: {  	_ = 	snop  }
0x6: {  	_ = 	snop  }
0x7: {  	_ = 	snop  }
__scs_overlays_trampoline_lowered:
0x8: {  	[smem:$0x3FA9] =	sst s0  }
0x9: {  	[smem:$0x3FAA] =	sst s1  }
0xa: {  	[smem:$0x3FAB] =	sst s2  }
0xb: {  	[smem:$0x3FAC] =	sst s3  }
0xc: {  	[smem:$0x3FAD] =	sst s4  }
0xd: {  	[smem:$0x3FAE] =	sst s5  }
0xe: {  	[smem:$0x3FAF] =	sst s6  }
0xf: {  	[smem:$0x3FB0] =	sst s7  }
0x10: {  	[smem:$0x3FB1] =	sst s8  }
0x11: {  	[smem:$0x3FB2] =	sst s9;
	s0 =	simm.s32 @!p0 $0x0  }
0x12: {  	s1 =	sld [smem:$0x3F98];
	s0 =	simm.s32 @p0 $0x1  }
0x13: {  	[smem:$0x3FB3] =	sst s0;
	s0 =	simm.s32 @!p1 $0x0  }
0x14: {  	s2 =	sld [smem:$0x3F97];
	s0 =	simm.s32 @p1 $0x1  }
0x15: {  	[smem:$0x3FB4] =	sst s0;
	s0 =	simm.s32 @!p2 $0x0  }
0x16: {  	s3 =	sld [smem:$0x3FDB];
	s0 =	simm.s32 @p2 $0x1  }
0x17: {  	s4 =	simm.s32 $0x1BF5;
	[smem:$0x3FB6] =	sst s0  }
0x18: {  	s0 =	sld [smem:$0x3F99];
	_ =	swait.ge [sflag:s4], $0x0  }
0x19: {  	s7 =	sld [smem:$0x3F9A]  }
0x1a: {  	s8 =	sadd.s32 $0xFFFFE003, lr  }
0x1b: {  	s9 =	sadd.s32 $0xFFFFFEF7, lr;
	s5 =	simm.s32 $0xFFFFFFFF;
	p2 =	slt.u32 s8, $0xFFFFF086  }
0x1c: {  	p1 =	slt.u32 s9, $0xF7A;
	s5 =	simm.s32 @!p2 $0x0  }
0x1d: {  	s5 =	simm.s32 @p1 $0x1;
	p0 =	seq.s32 s7, s2  }
0x1e: {  	s7 =	smul.u32 @!p0 $0xF7A, s2;
	p2 =	seq.s32 @!p0 s5, $0x0  }
0x1f: {  	s9 =	smul.u32 $0xF7A, s1;
	s8 =	simm.s32 @!p0 $0x1BF5;
	p2 =	por !p2, p0  }
0x20: {  	[sflag:s8] =	ssyncset.s32 @!p0 $0xFFFFF086;
	s6 =	sadd.s32 @!p0 s3, s7;
	s7 =	simm.s32 @!p0 $0x108  }
0x21: {  	s3 =	sadd.s32 s3, s9;
	s6 =	sadd.s32 @!p0 $0x88, s6;
	s7 =	simm.s32 @p2 $0x1082  }
0x22: {  	[simem:s7], [sflag:s8] =	dma.local @!p0 [hbm:s6], $0xF7A  }
0x23: {  	s9 =	sor.u32 $0xD0000000, s2;
	s6 =	simm.s32 $0x108;
	_ =	swait.ge @!p0 [sflag:s8], $0x0  }
0x24: {  	s3 =	sadd.s32 $0x88, s3;
	s6 =	simm.s32 @!p1 $0x1082;
	[sflag:s4] =	ssyncset.s32 $0xFFFFF086  }
0x25: {  	[simem:s6], [sflag:s4] =	dma.local [hbm:s3], $0xF7A  }
0x26: {  	[smem:$0x3F9A] =	sst s1;
	(tag) =	ssettag s2;
	_ =	strace s9  }
0x27: {  	s1 =	sld [smem:$0x3FAA]  }
0x28: {  	s2 =	sld [smem:$0x3FAB]  }
0x29: {  	s4 =	sld [smem:$0x3FAD]  }
0x2a: {  	p0 =	seq.s32 s5, $0x0;
	s5 =	sld [smem:$0x3FAE]  }
0x2b: {  	s6 =	sld [smem:$0x3FAF]  }
0x2c: {  	s7 =	sld [smem:$0x3FB0]  }
0x2d: {  	s3 =	simm.s32 $0x108;
	s8 =	sld [smem:$0x3FB1]  }
0x2e: {  	s3 =	simm.s32 @!p0 $0x1082;
	s9 =	sld [smem:$0x3FB2]  }
0x2f: {  	lr =	sadd.s32 s0, s3;
	s0 =	sld [smem:$0x3FA9]  }
0x30: {  	s3 =	sld [smem:$0x3FAC]  }
0x31: {  	[smem:$0x3FB5] =	sst s10  }
0x32: {  	s10 =	sld [smem:$0x3FB3];
	_ =	sdelay $0x3  }
0x33: {  	p0 =	seq.s32 s10, $0x1;
	s10 =	sld [smem:$0x3FB5];
	_ =	sdelay $0x3  }
0x34: {  	[smem:$0x3FB5] =	sst s10  }
0x35: {  	s10 =	sld [smem:$0x3FB4];
	_ =	sdelay $0x3  }
0x36: {  	p1 =	seq.s32 s10, $0x1;
	s10 =	sld [smem:$0x3FB5];
	_ =	sdelay $0x3  }
0x37: {  	[smem:$0x3FB5] =	sst s10  }
0x38: {  	s10 =	sld [smem:$0x3FB6]  }
0x39: {  	_ = 	snop;
	(pc) =	sbr.ind lr, $3  }
0x3a: {  	_ = 	snop  }
0x3b: {  	_ = 	snop  }
0x3c: {  	p2 =	seq.s32 s10, $0x1;
	s10 =	sld [smem:$0x3FB5]  }
0x3d: {  	_ =	shalt  }
0x3e: {  	_ =	shalt  }
0x3f: {  	_ =	shalt  }
0x40: {  	_ =	shalt  }
0x41: {  	_ =	shalt  }
0x42: {  	_ =	shalt  }
0x43: {  	_ =	shalt  }
0x44: {  	_ =	shalt  }
0x45: {  	_ =	shalt  }
0x46: {  	_ =	shalt  }
0x47: {  	_ =	shalt  }
0x48: {  	_ =	shalt  }
0x49: {  	_ =	shalt  }
0x4a: {  	_ =	shalt  }
0x4b: {  	_ =	shalt  }
0x4c: {  	_ =	shalt  }
0x4d: {  	_ =	shalt  }
0x4e: {  	_ =	shalt  }
0x4f: {  	_ =	shalt  }
0x50: {  	_ =	shalt  }
0x51: {  	_ =	shalt  }
0x52: {  	_ =	shalt  }
0x53: {  	_ =	shalt  }
0x54: {  	_ =	shalt  }
0x55: {  	_ =	shalt  }
0x56: {  	_ =	shalt  }
0x57: {  	_ =	shalt  }
0x58: {  	_ =	shalt  }
0x59: {  	_ =	shalt  }
0x5a: {  	_ =	shalt  }
0x5b: {  	_ =	shalt  }
0x5c: {  	_ =	shalt  }
0x5d: {  	_ =	shalt  }
0x5e: {  	_ =	shalt  }
0x5f: {  	_ =	shalt  }
0x60: {  	_ =	shalt  }
0x61: {  	_ =	shalt  }
0x62: {  	_ =	shalt  }
0x63: {  	_ =	shalt  }
0x64: {  	_ =	shalt  }
0x65: {  	_ =	shalt  }
0x66: {  	_ =	shalt  }
0x67: {  	_ =	shalt  }
0x68: {  	_ =	shalt  }
0x69: {  	_ =	shalt  }
0x6a: {  	_ =	shalt  }
0x6b: {  	_ =	shalt  }
0x6c: {  	_ =	shalt  }
0x6d: {  	_ =	shalt  }
0x6e: {  	_ =	shalt  }
0x6f: {  	_ =	shalt  }
0x70: {  	_ =	shalt  }
0x71: {  	_ =	shalt  }
0x72: {  	_ =	shalt  }
0x73: {  	_ =	shalt  }
0x74: {  	_ =	shalt  }
0x75: {  	_ =	shalt  }
0x76: {  	_ =	shalt  }
0x77: {  	_ =	shalt  }
0x78: {  	_ =	shalt  }
0x79: {  	_ =	shalt  }
0x7a: {  	_ =	shalt  }
0x7b: {  	_ =	shalt  }
0x7c: {  	_ =	shalt  }
0x7d: {  	_ =	shalt  }
0x7e: {  	_ =	shalt  }
0x7f: {  	_ =	shalt  }
0x80: {  	_ =	shalt  }
0x81: {  	_ =	shalt  }
0x82: {  	_ =	shalt  }
0x83: {  	_ =	shalt  }
0x84: {  	_ =	shalt  }
0x85: {  	_ =	shalt  }
0x86: {  	_ =	shalt  }
0x87: {  	_ =	shalt  }
.Lfunc_end0:
.L_simem_size_0:
called_computation_lowered:
.L_overlay_start_0:
0x88: {  	s2 =	sld [smem:$0x3FD9]  }
0x89: {  	s3 =	sld [smem:$0x3FFE];
	_ =	sdelay $0x1  }
0x8a: {  	s1 =	srdreg.scid  }
0x8b: {  	s0 =	sand.u32 $0x1, s1  }
0x8c: {  	s17 =	sshll.u32 s0, $0xA;
	s2 =	sadd.s32 s3, s2  }
0x8d: {  	s2 =	sadd.s32 s2, s17  }
0x8e: {  	[smem:$0x3FC1] =	sst s2  }
0x8f: {  	_ = 	snop  }
0x90: {  	s2 =	sld [smem:$0x3FD0];
	(tm) =	ssettm $0x1  }
0x91: {  	s18 =	sld [smem:$0x3FFB];
	_ =	sdelay $0x3  }
0x92: {  	_ =	strace s18  }
0x93: {  	s3 =	sld [smem:$0x3FFC];
	_ =	sdelay $0x3  }
0x94: {  	_ =	strace s3  }
0x95: {  	s3 =	sld [smem:$0x3FFD];
	_ =	sdelay $0x3  }
0x96: {  	_ =	strace s3  }
0x97: {  	_ =	strace $0x8FFFFFFF  }
0x98: {  	s19 =	sld [smem:$0x3FDB];
	_ =	sdelay $0x1  }
0x99: {  	s4 =	simm.s32 $_scs_section_size  }
0x9a: {  	s5 =	simm.s32 $_size__tile_overlayer_lowered;
	s6 =	simm.s32 $_tile_overlayer_lowered  }
0x9b: {  	s22 =	simm.s32 $0x1BFF;
	s21 =	sshll.u32 s6, $0x1;
	s3 =	sadd.s32 s4, s19  }
0x9c: {  	s7 =	simm.s32 $0x0;
	s20 =	sshll.u32 s5, $0x1;
	s5 =	sadd.s32 s21, s3  }
0x9d: {  	[timem:s7], [sflag:s22] =	dma.local [hbm:s5], s20  }
0x9e: {  	_ =	swait.ge [sflag:s22], s20  }
0x9f: {  	s4 =	ssub.s32 $0x0, s20;
	[sflag:s22] =	ssyncset.done $0x0  }
0xa0: {  	[sflag:s22] =	ssyncadd.s32 s4;
	_ =	sdelay $0x1  }
0xa1: {  	s23 =	simm.s32 $0x1B8B  }
0xa2: {  	_ =	swait.ge [sflag:s23], $0x1  }
0xa3: {  	[sflag:s23] =	ssyncset.done $0x0  }
0xa4: {  	s25 =	simm.s32 $0x1B8E;
	s24 =	sld [smem:$0x3FFE];
	[sflag:s23] =	ssyncadd.s32 $0xFFFFFFFF  }
0xa5: {  	s26 =	simm.s32 $execute0_lowered;
	[smem:$0x3FD2] =	sst s25  }
0xa6: {  	s5 =	sshll.u32 s26, $0x1;
	_ =	strace $0x80000046;
	[dreg:$0x1] =	wrdreg $0xFFFFFFFF  }
0xa7: {  	s28 =	simm.s32 $_size_execute0_lowered;
	s3 =	sadd.s32 s3, s5;
	[dreg:$0x0] =	wrdreg $0x0  }
0xa8: {  	s5 =	sshll.u32 s28, $0x1;
	[dreg:$0x2] =	wrdreg s3  }
0xa9: {  	[dreg:$0x3] =	wrdreg s5  }
0xaa: {  	[dreg:$0x4] =	wrdreg $0xC0  }
0xab: {  	_ =	task [dreg:s7], $0x5FFFF  }
0xac: {  	[dreg:$0x1] =	wrdreg $0xFFFFFFFF  }
0xad: {  	[dreg:$0x0] =	wrdreg $0x60  }
0xae: {  	[dreg:$0x2] =	wrdreg s2  }
0xaf: {  	[dreg:$0x3] =	wrdreg s24  }
0xb0: {  	[dreg:$0x4] =	wrdreg $0x40800  }
0xb1: {  	[dreg:$0x5] =	wrdreg $0x9  }
0xb2: {  	_ =	task.clear_ibuf [dreg:s7], $0x6FFFF;
	_ =	strace $0x90000046  }
0xb3: {  	s29 =	simm.s32 $0x9;
	_ =	strace $0x80000048  }
0xb4: {  	_ =	swait.ge [sflag:s29], $0x1  }
0xb5: {  	[sflag:s29] =	ssyncadd.s32 $0xFFFFFFFF  }
0xb6: {  	_ =	strace $0x90000048  }
0xb7: {  	_ =	sfence  }
0xb8: {  	s30 =	sld [smem:$0x0];
	_ =	sdelay $0x2  }
0xb9: {  	s31 =	sshll.u32 s1, $0xD;
	s1 =	sshrl.u32 s1, $0x2  }
0xba: {  	s3 =	sand.u32 $0x4000, s31;
	s1 =	sadd.s32 s1, s30  }
0xbb: {  	s0 =	sor.u32 s3, s0;
	s1 =	sshll.u32 s1, $0x11  }
0xbc: {  	s0 =	sor.u32 s1, s0  }
0xbd: {  	s0 =	sadd.s32 $0x8F2B, s0  }
0xbe: {  	[sflag:s0] =	ssyncadd.remote.s32 $0x1  }
0xbf: {  	_ =	sfence.sel $0xFFFF  }
0xc0: {  	[dreg:$0x0] =	wrdreg $0xFFFFFFFF;
	(pc) =	sbr.abs _section_cstart, $3  }
0xc1: {  	[dreg:$0x1] =	wrdreg $0xFFFFFFFF  }
0xc2: {  	_ =	task.clear_ibuf [dreg:s7], $0x2FFFF;
	_ =	strace $0x9FFFFFFF  }
0xc3: {  	(tm) =	ssettm $0x7FFFFFFF  }
tec
execute0_lowered:
.L_overlay_start_1:
0x0: {  	(tag) =	ssettag $0x1  }
0x1: {  	s4 =	rddreg [dreg:$0x0]  }
0x2: {  	s5 =	rddreg [dreg:$0x1];
	s0 =	stileid.u32  }
0x3: {  	s1 =	srdreg.scid;
	s2 =	rddreg [dreg:$0x2]  }
0x4: {  	s3 =	simm.s32 $0x0;
	s12 =	simm.s32 $0x4000;
	s13 =	simm.s32 $0x0  }
0x5: {  	s6 =	smul.u32 $0x280, s0;
	s7 =	sand.u32 $0x1, s1;
	s1 =	rddreg [dreg:$0x3]  }
0x6: {  	[smem:$0x7FF] =	sst s3;
	s11 =	sshll.u32 s0, $0xB;
	s31 =	sshll.u32 s0, $0x6  }
0x7: {  	s8 =	smul.u32 $0x2800, s7;
	_ =	strace $0x80000047;
	s10 =	ssub.s32 $0x2, s7  }
0x8: {  	s29 =	sshll.u32 s7, $0xF;
	s4 =	sadd.s32 s4, s11;
	s11 =	simm.s32 $0x50  }
0x9: {  	s9 =	sshrl.u32 s6, $0x3;
	s28 =	sshrl.u32 s10, $0x1;
	s4 =	sadd.s32 s29, s4  }
0xa: {  	s30 =	sadd.s32 s6, s2;
	s8 =	sadd.s32 s6, s8;
	s10 =	ssub.s32 s10, s28  }
0xb: {  	s9 =	sadd.s32 s9, s5;
	s8 =	sshrl.u32 s8, $0x3;
	s7 =	smax.u32 s10, $0x1  }
0xc: {  	s10 =	sshrl.u32 s30, $0x3;
	s8 =	sadd.s32 s8, s5;
	s5 =	sadd.s32 $0x1600, s9  }
0xd: {  	v0 =	vimm.f32 $1.000000000e+00;
	s9 =	sor.u32 $0x1C01, s31;
	s6 =	sadd.s32 $0x1C00, s8;
	s8 =	simm.s32 $0x1  }
.LBB2_1:
0xe: {  	[tilespmem:s3], [sflag:$0x1] =	stream.linear.gather [hbm4b:s4+s3], $0x3E80, $0x38;
	[tilespmem:$0x4300] =	vst v63  }
0xf: {  	_ =	swait.ge [sflag:s8], $0x3E80  }
0x10: {  	[sflag:s8] =	ssyncset.done $0x0  }
0x11: {  	[sflag:s8] =	ssyncadd.s32 $0xFFFFC180  }
0x12: {  	[spmem:s10], [sflag:s9] =	dma.local [hbm:s5], $0x50  }
0x13: {  	_ =	swait.ge [sflag:s8], $0x50  }
0x14: {  	[sflag:s8] =	ssyncset.done $0x0  }
0x15: {  	[sflag:s8] =	ssyncadd.s32 $0xFFFFFFB0  }
0x16: {  	[tilespmem:$0x4000] =	vst v0  }
0x17: {  	[tilespmem:$0x4010] =	vst v0  }
0x18: {  	[tilespmem:$0x4020] =	vst v0  }
0x19: {  	[tilespmem:$0x4030] =	vst v0  }
0x1a: {  	[tilespmem:$0x4040] =	vst v0  }
0x1b: {  	s14 =	simm.s32 $0x0;
	[bflag:$0x0] =	sbarrier.arrive $0xFFFF  }
0x1c: {  	[spmem:s2] =	stream.indirect.scatter.add.f32 [tilespmem:s12], [sflag:$0x1], $0x1, s14, s11, $0xb8;
	[tilespmem:$0x4300] =	vst v63  }
0x1d: {  	_ =	swait.ge [sflag:s8], $0x50  }
0x1e: {  	s14 =	simm.s32 $0x200;
	[sflag:s8] =	ssyncset.done $0x0  }
.LBB2_2:
0x1f: {  	s15 =	sshra.s32 s14, $0x2;
	[sflag:s8] =	ssyncadd.s32 $0xFFFFFFB0;
	p0 =	sne.s32 s14, $0xF800  }
0x20: {  	[spmem:s2] =	stream.indirect.scatter.add.f32 [tilespmem:s12], [sflag:$0x1], $0x1, s15, s11, $0xb8;
	[tilespmem:$0x4300] =	vst v63  }
.Ltmp0:
0x21: {  	_ = 	snop;
	(pc) =	sbr.rel @p0 .LBB2_2-.Ltmp0, $4  }
0x22: {  	_ = 	snop  }
0x23: {  	s14 =	sadd.s32 $0x200, s14  }
0x24: {  	_ =	swait.ge [sflag:s8], $0x50  }
0x25: {  	[sflag:s8] =	ssyncset.done $0x0  }
0x26: {  	s13 =	sadd.s32 $0x1, s13  }
0x27: {  	[sflag:s8] =	ssyncadd.s32 $0xFFFFFFB0;
	p0 =	sne.s32 s13, s7  }
.Ltmp1:
0x28: {  	[bflag:$0x0] =	sbarrier.arrive $0xFFFF;
	(pc) =	sbr.rel @p0 .LBB2_1-.Ltmp1, $4  }
0x29: {  	[hbm:s6], [sflag:s9] =	dma.local [spmem:s10], $0x50  }
0x2a: {  	_ =	swait.ge [sflag:s8], $0x50  }
0x2b: {  	[sflag:s8] =	ssyncset.done $0x0  }
0x2c: {  	[sflag:s8] =	ssyncadd.s32 $0xFFFFFFB0  }
0x2d: {  	_ =	sfence.sel $0x180000  }
0x2e: {  	[bflag:$0x0] =	sbarrier.arrive $0xFFFF  }
0x2f: {  	p0 =	sne.s32 s0, $0x0;
	_ =	strace $0x90000047  }
0x30: {  	s0 =	sadd.s32 @!p0 $0x100000, s1;
	[bflag:$0x2] =	sbarrier.arrive $0xFFFF  }
0x31: {  	[sflag:s0] =	ssyncadd.tile.s32 @!p0 $0x1;
	_ =	shalt  }
.Lfunc_end2:
_tile_overlayer_lowered:
.L_overlay_start_2:
0x32: {  	(tag) =	ssettag $0x2  }
0x33: {  	s0 =	rddreg [dreg:$0x0];
	s2 =	stileid.u32  }
0x34: {  	s1 =	rddreg [dreg:$0x1];
	p0 =	sne.s32 s2, $0x0  }
0x35: {  	s3 =	rddreg [dreg:$0x2];
	[bflag:$0x3] =	sbarrier.arrive $0xFFFF;
	s2 =	simm.s32 @!p0 $0x1C01  }
0x36: {  	[timem:s3], [sflag:s2] =	dma.local @!p0 [hbm:s0], s1  }
0x37: {  	s0 =	simm.s32 @!p0 $0x1  }
0x38: {  	_ =	swait.ge @!p0 [sflag:s0], s1  }
0x39: {  	s1 =	ssub.s32 @!p0 $0x0, s1;
	[sflag:s0] =	ssyncset.done @!p0 $0x0  }
0x3a: {  	[sflag:s0] =	ssyncadd.s32 @!p0 s1  }
0x3b: {  	[bflag:$0x3] =	sbarrier.arrive $0xFFFF  }
0x3c: {  	_ =	shalt  }

</sc_bundles>
